<compile_context>
chip_gen: v7x
topology: tpu7x:2x2x1
jax: 0.10.2.dev20260603
libtpu: 0.0.44.dev20260713+nightly
codegen_flags: <defaults>
</compile_context>

<pallas_src>
import functools

import jax
import jax.numpy as jnp
from jax.experimental import pallas as pl
from jax.experimental.pallas import tpu as pltpu
from jax.experimental.pallas import tpu_sc as plsc

D = 128
H = 6
NA = 384
NL = 640
B = 8
NA_PER = 48
NL_PER = 80
N = NA + NL
NPS = NA_PER + NL_PER
E = B * NPS

PH = jax.lax.Precision.DEFAULT

_SC_INFO = plsc.get_sparse_core_info()
NC = 1
NS = _SC_INFO.num_subcores
NW = NC * NS
RPW = E // NW
_SC_MESH = plsc.VectorSubcoreMesh(
    core_axis_name="c", subcore_axis_name="s", num_cores=NC)


def _sc_gather_body(table_hbm, idx_hbm, out_hbm, idx_v, rows_v, sem):
    wid = jax.lax.axis_index("s") * NC + jax.lax.axis_index("c")
    base = wid * RPW
    pltpu.sync_copy(idx_hbm.at[pl.ds(base, RPW)], idx_v)
    pltpu.async_copy(table_hbm.at[idx_v], rows_v, sem).wait()
    pltpu.sync_copy(rows_v, out_hbm.at[pl.ds(base, RPW)])


_sc_gather = functools.partial(
    pl.kernel,
    mesh=_SC_MESH,
    out_type=jax.ShapeDtypeStruct((E, D), jnp.float32),
    scratch_types=[
        pltpu.VMEM((RPW,), jnp.int32),
        pltpu.VMEM((RPW, D), jnp.float32),
        pltpu.SemaphoreType.DMA,
    ],
)(_sc_gather_body)


def _dot(a, b):
    return jax.lax.dot(a, b, precision=PH)


def _encoder_body(nodes_ref, g_ref, ids_ref, Wqkv_ref, bqkv_ref,
                  Wo1_ref, bo1_ref, Wo2_ref, W1_ref,
                  gamma_ref, beta_ref, W2_ref,
                  a_out_ref, l_out_ref,
                  logits_scr):
    f32 = jnp.float32
    nodes = nodes_ref[:]
    scale = D ** (-0.5)

    iota_r = jax.lax.broadcasted_iota(jnp.int32, (NPS, N), 1)
    iota_c = jax.lax.broadcasted_iota(jnp.int32, (N, NPS), 0)
    P_all = jnp.concatenate(
        [(ids_ref[b, :][:, None] == iota_r).astype(f32) for b in range(B)],
        axis=0)
    Pt_all = jnp.concatenate(
        [(iota_c == ids_ref[b, :][None, :]).astype(f32) for b in range(B)],
        axis=1)

    QKV = _dot(g_ref[:], Wqkv_ref[:]) + bqkv_ref[:]
    Qa = QKV[:, 0:H * D]
    Ka = QKV[:, H * D:2 * H * D]
    Va = jax.nn.relu(QKV[:, 2 * H * D:3 * H * D])

    M = jnp.float32(-jnp.inf)
    for b in range(B):
        rows = slice(b * NPS, (b + 1) * NPS)
        for h in range(H):
            sl = slice(h * D, (h + 1) * D)
            lg = jax.lax.dot_general(
                Qa[rows, sl], Ka[rows, sl],
                (((1,), (1,)), ((), ())), precision=PH) * scale
            logits_scr[b, h] = lg
            M = jnp.maximum(M, jnp.max(lg))

    so_rows = []
    for b in range(B):
        rows = slice(b * NPS, (b + 1) * NPS)
        s_cols = []
        o_cols = []
        for h in range(H):
            sl = slice(h * D, (h + 1) * D)
            att = jnp.exp(logits_scr[b, h] - M)
            s_cols.append(jnp.sum(att, axis=1)[:, None])
            o_cols.append(_dot(att, Va[rows, sl]))
        s_cols.append(jnp.zeros((NPS, D - H), f32))
        so_rows.append(jnp.concatenate(s_cols + o_cols, axis=1))
    SO = jnp.concatenate(so_rows, axis=0)

    R = _dot(Pt_all, SO)
    att_sum = R[:, 0:D]
    denom = jnp.maximum(att_sum, jnp.float32(1e-30))
    o_cols = [R[:, D + h * D:D + (h + 1) * D] / denom[:, h:h + 1]
              for h in range(H)]
    O = jnp.concatenate(o_cols, axis=1)

    out = _dot(jax.nn.relu(_dot(O, Wo1_ref[:]) + bo1_ref[:]), Wo2_ref[:])
    x = _dot(nodes, W1_ref[:]) + out
    mu = jnp.mean(x, axis=-1, keepdims=True)
    var = jnp.mean((x - mu) * (x - mu), axis=-1, keepdims=True)
    x = (x - mu) * jax.lax.rsqrt(var + 1e-5) * gamma_ref[:] + beta_ref[:]
    x = jax.nn.relu(x)
    x = _dot(x, W2_ref[:])

    ii = jax.lax.broadcasted_iota(jnp.int32, (D, D), 0)
    jj = jax.lax.broadcasted_iota(jnp.int32, (D, D), 1)
    eye = (ii == jj).astype(f32)
    y = _dot(jnp.concatenate([x, nodes], axis=1),
             jnp.concatenate([eye, eye], axis=0))

    ysel = jnp.maximum(_dot(P_all, y), 0.0)
    for b in range(B):
        a_out_ref[b * NA_PER:(b + 1) * NA_PER, :] = \
            ysel[b * NPS:b * NPS + NA_PER, :]
        l_out_ref[b * NL_PER:(b + 1) * NL_PER, :] = \
            ysel[b * NPS + NA_PER:(b + 1) * NPS, :]


@jax.jit
def kernel(agents, agent_ids, lanes, lane_ids, Wq, bq, Wk, bk, Wv, bv,
           Wo1, bo1, Wo2, W1, gamma, beta, W2):
    nodes = jnp.concatenate([agents, lanes], axis=0)
    ids_all = jnp.concatenate(
        [agent_ids, lane_ids + NA], axis=1).astype(jnp.int32)
    Wqkv = jnp.concatenate([Wq, Wk, Wv], axis=1)
    bqkv = jnp.concatenate([bq, bk, bv]).reshape(1, -1)

    G = _sc_gather(nodes, ids_all.reshape(-1))

    out = pl.pallas_call(
        _encoder_body,
        out_shape=[
            jax.ShapeDtypeStruct((B * NA_PER, D), jnp.float32),
            jax.ShapeDtypeStruct((B * NL_PER, D), jnp.float32),
        ],
        scratch_shapes=[pltpu.VMEM((B, H, NPS, NPS), jnp.float32)],
    )(nodes, G, ids_all, Wqkv, bqkv,
      Wo1, bo1.reshape(1, -1), Wo2, W1,
      gamma.reshape(1, -1), beta.reshape(1, -1), W2)
    return (out[0], out[1])

# --- scband reference (transcript-rebuilt; emitter-appended) ---
"""Pipeline reference for scband-interaction-encoder-12953621365121 (READ-ONLY COPY).

The authoritative reference and input builder live on the scoring server;
editing this copy changes nothing except your own understanding.
"""

import jax, jax.numpy as jnp
import numpy as np

D = 128
H = 6
NA = 384
NL = 640
B = 8
NA_PER = 48
NL_PER = 80

def setup_inputs(seed: int = 0):
    key = jax.random.key(seed)
    ks = jax.random.split(key, 20)
    s = 1.0 / np.sqrt(D)
    sh = 1.0 / np.sqrt(H * D)
    return {
        'agents': jax.random.normal(ks[0], (NA, D), jnp.float32),
        'agent_ids': jax.random.randint(ks[1], (B, NA_PER), 0, NA),
        'lanes': jax.random.normal(ks[2], (NL, D), jnp.float32),
        'lane_ids': jax.random.randint(ks[3], (B, NL_PER), 0, NL),
        'Wq': jax.random.normal(ks[4], (D, H * D), jnp.float32) * s,
        'bq': jax.random.normal(ks[5], (H * D,), jnp.float32) * 0.01,
        'Wk': jax.random.normal(ks[6], (D, H * D), jnp.float32) * s,
        'bk': jax.random.normal(ks[7], (H * D,), jnp.float32) * 0.01,
        'Wv': jax.random.normal(ks[8], (D, H * D), jnp.float32) * s,
        'bv': jax.random.normal(ks[9], (H * D,), jnp.float32) * 0.01,
        'Wo1': jax.random.normal(ks[10], (H * D, D), jnp.float32) * sh,
        'bo1': jax.random.normal(ks[11], (D,), jnp.float32) * 0.01,
        'Wo2': jax.random.normal(ks[12], (D, D), jnp.float32) * s,
        'W1': jax.random.normal(ks[13], (D, D), jnp.float32) * s,
        'gamma': jnp.ones((D,), jnp.float32),
        'beta': jnp.zeros((D,), jnp.float32),
        'W2': jax.random.normal(ks[14], (D, D), jnp.float32) * s,
    }

def reference(agents, agent_ids, lanes, lane_ids, Wq, bq, Wk, bk, Wv, bv, Wo1, bo1, Wo2, W1, gamma, beta, W2):
    Na = agents.shape[0]
    nodes = jnp.concatenate([agents, lanes], axis=0)
    res = nodes
    N, d = nodes.shape
    h = H
    scale = d ** (-0.5)
    ids_all = jnp.concatenate([agent_ids, lane_ids + Na], axis=1)
    n = ids_all.shape[1]
    hi = jnp.repeat(ids_all, n, axis=1).reshape(-1)
    wi = jnp.tile(ids_all, (1, n)).reshape(-1)
    E = hi.shape[0]
    q = (nodes[hi] @ Wq + bq).reshape(E, h, d)
    k = (nodes[wi] @ Wk + bk).reshape(E, h, d)
    v = jax.nn.relu(nodes[wi] @ Wv + bv).reshape(E, h, d)
    att = jnp.sum(q * k, axis=-1) * scale
    att = jnp.exp(att - att.max())
    att_sum = jnp.zeros((N, h), att.dtype).at[hi].add(att)
    att = att / att_sum[hi]
    out = jnp.zeros((N, h, d), nodes.dtype).at[hi].add(att[:, :, None] * v)
    out = out.reshape(N, h * d)
    out = jax.nn.relu(out @ Wo1 + bo1) @ Wo2
    x = nodes @ W1 + out
    mu = jnp.mean(x, axis=-1, keepdims=True)
    var = jnp.var(x, axis=-1, keepdims=True)
    x = (x - mu) / jnp.sqrt(var + 1e-5) * gamma + beta
    x = jax.nn.relu(x)
    x = x @ W2
    x = jax.nn.relu(x + res)
    a_out = x[agent_ids.reshape(-1)]
    l_out = x[(lane_ids + Na).reshape(-1)]
    return (a_out, l_out)

if __name__ == "__main__":
    import jax
    _d = setup_inputs()
    print(jax.jit(kernel)(*tuple(_d.values())))

</pallas_src>

<mosaic_0001>
#map = affine_map<(d0, d1) -> (0, 0)>
#map1 = affine_map<(d0, d1) -> (0)>
module attributes {stable_mosaic.version = 14 : i64} {
  func.func @_sc_gather_body(%arg0: i32, %arg1: i32, %arg2: memref<1024x128xf32, #tpu.memory_space<hbm>>, %arg3: memref<1024xi32, #tpu.memory_space<hbm>>, %arg4: memref<1024x128xf32, #tpu.memory_space<hbm>>, %arg5: memref<64xi32, #tpu.memory_space<vmem>>, %arg6: memref<64x128xf32, #tpu.memory_space<vmem>>, %arg7: memref<!tpu.dma_semaphore, #tpu.memory_space<semaphore_mem>>) attributes {dimension_semantics = [#tpu.dimension_semantics<core_parallel>, #tpu.dimension_semantics<subcore_parallel>], iteration_bounds = array<i64: 1, 16>, scalar_prefetch = 0 : i64, scratch_operands = 3 : i64, tpu.core_type = #tpu.core_type<sc_vector_subcore>, window_params = [{transform_indices = #map}, {transform_indices = #map1}, {transform_indices = #map}]} {
    %mul3A = arith.constant 1 : i32
    %mul3A_0 = arith.muli %arg1, %mul3A : i32
    %add3A = arith.addi %mul3A_0, %arg0 : i32
    %mul3A_1 = arith.constant 64 : i32
    %mul3A_2 = arith.muli %add3A, %mul3A_1 : i32
    "tpu.region"() ({
      %run_scoped3A = tpu.sem_alloc : memref<!tpu.dma_semaphore, #tpu.memory_space<semaphore_mem>>
      %dma_start3A_7 = tpu.memref_slice %arg3[%mul3A_2] : memref<1024xi32, #tpu.memory_space<hbm>> -> memref<64xi32, #tpu.memory_space<hbm>>
      %dma_start3A_8 = tpu.memref_slice %arg3[%mul3A_2] : memref<1024xi32, #tpu.memory_space<hbm>> -> memref<64xi32, #tpu.memory_space<hbm>>
      tpu.enqueue_dma source(%dma_start3A_8 : memref<64xi32, #tpu.memory_space<hbm>>) target(%arg5 : memref<64xi32, #tpu.memory_space<vmem>>) target_semaphore(%run_scoped3A : memref<!tpu.dma_semaphore, #tpu.memory_space<semaphore_mem>>)
      %dma_wait3A_9 = tpu.memref_slice %arg3[%mul3A_2] : memref<1024xi32, #tpu.memory_space<hbm>> -> memref<64xi32, #tpu.memory_space<hbm>>
      %dma_wait3A_10 = tpu.memref_slice %arg3[%mul3A_2] : memref<1024xi32, #tpu.memory_space<hbm>> -> memref<64xi32, #tpu.memory_space<hbm>>
      tpu.wait_dma2 semaphore(%run_scoped3A : memref<!tpu.dma_semaphore, #tpu.memory_space<semaphore_mem>>) src(%dma_wait3A_10 : memref<64xi32, #tpu.memory_space<hbm>>) dst(%arg5 : memref<64xi32, #tpu.memory_space<vmem>>)
      tpu.yield
    }) : () -> ()
    %dma_start3A = arith.constant 0 : i32
    %dma_start3A_3 = arith.constant 0 : i32
    %dma_start3A_4 = tpu.memref_slice %arg2[%dma_start3A, %dma_start3A_3] : memref<1024x128xf32, #tpu.memory_space<hbm>> -> memref<1024x128xf32, #tpu.memory_space<hbm>>
    tpu.enqueue_indirect_dma source(%dma_start3A_4 : memref<1024x128xf32, #tpu.memory_space<hbm>>) target(%arg6 : memref<64x128xf32, #tpu.memory_space<vmem>>) offsets(%arg5 : memref<64xi32, #tpu.memory_space<vmem>>) semaphore(%arg7 : memref<!tpu.dma_semaphore, #tpu.memory_space<semaphore_mem>>)
    %dma_wait3A = arith.constant 0 : i32
    %dma_wait3A_5 = arith.constant 0 : i32
    %dma_wait3A_6 = tpu.memref_slice %arg2[%dma_wait3A, %dma_wait3A_5] : memref<1024x128xf32, #tpu.memory_space<hbm>> -> memref<1024x128xf32, #tpu.memory_space<hbm>>
    tpu.wait_indirect_dma semaphore(%arg7 : memref<!tpu.dma_semaphore, #tpu.memory_space<semaphore_mem>>) src(%dma_wait3A_6 : memref<1024x128xf32, #tpu.memory_space<hbm>>) dst(%arg6 : memref<64x128xf32, #tpu.memory_space<vmem>>)
    "tpu.region"() ({
      %run_scoped3A = tpu.sem_alloc : memref<!tpu.dma_semaphore, #tpu.memory_space<semaphore_mem>>
      %dma_start3A_7 = arith.constant 0 : i32
      %dma_start3A_8 = tpu.memref_slice %arg4[%mul3A_2, %dma_start3A_7] : memref<1024x128xf32, #tpu.memory_space<hbm>> -> memref<64x128xf32, #tpu.memory_space<hbm>>
      %dma_start3A_9 = arith.constant 0 : i32
      %dma_start3A_10 = tpu.memref_slice %arg4[%mul3A_2, %dma_start3A_9] : memref<1024x128xf32, #tpu.memory_space<hbm>> -> memref<64x128xf32, #tpu.memory_space<hbm>>
      tpu.enqueue_dma source(%arg6 : memref<64x128xf32, #tpu.memory_space<vmem>>) target(%dma_start3A_10 : memref<64x128xf32, #tpu.memory_space<hbm>>) target_semaphore(%run_scoped3A : memref<!tpu.dma_semaphore, #tpu.memory_space<semaphore_mem>>)
      %dma_wait3A_11 = arith.constant 0 : i32
      %dma_wait3A_12 = tpu.memref_slice %arg4[%mul3A_2, %dma_wait3A_11] : memref<1024x128xf32, #tpu.memory_space<hbm>> -> memref<64x128xf32, #tpu.memory_space<hbm>>
      %dma_wait3A_13 = arith.constant 0 : i32
      %dma_wait3A_14 = tpu.memref_slice %arg4[%mul3A_2, %dma_wait3A_13] : memref<1024x128xf32, #tpu.memory_space<hbm>> -> memref<64x128xf32, #tpu.memory_space<hbm>>
      tpu.wait_dma2 semaphore(%run_scoped3A : memref<!tpu.dma_semaphore, #tpu.memory_space<semaphore_mem>>) src(%arg6 : memref<64x128xf32, #tpu.memory_space<vmem>>) dst(%dma_wait3A_14 : memref<64x128xf32, #tpu.memory_space<hbm>>)
      tpu.yield
    }) : () -> ()
    return
  }
}

module attributes {stable_mosaic.version = 14 : i64} {
  func.func @_encoder_body(%arg0: memref<1024x128xf32, #tpu.memory_space<vmem>>, %arg1: memref<1024x128xf32, #tpu.memory_space<vmem>>, %arg2: memref<8x128xi32, #tpu.memory_space<vmem>>, %arg3: memref<128x2304xf32, #tpu.memory_space<vmem>>, %arg4: memref<1x2304xf32, #tpu.memory_space<vmem>>, %arg5: memref<768x128xf32, #tpu.memory_space<vmem>>, %arg6: memref<1x128xf32, #tpu.memory_space<vmem>>, %arg7: memref<128x128xf32, #tpu.memory_space<vmem>>, %arg8: memref<128x128xf32, #tpu.memory_space<vmem>>, %arg9: memref<1x128xf32, #tpu.memory_space<vmem>>, %arg10: memref<1x128xf32, #tpu.memory_space<vmem>>, %arg11: memref<128x128xf32, #tpu.memory_space<vmem>>, %arg12: memref<384x128xf32, #tpu.memory_space<vmem>>, %arg13: memref<640x128xf32, #tpu.memory_space<vmem>>, %arg14: memref<8x6x128x128xf32, #tpu.memory_space<vmem>>) attributes {dimension_semantics = [], scalar_prefetch = 0 : i64, scratch_operands = 1 : i64, tpu.core_type = #tpu.core_type<tc>} {
    %get3A = arith.constant 0 : index
    %get3A_0 = arith.constant 0 : index
    %get3A_1 = vector.load %arg0[%get3A, %get3A_0] : memref<1024x128xf32, #tpu.memory_space<vmem>>, vector<1024x128xf32>
    %iota3A = tpu.iota {dimensions = array<i32: 1>} : vector<128x1024xi32>
    %iota3A_2 = tpu.iota {dimensions = array<i32: 0>} : vector<1024x128xi32>
    %get3A_3 = arith.constant 0 : index
    %get3A_4 = arith.constant 0 : index
    %get3A_5 = vector.load %arg2[%get3A_3, %get3A_4] : memref<8x128xi32, #tpu.memory_space<vmem>>, vector<1x128xi32>
    %get3A_6 = vector.shape_cast %get3A_5 : vector<1x128xi32> to vector<128xi32>
    %broadcast_in_dim3A = vector.shape_cast %get3A_6 : vector<128xi32> to vector<128x1xi32>
    %eq3A = vector.broadcast %broadcast_in_dim3A : vector<128x1xi32> to vector<128x1024xi32>
    %eq3A_7 = arith.cmpi eq, %eq3A, %iota3A : vector<128x1024xi32>
    %convert_element_type3A = arith.extui %eq3A_7 : vector<128x1024xi1> to vector<128x1024xi32>
    %convert_element_type3A_8 = arith.sitofp %convert_element_type3A : vector<128x1024xi32> to vector<128x1024xf32>
    %get3A_9 = arith.constant 1 : index
    %get3A_10 = arith.constant 0 : index
    %get3A_11 = vector.load %arg2[%get3A_9, %get3A_10] : memref<8x128xi32, #tpu.memory_space<vmem>>, vector<1x128xi32>
    %get3A_12 = vector.shape_cast %get3A_11 : vector<1x128xi32> to vector<128xi32>
    %broadcast_in_dim3A_13 = vector.shape_cast %get3A_12 : vector<128xi32> to vector<128x1xi32>
    %eq3A_14 = vector.broadcast %broadcast_in_dim3A_13 : vector<128x1xi32> to vector<128x1024xi32>
    %eq3A_15 = arith.cmpi eq, %eq3A_14, %iota3A : vector<128x1024xi32>
    %convert_element_type3A_16 = arith.extui %eq3A_15 : vector<128x1024xi1> to vector<128x1024xi32>
    %convert_element_type3A_17 = arith.sitofp %convert_element_type3A_16 : vector<128x1024xi32> to vector<128x1024xf32>
    %get3A_18 = arith.constant 2 : index
    %get3A_19 = arith.constant 0 : index
    %get3A_20 = vector.load %arg2[%get3A_18, %get3A_19] : memref<8x128xi32, #tpu.memory_space<vmem>>, vector<1x128xi32>
    %get3A_21 = vector.shape_cast %get3A_20 : vector<1x128xi32> to vector<128xi32>
    %broadcast_in_dim3A_22 = vector.shape_cast %get3A_21 : vector<128xi32> to vector<128x1xi32>
    %eq3A_23 = vector.broadcast %broadcast_in_dim3A_22 : vector<128x1xi32> to vector<128x1024xi32>
    %eq3A_24 = arith.cmpi eq, %eq3A_23, %iota3A : vector<128x1024xi32>
    %convert_element_type3A_25 = arith.extui %eq3A_24 : vector<128x1024xi1> to vector<128x1024xi32>
    %convert_element_type3A_26 = arith.sitofp %convert_element_type3A_25 : vector<128x1024xi32> to vector<128x1024xf32>
    %get3A_27 = arith.constant 3 : index
    %get3A_28 = arith.constant 0 : index
    %get3A_29 = vector.load %arg2[%get3A_27, %get3A_28] : memref<8x128xi32, #tpu.memory_space<vmem>>, vector<1x128xi32>
    %get3A_30 = vector.shape_cast %get3A_29 : vector<1x128xi32> to vector<128xi32>
    %broadcast_in_dim3A_31 = vector.shape_cast %get3A_30 : vector<128xi32> to vector<128x1xi32>
    %eq3A_32 = vector.broadcast %broadcast_in_dim3A_31 : vector<128x1xi32> to vector<128x1024xi32>
    %eq3A_33 = arith.cmpi eq, %eq3A_32, %iota3A : vector<128x1024xi32>
    %convert_element_type3A_34 = arith.extui %eq3A_33 : vector<128x1024xi1> to vector<128x1024xi32>
    %convert_element_type3A_35 = arith.sitofp %convert_element_type3A_34 : vector<128x1024xi32> to vector<128x1024xf32>
    %get3A_36 = arith.constant 4 : index
    %get3A_37 = arith.constant 0 : index
    %get3A_38 = vector.load %arg2[%get3A_36, %get3A_37] : memref<8x128xi32, #tpu.memory_space<vmem>>, vector<1x128xi32>
    %get3A_39 = vector.shape_cast %get3A_38 : vector<1x128xi32> to vector<128xi32>
    %broadcast_in_dim3A_40 = vector.shape_cast %get3A_39 : vector<128xi32> to vector<128x1xi32>
    %eq3A_41 = vector.broadcast %broadcast_in_dim3A_40 : vector<128x1xi32> to vector<128x1024xi32>
    %eq3A_42 = arith.cmpi eq, %eq3A_41, %iota3A : vector<128x1024xi32>
    %convert_element_type3A_43 = arith.extui %eq3A_42 : vector<128x1024xi1> to vector<128x1024xi32>
    %convert_element_type3A_44 = arith.sitofp %convert_element_type3A_43 : vector<128x1024xi32> to vector<128x1024xf32>
    %get3A_45 = arith.constant 5 : index
    %get3A_46 = arith.constant 0 : index
    %get3A_47 = vector.load %arg2[%get3A_45, %get3A_46] : memref<8x128xi32, #tpu.memory_space<vmem>>, vector<1x128xi32>
    %get3A_48 = vector.shape_cast %get3A_47 : vector<1x128xi32> to vector<128xi32>
    %broadcast_in_dim3A_49 = vector.shape_cast %get3A_48 : vector<128xi32> to vector<128x1xi32>
    %eq3A_50 = vector.broadcast %broadcast_in_dim3A_49 : vector<128x1xi32> to vector<128x1024xi32>
    %eq3A_51 = arith.cmpi eq, %eq3A_50, %iota3A : vector<128x1024xi32>
    %convert_element_type3A_52 = arith.extui %eq3A_51 : vector<128x1024xi1> to vector<128x1024xi32>
    %convert_element_type3A_53 = arith.sitofp %convert_element_type3A_52 : vector<128x1024xi32> to vector<128x1024xf32>
    %get3A_54 = arith.constant 6 : index
    %get3A_55 = arith.constant 0 : index
    %get3A_56 = vector.load %arg2[%get3A_54, %get3A_55] : memref<8x128xi32, #tpu.memory_space<vmem>>, vector<1x128xi32>
    %get3A_57 = vector.shape_cast %get3A_56 : vector<1x128xi32> to vector<128xi32>
    %broadcast_in_dim3A_58 = vector.shape_cast %get3A_57 : vector<128xi32> to vector<128x1xi32>
    %eq3A_59 = vector.broadcast %broadcast_in_dim3A_58 : vector<128x1xi32> to vector<128x1024xi32>
    %eq3A_60 = arith.cmpi eq, %eq3A_59, %iota3A : vector<128x1024xi32>
    %convert_element_type3A_61 = arith.extui %eq3A_60 : vector<128x1024xi1> to vector<128x1024xi32>
    %convert_element_type3A_62 = arith.sitofp %convert_element_type3A_61 : vector<128x1024xi32> to vector<128x1024xf32>
    %get3A_63 = arith.constant 7 : index
    %get3A_64 = arith.constant 0 : index
    %get3A_65 = vector.load %arg2[%get3A_63, %get3A_64] : memref<8x128xi32, #tpu.memory_space<vmem>>, vector<1x128xi32>
    %get3A_66 = vector.shape_cast %get3A_65 : vector<1x128xi32> to vector<128xi32>
    %broadcast_in_dim3A_67 = vector.shape_cast %get3A_66 : vector<128xi32> to vector<128x1xi32>
    %eq3A_68 = vector.broadcast %broadcast_in_dim3A_67 : vector<128x1xi32> to vector<128x1024xi32>
    %eq3A_69 = arith.cmpi eq, %eq3A_68, %iota3A : vector<128x1024xi32>
    %convert_element_type3A_70 = arith.extui %eq3A_69 : vector<128x1024xi1> to vector<128x1024xi32>
    %convert_element_type3A_71 = arith.sitofp %convert_element_type3A_70 : vector<128x1024xi32> to vector<128x1024xf32>
    %concatenate3A = tpu.concatenate %convert_element_type3A_8, %convert_element_type3A_17, %convert_element_type3A_26, %convert_element_type3A_35, %convert_element_type3A_44, %convert_element_type3A_53, %convert_element_type3A_62, %convert_element_type3A_71 in 0 : vector<128x1024xf32>, vector<128x1024xf32>, vector<128x1024xf32>, vector<128x1024xf32>, vector<128x1024xf32>, vector<128x1024xf32>, vector<128x1024xf32>, vector<128x1024xf32> -> vector<1024x1024xf32>
    %get3A_72 = arith.constant 0 : index
    %get3A_73 = arith.constant 0 : index
    %get3A_74 = vector.load %arg2[%get3A_72, %get3A_73] : memref<8x128xi32, #tpu.memory_space<vmem>>, vector<1x128xi32>
    %get3A_75 = vector.shape_cast %get3A_74 : vector<1x128xi32> to vector<128xi32>
    %broadcast_in_dim3A_76 = vector.shape_cast %get3A_75 : vector<128xi32> to vector<1x128xi32>
    %eq3A_77 = vector.broadcast %broadcast_in_dim3A_76 : vector<1x128xi32> to vector<1024x128xi32>
    %eq3A_78 = arith.cmpi eq, %iota3A_2, %eq3A_77 : vector<1024x128xi32>
    %convert_element_type3A_79 = arith.extui %eq3A_78 : vector<1024x128xi1> to vector<1024x128xi32>
    %convert_element_type3A_80 = arith.sitofp %convert_element_type3A_79 : vector<1024x128xi32> to vector<1024x128xf32>
    %get3A_81 = arith.constant 1 : index
    %get3A_82 = arith.constant 0 : index
    %get3A_83 = vector.load %arg2[%get3A_81, %get3A_82] : memref<8x128xi32, #tpu.memory_space<vmem>>, vector<1x128xi32>
    %get3A_84 = vector.shape_cast %get3A_83 : vector<1x128xi32> to vector<128xi32>
    %broadcast_in_dim3A_85 = vector.shape_cast %get3A_84 : vector<128xi32> to vector<1x128xi32>
    %eq3A_86 = vector.broadcast %broadcast_in_dim3A_85 : vector<1x128xi32> to vector<1024x128xi32>
    %eq3A_87 = arith.cmpi eq, %iota3A_2, %eq3A_86 : vector<1024x128xi32>
    %convert_element_type3A_88 = arith.extui %eq3A_87 : vector<1024x128xi1> to vector<1024x128xi32>
    %convert_element_type3A_89 = arith.sitofp %convert_element_type3A_88 : vector<1024x128xi32> to vector<1024x128xf32>
    %get3A_90 = arith.constant 2 : index
    %get3A_91 = arith.constant 0 : index
    %get3A_92 = vector.load %arg2[%get3A_90, %get3A_91] : memref<8x128xi32, #tpu.memory_space<vmem>>, vector<1x128xi32>
    %get3A_93 = vector.shape_cast %get3A_92 : vector<1x128xi32> to vector<128xi32>
    %broadcast_in_dim3A_94 = vector.shape_cast %get3A_93 : vector<128xi32> to vector<1x128xi32>
    %eq3A_95 = vector.broadcast %broadcast_in_dim3A_94 : vector<1x128xi32> to vector<1024x128xi32>
    %eq3A_96 = arith.cmpi eq, %iota3A_2, %eq3A_95 : vector<1024x128xi32>
    %convert_element_type3A_97 = arith.extui %eq3A_96 : vector<1024x128xi1> to vector<1024x128xi32>
    %convert_element_type3A_98 = arith.sitofp %convert_element_type3A_97 : vector<1024x128xi32> to vector<1024x128xf32>
    %get3A_99 = arith.constant 3 : index
    %get3A_100 = arith.constant 0 : index
    %get3A_101 = vector.load %arg2[%get3A_99, %get3A_100] : memref<8x128xi32, #tpu.memory_space<vmem>>, vector<1x128xi32>
    %get3A_102 = vector.shape_cast %get3A_101 : vector<1x128xi32> to vector<128xi32>
    %broadcast_in_dim3A_103 = vector.shape_cast %get3A_102 : vector<128xi32> to vector<1x128xi32>
    %eq3A_104 = vector.broadcast %broadcast_in_dim3A_103 : vector<1x128xi32> to vector<1024x128xi32>
    %eq3A_105 = arith.cmpi eq, %iota3A_2, %eq3A_104 : vector<1024x128xi32>
    %convert_element_type3A_106 = arith.extui %eq3A_105 : vector<1024x128xi1> to vector<1024x128xi32>
    %convert_element_type3A_107 = arith.sitofp %convert_element_type3A_106 : vector<1024x128xi32> to vector<1024x128xf32>
    %get3A_108 = arith.constant 4 : index
    %get3A_109 = arith.constant 0 : index
    %get3A_110 = vector.load %arg2[%get3A_108, %get3A_109] : memref<8x128xi32, #tpu.memory_space<vmem>>, vector<1x128xi32>
    %get3A_111 = vector.shape_cast %get3A_110 : vector<1x128xi32> to vector<128xi32>
    %broadcast_in_dim3A_112 = vector.shape_cast %get3A_111 : vector<128xi32> to vector<1x128xi32>
    %eq3A_113 = vector.broadcast %broadcast_in_dim3A_112 : vector<1x128xi32> to vector<1024x128xi32>
    %eq3A_114 = arith.cmpi eq, %iota3A_2, %eq3A_113 : vector<1024x128xi32>
    %convert_element_type3A_115 = arith.extui %eq3A_114 : vector<1024x128xi1> to vector<1024x128xi32>
    %convert_element_type3A_116 = arith.sitofp %convert_element_type3A_115 : vector<1024x128xi32> to vector<1024x128xf32>
    %get3A_117 = arith.constant 5 : index
    %get3A_118 = arith.constant 0 : index
    %get3A_119 = vector.load %arg2[%get3A_117, %get3A_118] : memref<8x128xi32, #tpu.memory_space<vmem>>, vector<1x128xi32>
    %get3A_120 = vector.shape_cast %get3A_119 : vector<1x128xi32> to vector<128xi32>
    %broadcast_in_dim3A_121 = vector.shape_cast %get3A_120 : vector<128xi32> to vector<1x128xi32>
    %eq3A_122 = vector.broadcast %broadcast_in_dim3A_121 : vector<1x128xi32> to vector<1024x128xi32>
    %eq3A_123 = arith.cmpi eq, %iota3A_2, %eq3A_122 : vector<1024x128xi32>
    %convert_element_type3A_124 = arith.extui %eq3A_123 : vector<1024x128xi1> to vector<1024x128xi32>
    %convert_element_type3A_125 = arith.sitofp %convert_element_type3A_124 : vector<1024x128xi32> to vector<1024x128xf32>
    %get3A_126 = arith.constant 6 : index
    %get3A_127 = arith.constant 0 : index
    %get3A_128 = vector.load %arg2[%get3A_126, %get3A_127] : memref<8x128xi32, #tpu.memory_space<vmem>>, vector<1x128xi32>
    %get3A_129 = vector.shape_cast %get3A_128 : vector<1x128xi32> to vector<128xi32>
    %broadcast_in_dim3A_130 = vector.shape_cast %get3A_129 : vector<128xi32> to vector<1x128xi32>
    %eq3A_131 = vector.broadcast %broadcast_in_dim3A_130 : vector<1x128xi32> to vector<1024x128xi32>
    %eq3A_132 = arith.cmpi eq, %iota3A_2, %eq3A_131 : vector<1024x128xi32>
    %convert_element_type3A_133 = arith.extui %eq3A_132 : vector<1024x128xi1> to vector<1024x128xi32>
    %convert_element_type3A_134 = arith.sitofp %convert_element_type3A_133 : vector<1024x128xi32> to vector<1024x128xf32>
    %get3A_135 = arith.constant 7 : index
    %get3A_136 = arith.constant 0 : index
    %get3A_137 = vector.load %arg2[%get3A_135, %get3A_136] : memref<8x128xi32, #tpu.memory_space<vmem>>, vector<1x128xi32>
    %get3A_138 = vector.shape_cast %get3A_137 : vector<1x128xi32> to vector<128xi32>
    %broadcast_in_dim3A_139 = vector.shape_cast %get3A_138 : vector<128xi32> to vector<1x128xi32>
    %eq3A_140 = vector.broadcast %broadcast_in_dim3A_139 : vector<1x128xi32> to vector<1024x128xi32>
    %eq3A_141 = arith.cmpi eq, %iota3A_2, %eq3A_140 : vector<1024x128xi32>
    %convert_element_type3A_142 = arith.extui %eq3A_141 : vector<1024x128xi1> to vector<1024x128xi32>
    %convert_element_type3A_143 = arith.sitofp %convert_element_type3A_142 : vector<1024x128xi32> to vector<1024x128xf32>
    %concatenate3A_144 = tpu.concatenate %convert_element_type3A_80, %convert_element_type3A_89, %convert_element_type3A_98, %convert_element_type3A_107, %convert_element_type3A_116, %convert_element_type3A_125, %convert_element_type3A_134, %convert_element_type3A_143 in 1 : vector<1024x128xf32>, vector<1024x128xf32>, vector<1024x128xf32>, vector<1024x128xf32>, vector<1024x128xf32>, vector<1024x128xf32>, vector<1024x128xf32>, vector<1024x128xf32> -> vector<1024x1024xf32>
    %get3A_145 = arith.constant 0 : index
    %get3A_146 = arith.constant 0 : index
    %get3A_147 = vector.load %arg1[%get3A_145, %get3A_146] : memref<1024x128xf32, #tpu.memory_space<vmem>>, vector<1024x128xf32>
    %get3A_148 = arith.constant 0 : index
    %get3A_149 = arith.constant 0 : index
    %get3A_150 = vector.load %arg3[%get3A_148, %get3A_149] : memref<128x2304xf32, #tpu.memory_space<vmem>>, vector<128x2304xf32>
    %dot_general3A = arith.constant dense<0.000000e+00> : vector<1024x2304xf32>
    %dot_general3A_151 = tpu.matmul %get3A_147, %get3A_150, %dot_general3A {dimension_numbers = #tpu.dot_dimension_numbers<[1], [0], [0], [1], [0, 0, 1, 1], [], []>, transpose_lhs_hint = false} : vector<1024x128xf32>, vector<128x2304xf32>, vector<1024x2304xf32> -> vector<1024x2304xf32>
    %get3A_152 = arith.constant 0 : index
    %get3A_153 = arith.constant 0 : index
    %get3A_154 = vector.load %arg4[%get3A_152, %get3A_153] : memref<1x2304xf32, #tpu.memory_space<vmem>>, vector<1x2304xf32>
    %add3A = vector.broadcast %get3A_154 : vector<1x2304xf32> to vector<1024x2304xf32>
    %add3A_155 = arith.addf %dot_general3A_151, %add3A : vector<1024x2304xf32>
    %slice3A = vector.extract_strided_slice %add3A_155 {offsets = [0, 0], sizes = [1024, 768], strides = [1, 1]} : vector<1024x2304xf32> to vector<1024x768xf32>
    %slice3A_156 = vector.extract_strided_slice %add3A_155 {offsets = [0, 768], sizes = [1024, 768], strides = [1, 1]} : vector<1024x2304xf32> to vector<1024x768xf32>
    %slice3A_157 = vector.extract_strided_slice %add3A_155 {offsets = [0, 1536], sizes = [1024, 768], strides = [1, 1]} : vector<1024x2304xf32> to vector<1024x768xf32>
    %max3A = arith.constant 0.000000e+00 : f32
    %max3A_158 = vector.broadcast %max3A : f32 to vector<1024x768xf32>
    %max3A_159 = arith.maximumf %slice3A_157, %max3A_158 : vector<1024x768xf32>
    %slice3A_160 = vector.extract_strided_slice %slice3A {offsets = [0, 0], sizes = [128, 128], strides = [1, 1]} : vector<1024x768xf32> to vector<128x128xf32>
    %slice3A_161 = vector.extract_strided_slice %slice3A_156 {offsets = [0, 0], sizes = [128, 128], strides = [1, 1]} : vector<1024x768xf32> to vector<128x128xf32>
    %dot_general3A_162 = arith.constant dense<0.000000e+00> : vector<128x128xf32>
    %dot_general3A_163 = tpu.matmul %slice3A_160, %slice3A_161, %dot_general3A_162 {dimension_numbers = #tpu.dot_dimension_numbers<[1], [1], [0], [0], [0, 0, 1, 0], [], []>, transpose_lhs_hint = false} : vector<128x128xf32>, vector<128x128xf32>, vector<128x128xf32> -> vector<128x128xf32>
    %mul3A = arith.constant 0.0883883461 : f32
    %mul3A_164 = vector.broadcast %mul3A : f32 to vector<128x128xf32>
    %mul3A_165 = arith.mulf %dot_general3A_163, %mul3A_164 : vector<128x128xf32>
    %swap3A = arith.constant 0 : index
    %swap3A_166 = arith.constant 0 : index
    %swap3A_167 = arith.constant 0 : index
    %swap3A_168 = arith.constant 0 : index
    %swap3A_169 = vector.load %arg14[%swap3A, %swap3A_166, %swap3A_167, %swap3A_168] : memref<8x6x128x128xf32, #tpu.memory_space<vmem>>, vector<1x1x128x128xf32>
    %swap3A_170 = vector.shape_cast %swap3A_169 : vector<1x1x128x128xf32> to vector<128x128xf32>
    %swap3A_171 = vector.shape_cast %mul3A_165 : vector<128x128xf32> to vector<1x1x128x128xf32>
    tpu.vector_store %arg14[%swap3A, %swap3A_166, %swap3A_167, %swap3A_168], %swap3A_171 {strides = array<i32>} : memref<8x6x128x128xf32, #tpu.memory_space<vmem>>, vector<1x1x128x128xf32>,
    %reduce_max3A = vector.shape_cast %mul3A_165 : vector<128x128xf32> to vector<1x128x128xf32>
    %reduce_max3A_172 = arith.constant dense<0xFF800000> : vector<1xf32>
    %reduce_max3A_173 = vector.multi_reduction <maximumf>, %reduce_max3A, %reduce_max3A_172 [1, 2] : vector<1x128x128xf32> to vector<1xf32>
    %reduce_max3A_174 = vector.shape_cast %reduce_max3A_173 : vector<1xf32> to vector<1x1x1xf32>
    %reduce_max3A_175 = vector.extract %reduce_max3A_174[0, 0, 0] : f32 from vector<1x1x1xf32>
    %max3A_176 = arith.constant 0xFF800000 : f32
    %max3A_177 = arith.maximumf %max3A_176, %reduce_max3A_175 : f32
    %slice3A_178 = vector.extract_strided_slice %slice3A {offsets = [0, 128], sizes = [128, 128], strides = [1, 1]} : vector<1024x768xf32> to vector<128x128xf32>
    %slice3A_179 = vector.extract_strided_slice %slice3A_156 {offsets = [0, 128], sizes = [128, 128], strides = [1, 1]} : vector<1024x768xf32> to vector<128x128xf32>
    %dot_general3A_180 = arith.constant dense<0.000000e+00> : vector<128x128xf32>
    %dot_general3A_181 = tpu.matmul %slice3A_178, %slice3A_179, %dot_general3A_180 {dimension_numbers = #tpu.dot_dimension_numbers<[1], [1], [0], [0], [0, 0, 1, 0], [], []>, transpose_lhs_hint = false} : vector<128x128xf32>, vector<128x128xf32>, vector<128x128xf32> -> vector<128x128xf32>
    %mul3A_182 = arith.constant 0.0883883461 : f32
    %mul3A_183 = vector.broadcast %mul3A_182 : f32 to vector<128x128xf32>
    %mul3A_184 = arith.mulf %dot_general3A_181, %mul3A_183 : vector<128x128xf32>
    %swap3A_185 = arith.constant 0 : index
    %swap3A_186 = arith.constant 1 : index
    %swap3A_187 = arith.constant 0 : index
    %swap3A_188 = arith.constant 0 : index
    %swap3A_189 = vector.load %arg14[%swap3A_185, %swap3A_186, %swap3A_187, %swap3A_188] : memref<8x6x128x128xf32, #tpu.memory_space<vmem>>, vector<1x1x128x128xf32>
    %swap3A_190 = vector.shape_cast %swap3A_189 : vector<1x1x128x128xf32> to vector<128x128xf32>
    %swap3A_191 = vector.shape_cast %mul3A_184 : vector<128x128xf32> to vector<1x1x128x128xf32>
    tpu.vector_store %arg14[%swap3A_185, %swap3A_186, %swap3A_187, %swap3A_188], %swap3A_191 {strides = array<i32>} : memref<8x6x128x128xf32, #tpu.memory_space<vmem>>, vector<1x1x128x128xf32>,
    %reduce_max3A_192 = vector.shape_cast %mul3A_184 : vector<128x128xf32> to vector<1x128x128xf32>
    %reduce_max3A_193 = arith.constant dense<0xFF800000> : vector<1xf32>
    %reduce_max3A_194 = vector.multi_reduction <maximumf>, %reduce_max3A_192, %reduce_max3A_193 [1, 2] : vector<1x128x128xf32> to vector<1xf32>
    %reduce_max3A_195 = vector.shape_cast %reduce_max3A_194 : vector<1xf32> to vector<1x1x1xf32>
    %reduce_max3A_196 = vector.extract %reduce_max3A_195[0, 0, 0] : f32 from vector<1x1x1xf32>
    %max3A_197 = arith.maximumf %max3A_177, %reduce_max3A_196 : f32
    %slice3A_198 = vector.extract_strided_slice %slice3A {offsets = [0, 256], sizes = [128, 128], strides = [1, 1]} : vector<1024x768xf32> to vector<128x128xf32>
    %slice3A_199 = vector.extract_strided_slice %slice3A_156 {offsets = [0, 256], sizes = [128, 128], strides = [1, 1]} : vector<1024x768xf32> to vector<128x128xf32>
    %dot_general3A_200 = arith.constant dense<0.000000e+00> : vector<128x128xf32>
    %dot_general3A_201 = tpu.matmul %slice3A_198, %slice3A_199, %dot_general3A_200 {dimension_numbers = #tpu.dot_dimension_numbers<[1], [1], [0], [0], [0, 0, 1, 0], [], []>, transpose_lhs_hint = false} : vector<128x128xf32>, vector<128x128xf32>, vector<128x128xf32> -> vector<128x128xf32>
    %mul3A_202 = arith.constant 0.0883883461 : f32
    %mul3A_203 = vector.broadcast %mul3A_202 : f32 to vector<128x128xf32>
    %mul3A_204 = arith.mulf %dot_general3A_201, %mul3A_203 : vector<128x128xf32>
    %swap3A_205 = arith.constant 0 : index
    %swap3A_206 = arith.constant 2 : index
    %swap3A_207 = arith.constant 0 : index
    %swap3A_208 = arith.constant 0 : index
    %swap3A_209 = vector.load %arg14[%swap3A_205, %swap3A_206, %swap3A_207, %swap3A_208] : memref<8x6x128x128xf32, #tpu.memory_space<vmem>>, vector<1x1x128x128xf32>
    %swap3A_210 = vector.shape_cast %swap3A_209 : vector<1x1x128x128xf32> to vector<128x128xf32>
    %swap3A_211 = vector.shape_cast %mul3A_204 : vector<128x128xf32> to vector<1x1x128x128xf32>
    tpu.vector_store %arg14[%swap3A_205, %swap3A_206, %swap3A_207, %swap3A_208], %swap3A_211 {strides = array<i32>} : memref<8x6x128x128xf32, #tpu.memory_space<vmem>>, vector<1x1x128x128xf32>,
    %reduce_max3A_212 = vector.shape_cast %mul3A_204 : vector<128x128xf32> to vector<1x128x128xf32>
    %reduce_max3A_213 = arith.constant dense<0xFF800000> : vector<1xf32>
    %reduce_max3A_214 = vector.multi_reduction <maximumf>, %reduce_max3A_212, %reduce_max3A_213 [1, 2] : vector<1x128x128xf32> to vector<1xf32>
    %reduce_max3A_215 = vector.shape_cast %reduce_max3A_214 : vector<1xf32> to vector<1x1x1xf32>
    %reduce_max3A_216 = vector.extract %reduce_max3A_215[0, 0, 0] : f32 from vector<1x1x1xf32>
    %max3A_217 = arith.maximumf %max3A_197, %reduce_max3A_216 : f32
    %slice3A_218 = vector.extract_strided_slice %slice3A {offsets = [0, 384], sizes = [128, 128], strides = [1, 1]} : vector<1024x768xf32> to vector<128x128xf32>
    %slice3A_219 = vector.extract_strided_slice %slice3A_156 {offsets = [0, 384], sizes = [128, 128], strides = [1, 1]} : vector<1024x768xf32> to vector<128x128xf32>
    %dot_general3A_220 = arith.constant dense<0.000000e+00> : vector<128x128xf32>
    %dot_general3A_221 = tpu.matmul %slice3A_218, %slice3A_219, %dot_general3A_220 {dimension_numbers = #tpu.dot_dimension_numbers<[1], [1], [0], [0], [0, 0, 1, 0], [], []>, transpose_lhs_hint = false} : vector<128x128xf32>, vector<128x128xf32>, vector<128x128xf32> -> vector<128x128xf32>
    %mul3A_222 = arith.constant 0.0883883461 : f32
    %mul3A_223 = vector.broadcast %mul3A_222 : f32 to vector<128x128xf32>
    %mul3A_224 = arith.mulf %dot_general3A_221, %mul3A_223 : vector<128x128xf32>
    %swap3A_225 = arith.constant 0 : index
    %swap3A_226 = arith.constant 3 : index
    %swap3A_227 = arith.constant 0 : index
    %swap3A_228 = arith.constant 0 : index
    %swap3A_229 = vector.load %arg14[%swap3A_225, %swap3A_226, %swap3A_227, %swap3A_228] : memref<8x6x128x128xf32, #tpu.memory_space<vmem>>, vector<1x1x128x128xf32>
    %swap3A_230 = vector.shape_cast %swap3A_229 : vector<1x1x128x128xf32> to vector<128x128xf32>
    %swap3A_231 = vector.shape_cast %mul3A_224 : vector<128x128xf32> to vector<1x1x128x128xf32>
    tpu.vector_store %arg14[%swap3A_225, %swap3A_226, %swap3A_227, %swap3A_228], %swap3A_231 {strides = array<i32>} : memref<8x6x128x128xf32, #tpu.memory_space<vmem>>, vector<1x1x128x128xf32>,
    %reduce_max3A_232 = vector.shape_cast %mul3A_224 : vector<128x128xf32> to vector<1x128x128xf32>
    %reduce_max3A_233 = arith.constant dense<0xFF800000> : vector<1xf32>
    %reduce_max3A_234 = vector.multi_reduction <maximumf>, %reduce_max3A_232, %reduce_max3A_233 [1, 2] : vector<1x128x128xf32> to vector<1xf32>
    %reduce_max3A_235 = vector.shape_cast %reduce_max3A_234 : vector<1xf32> to vector<1x1x1xf32>
    %reduce_max3A_236 = vector.extract %reduce_max3A_235[0, 0, 0] : f32 from vector<1x1x1xf32>
    %max3A_237 = arith.maximumf %max3A_217, %reduce_max3A_236 : f32
    %slice3A_238 = vector.extract_strided_slice %slice3A {offsets = [0, 512], sizes = [128, 128], strides = [1, 1]} : vector<1024x768xf32> to vector<128x128xf32>
    %slice3A_239 = vector.extract_strided_slice %slice3A_156 {offsets = [0, 512], sizes = [128, 128], strides = [1, 1]} : vector<1024x768xf32> to vector<128x128xf32>
    %dot_general3A_240 = arith.constant dense<0.000000e+00> : vector<128x128xf32>
    %dot_general3A_241 = tpu.matmul %slice3A_238, %slice3A_239, %dot_general3A_240 {dimension_numbers = #tpu.dot_dimension_numbers<[1], [1], [0], [0], [0, 0, 1, 0], [], []>, transpose_lhs_hint = false} : vector<128x128xf32>, vector<128x128xf32>, vector<128x128xf32> -> vector<128x128xf32>
    %mul3A_242 = arith.constant 0.0883883461 : f32
    %mul3A_243 = vector.broadcast %mul3A_242 : f32 to vector<128x128xf32>
    %mul3A_244 = arith.mulf %dot_general3A_241, %mul3A_243 : vector<128x128xf32>
    %swap3A_245 = arith.constant 0 : index
    %swap3A_246 = arith.constant 4 : index
    %swap3A_247 = arith.constant 0 : index
    %swap3A_248 = arith.constant 0 : index
    %swap3A_249 = vector.load %arg14[%swap3A_245, %swap3A_246, %swap3A_247, %swap3A_248] : memref<8x6x128x128xf32, #tpu.memory_space<vmem>>, vector<1x1x128x128xf32>
    %swap3A_250 = vector.shape_cast %swap3A_249 : vector<1x1x128x128xf32> to vector<128x128xf32>
    %swap3A_251 = vector.shape_cast %mul3A_244 : vector<128x128xf32> to vector<1x1x128x128xf32>
    tpu.vector_store %arg14[%swap3A_245, %swap3A_246, %swap3A_247, %swap3A_248], %swap3A_251 {strides = array<i32>} : memref<8x6x128x128xf32, #tpu.memory_space<vmem>>, vector<1x1x128x128xf32>,
    %reduce_max3A_252 = vector.shape_cast %mul3A_244 : vector<128x128xf32> to vector<1x128x128xf32>
    %reduce_max3A_253 = arith.constant dense<0xFF800000> : vector<1xf32>
    %reduce_max3A_254 = vector.multi_reduction <maximumf>, %reduce_max3A_252, %reduce_max3A_253 [1, 2] : vector<1x128x128xf32> to vector<1xf32>
    %reduce_max3A_255 = vector.shape_cast %reduce_max3A_254 : vector<1xf32> to vector<1x1x1xf32>
    %reduce_max3A_256 = vector.extract %reduce_max3A_255[0, 0, 0] : f32 from vector<1x1x1xf32>
    %max3A_257 = arith.maximumf %max3A_237, %reduce_max3A_256 : f32
    %slice3A_258 = vector.extract_strided_slice %slice3A {offsets = [0, 640], sizes = [128, 128], strides = [1, 1]} : vector<1024x768xf32> to vector<128x128xf32>
    %slice3A_259 = vector.extract_strided_slice %slice3A_156 {offsets = [0, 640], sizes = [128, 128], strides = [1, 1]} : vector<1024x768xf32> to vector<128x128xf32>
    %dot_general3A_260 = arith.constant dense<0.000000e+00> : vector<128x128xf32>
    %dot_general3A_261 = tpu.matmul %slice3A_258, %slice3A_259, %dot_general3A_260 {dimension_numbers = #tpu.dot_dimension_numbers<[1], [1], [0], [0], [0, 0, 1, 0], [], []>, transpose_lhs_hint = false} : vector<128x128xf32>, vector<128x128xf32>, vector<128x128xf32> -> vector<128x128xf32>
    %mul3A_262 = arith.constant 0.0883883461 : f32
    %mul3A_263 = vector.broadcast %mul3A_262 : f32 to vector<128x128xf32>
    %mul3A_264 = arith.mulf %dot_general3A_261, %mul3A_263 : vector<128x128xf32>
    %swap3A_265 = arith.constant 0 : index
    %swap3A_266 = arith.constant 5 : index
    %swap3A_267 = arith.constant 0 : index
    %swap3A_268 = arith.constant 0 : index
    %swap3A_269 = vector.load %arg14[%swap3A_265, %swap3A_266, %swap3A_267, %swap3A_268] : memref<8x6x128x128xf32, #tpu.memory_space<vmem>>, vector<1x1x128x128xf32>
    %swap3A_270 = vector.shape_cast %swap3A_269 : vector<1x1x128x128xf32> to vector<128x128xf32>
    %swap3A_271 = vector.shape_cast %mul3A_264 : vector<128x128xf32> to vector<1x1x128x128xf32>
    tpu.vector_store %arg14[%swap3A_265, %swap3A_266, %swap3A_267, %swap3A_268], %swap3A_271 {strides = array<i32>} : memref<8x6x128x128xf32, #tpu.memory_space<vmem>>, vector<1x1x128x128xf32>,
    %reduce_max3A_272 = vector.shape_cast %mul3A_264 : vector<128x128xf32> to vector<1x128x128xf32>
    %reduce_max3A_273 = arith.constant dense<0xFF800000> : vector<1xf32>
    %reduce_max3A_274 = vector.multi_reduction <maximumf>, %reduce_max3A_272, %reduce_max3A_273 [1, 2] : vector<1x128x128xf32> to vector<1xf32>
    %reduce_max3A_275 = vector.shape_cast %reduce_max3A_274 : vector<1xf32> to vector<1x1x1xf32>
    %reduce_max3A_276 = vector.extract %reduce_max3A_275[0, 0, 0] : f32 from vector<1x1x1xf32>
    %max3A_277 = arith.maximumf %max3A_257, %reduce_max3A_276 : f32
    %slice3A_278 = vector.extract_strided_slice %slice3A {offsets = [128, 0], sizes = [128, 128], strides = [1, 1]} : vector<1024x768xf32> to vector<128x128xf32>
    %slice3A_279 = vector.extract_strided_slice %slice3A_156 {offsets = [128, 0], sizes = [128, 128], strides = [1, 1]} : vector<1024x768xf32> to vector<128x128xf32>
    %dot_general3A_280 = arith.constant dense<0.000000e+00> : vector<128x128xf32>
    %dot_general3A_281 = tpu.matmul %slice3A_278, %slice3A_279, %dot_general3A_280 {dimension_numbers = #tpu.dot_dimension_numbers<[1], [1], [0], [0], [0, 0, 1, 0], [], []>, transpose_lhs_hint = false} : vector<128x128xf32>, vector<128x128xf32>, vector<128x128xf32> -> vector<128x128xf32>
    %mul3A_282 = arith.constant 0.0883883461 : f32
    %mul3A_283 = vector.broadcast %mul3A_282 : f32 to vector<128x128xf32>
    %mul3A_284 = arith.mulf %dot_general3A_281, %mul3A_283 : vector<128x128xf32>
    %swap3A_285 = arith.constant 1 : index
    %swap3A_286 = arith.constant 0 : index
    %swap3A_287 = arith.constant 0 : index
    %swap3A_288 = arith.constant 0 : index
    %swap3A_289 = vector.load %arg14[%swap3A_285, %swap3A_286, %swap3A_287, %swap3A_288] : memref<8x6x128x128xf32, #tpu.memory_space<vmem>>, vector<1x1x128x128xf32>
    %swap3A_290 = vector.shape_cast %swap3A_289 : vector<1x1x128x128xf32> to vector<128x128xf32>
    %swap3A_291 = vector.shape_cast %mul3A_284 : vector<128x128xf32> to vector<1x1x128x128xf32>
    tpu.vector_store %arg14[%swap3A_285, %swap3A_286, %swap3A_287, %swap3A_288], %swap3A_291 {strides = array<i32>} : memref<8x6x128x128xf32, #tpu.memory_space<vmem>>, vector<1x1x128x128xf32>,
    %reduce_max3A_292 = vector.shape_cast %mul3A_284 : vector<128x128xf32> to vector<1x128x128xf32>
    %reduce_max3A_293 = arith.constant dense<0xFF800000> : vector<1xf32>
    %reduce_max3A_294 = vector.multi_reduction <maximumf>, %reduce_max3A_292, %reduce_max3A_293 [1, 2] : vector<1x128x128xf32> to vector<1xf32>
    %reduce_max3A_295 = vector.shape_cast %reduce_max3A_294 : vector<1xf32> to vector<1x1x1xf32>
    %reduce_max3A_296 = vector.extract %reduce_max3A_295[0, 0, 0] : f32 from vector<1x1x1xf32>
    %max3A_297 = arith.maximumf %max3A_277, %reduce_max3A_296 : f32
    %slice3A_298 = vector.extract_strided_slice %slice3A {offsets = [128, 128], sizes = [128, 128], strides = [1, 1]} : vector<1024x768xf32> to vector<128x128xf32>
    %slice3A_299 = vector.extract_strided_slice %slice3A_156 {offsets = [128, 128], sizes = [128, 128], strides = [1, 1]} : vector<1024x768xf32> to vector<128x128xf32>
    %dot_general3A_300 = arith.constant dense<0.000000e+00> : vector<128x128xf32>
    %dot_general3A_301 = tpu.matmul %slice3A_298, %slice3A_299, %dot_general3A_300 {dimension_numbers = #tpu.dot_dimension_numbers<[1], [1], [0], [0], [0, 0, 1, 0], [], []>, transpose_lhs_hint = false} : vector<128x128xf32>, vector<128x128xf32>, vector<128x128xf32> -> vector<128x128xf32>
    %mul3A_302 = arith.constant 0.0883883461 : f32
    %mul3A_303 = vector.broadcast %mul3A_302 : f32 to vector<128x128xf32>
    %mul3A_304 = arith.mulf %dot_general3A_301, %mul3A_303 : vector<128x128xf32>
    %swap3A_305 = arith.constant 1 : index
    %swap3A_306 = arith.constant 1 : index
    %swap3A_307 = arith.constant 0 : index
    %swap3A_308 = arith.constant 0 : index
    %swap3A_309 = vector.load %arg14[%swap3A_305, %swap3A_306, %swap3A_307, %swap3A_308] : memref<8x6x128x128xf32, #tpu.memory_space<vmem>>, vector<1x1x128x128xf32>
    %swap3A_310 = vector.shape_cast %swap3A_309 : vector<1x1x128x128xf32> to vector<128x128xf32>
    %swap3A_311 = vector.shape_cast %mul3A_304 : vector<128x128xf32> to vector<1x1x128x128xf32>
    tpu.vector_store %arg14[%swap3A_305, %swap3A_306, %swap3A_307, %swap3A_308], %swap3A_311 {strides = array<i32>} : memref<8x6x128x128xf32, #tpu.memory_space<vmem>>, vector<1x1x128x128xf32>,
    %reduce_max3A_312 = vector.shape_cast %mul3A_304 : vector<128x128xf32> to vector<1x128x128xf32>
    %reduce_max3A_313 = arith.constant dense<0xFF800000> : vector<1xf32>
    %reduce_max3A_314 = vector.multi_reduction <maximumf>, %reduce_max3A_312, %reduce_max3A_313 [1, 2] : vector<1x128x128xf32> to vector<1xf32>
    %reduce_max3A_315 = vector.shape_cast %reduce_max3A_314 : vector<1xf32> to vector<1x1x1xf32>
    %reduce_max3A_316 = vector.extract %reduce_max3A_315[0, 0, 0] : f32 from vector<1x1x1xf32>
    %max3A_317 = arith.maximumf %max3A_297, %reduce_max3A_316 : f32
    %slice3A_318 = vector.extract_strided_slice %slice3A {offsets = [128, 256], sizes = [128, 128], strides = [1, 1]} : vector<1024x768xf32> to vector<128x128xf32>
    %slice3A_319 = vector.extract_strided_slice %slice3A_156 {offsets = [128, 256], sizes = [128, 128], strides = [1, 1]} : vector<1024x768xf32> to vector<128x128xf32>
    %dot_general3A_320 = arith.constant dense<0.000000e+00> : vector<128x128xf32>
    %dot_general3A_321 = tpu.matmul %slice3A_318, %slice3A_319, %dot_general3A_320 {dimension_numbers = #tpu.dot_dimension_numbers<[1], [1], [0], [0], [0, 0, 1, 0], [], []>, transpose_lhs_hint = false} : vector<128x128xf32>, vector<128x128xf32>, vector<128x128xf32> -> vector<128x128xf32>
    %mul3A_322 = arith.constant 0.0883883461 : f32
    %mul3A_323 = vector.broadcast %mul3A_322 : f32 to vector<128x128xf32>
    %mul3A_324 = arith.mulf %dot_general3A_321, %mul3A_323 : vector<128x128xf32>
    %swap3A_325 = arith.constant 1 : index
    %swap3A_326 = arith.constant 2 : index
    %swap3A_327 = arith.constant 0 : index
    %swap3A_328 = arith.constant 0 : index
    %swap3A_329 = vector.load %arg14[%swap3A_325, %swap3A_326, %swap3A_327, %swap3A_328] : memref<8x6x128x128xf32, #tpu.memory_space<vmem>>, vector<1x1x128x128xf32>
    %swap3A_330 = vector.shape_cast %swap3A_329 : vector<1x1x128x128xf32> to vector<128x128xf32>
    %swap3A_331 = vector.shape_cast %mul3A_324 : vector<128x128xf32> to vector<1x1x128x128xf32>
    tpu.vector_store %arg14[%swap3A_325, %swap3A_326, %swap3A_327, %swap3A_328], %swap3A_331 {strides = array<i32>} : memref<8x6x128x128xf32, #tpu.memory_space<vmem>>, vector<1x1x128x128xf32>,
    %reduce_max3A_332 = vector.shape_cast %mul3A_324 : vector<128x128xf32> to vector<1x128x128xf32>
    %reduce_max3A_333 = arith.constant dense<0xFF800000> : vector<1xf32>
    %reduce_max3A_334 = vector.multi_reduction <maximumf>, %reduce_max3A_332, %reduce_max3A_333 [1, 2] : vector<1x128x128xf32> to vector<1xf32>
    %reduce_max3A_335 = vector.shape_cast %reduce_max3A_334 : vector<1xf32> to vector<1x1x1xf32>
    %reduce_max3A_336 = vector.extract %reduce_max3A_335[0, 0, 0] : f32 from vector<1x1x1xf32>
    %max3A_337 = arith.maximumf %max3A_317, %reduce_max3A_336 : f32
    %slice3A_338 = vector.extract_strided_slice %slice3A {offsets = [128, 384], sizes = [128, 128], strides = [1, 1]} : vector<1024x768xf32> to vector<128x128xf32>
    %slice3A_339 = vector.extract_strided_slice %slice3A_156 {offsets = [128, 384], sizes = [128, 128], strides = [1, 1]} : vector<1024x768xf32> to vector<128x128xf32>
    %dot_general3A_340 = arith.constant dense<0.000000e+00> : vector<128x128xf32>
    %dot_general3A_341 = tpu.matmul %slice3A_338, %slice3A_339, %dot_general3A_340 {dimension_numbers = #tpu.dot_dimension_numbers<[1], [1], [0], [0], [0, 0, 1, 0], [], []>, transpose_lhs_hint = false} : vector<128x128xf32>, vector<128x128xf32>, vector<128x128xf32> -> vector<128x128xf32>
    %mul3A_342 = arith.constant 0.0883883461 : f32
    %mul3A_343 = vector.broadcast %mul3A_342 : f32 to vector<128x128xf32>
    %mul3A_344 = arith.mulf %dot_general3A_341, %mul3A_343 : vector<128x128xf32>
    %swap3A_345 = arith.constant 1 : index
    %swap3A_346 = arith.constant 3 : index
    %swap3A_347 = arith.constant 0 : index
    %swap3A_348 = arith.constant 0 : index
    %swap3A_349 = vector.load %arg14[%swap3A_345, %swap3A_346, %swap3A_347, %swap3A_348] : memref<8x6x128x128xf32, #tpu.memory_space<vmem>>, vector<1x1x128x128xf32>
    %swap3A_350 = vector.shape_cast %swap3A_349 : vector<1x1x128x128xf32> to vector<128x128xf32>
    %swap3A_351 = vector.shape_cast %mul3A_344 : vector<128x128xf32> to vector<1x1x128x128xf32>
    tpu.vector_store %arg14[%swap3A_345, %swap3A_346, %swap3A_347, %swap3A_348], %swap3A_351 {strides = array<i32>} : memref<8x6x128x128xf32, #tpu.memory_space<vmem>>, vector<1x1x128x128xf32>,
    %reduce_max3A_352 = vector.shape_cast %mul3A_344 : vector<128x128xf32> to vector<1x128x128xf32>
    %reduce_max3A_353 = arith.constant dense<0xFF800000> : vector<1xf32>
    %reduce_max3A_354 = vector.multi_reduction <maximumf>, %reduce_max3A_352, %reduce_max3A_353 [1, 2] : vector<1x128x128xf32> to vector<1xf32>
    %reduce_max3A_355 = vector.shape_cast %reduce_max3A_354 : vector<1xf32> to vector<1x1x1xf32>
    %reduce_max3A_356 = vector.extract %reduce_max3A_355[0, 0, 0] : f32 from vector<1x1x1xf32>
    %max3A_357 = arith.maximumf %max3A_337, %reduce_max3A_356 : f32
    %slice3A_358 = vector.extract_strided_slice %slice3A {offsets = [128, 512], sizes = [128, 128], strides = [1, 1]} : vector<1024x768xf32> to vector<128x128xf32>
    %slice3A_359 = vector.extract_strided_slice %slice3A_156 {offsets = [128, 512], sizes = [128, 128], strides = [1, 1]} : vector<1024x768xf32> to vector<128x128xf32>
    %dot_general3A_360 = arith.constant dense<0.000000e+00> : vector<128x128xf32>
    %dot_general3A_361 = tpu.matmul %slice3A_358, %slice3A_359, %dot_general3A_360 {dimension_numbers = #tpu.dot_dimension_numbers<[1], [1], [0], [0], [0, 0, 1, 0], [], []>, transpose_lhs_hint = false} : vector<128x128xf32>, vector<128x128xf32>, vector<128x128xf32> -> vector<128x128xf32>
    %mul3A_362 = arith.constant 0.0883883461 : f32
    %mul3A_363 = vector.broadcast %mul3A_362 : f32 to vector<128x128xf32>
    %mul3A_364 = arith.mulf %dot_general3A_361, %mul3A_363 : vector<128x128xf32>
    %swap3A_365 = arith.constant 1 : index
    %swap3A_366 = arith.constant 4 : index
    %swap3A_367 = arith.constant 0 : index
    %swap3A_368 = arith.constant 0 : index
    %swap3A_369 = vector.load %arg14[%swap3A_365, %swap3A_366, %swap3A_367, %swap3A_368] : memref<8x6x128x128xf32, #tpu.memory_space<vmem>>, vector<1x1x128x128xf32>
    %swap3A_370 = vector.shape_cast %swap3A_369 : vector<1x1x128x128xf32> to vector<128x128xf32>
    %swap3A_371 = vector.shape_cast %mul3A_364 : vector<128x128xf32> to vector<1x1x128x128xf32>
    tpu.vector_store %arg14[%swap3A_365, %swap3A_366, %swap3A_367, %swap3A_368], %swap3A_371 {strides = array<i32>} : memref<8x6x128x128xf32, #tpu.memory_space<vmem>>, vector<1x1x128x128xf32>,
    %reduce_max3A_372 = vector.shape_cast %mul3A_364 : vector<128x128xf32> to vector<1x128x128xf32>
    %reduce_max3A_373 = arith.constant dense<0xFF800000> : vector<1xf32>
    %reduce_max3A_374 = vector.multi_reduction <maximumf>, %reduce_max3A_372, %reduce_max3A_373 [1, 2] : vector<1x128x128xf32> to vector<1xf32>
    %reduce_max3A_375 = vector.shape_cast %reduce_max3A_374 : vector<1xf32> to vector<1x1x1xf32>
    %reduce_max3A_376 = vector.extract %reduce_max3A_375[0, 0, 0] : f32 from vector<1x1x1xf32>
    %max3A_377 = arith.maximumf %max3A_357, %reduce_max3A_376 : f32
    %slice3A_378 = vector.extract_strided_slice %slice3A {offsets = [128, 640], sizes = [128, 128], strides = [1, 1]} : vector<1024x768xf32> to vector<128x128xf32>
    %slice3A_379 = vector.extract_strided_slice %slice3A_156 {offsets = [128, 640], sizes = [128, 128], strides = [1, 1]} : vector<1024x768xf32> to vector<128x128xf32>
    %dot_general3A_380 = arith.constant dense<0.000000e+00> : vector<128x128xf32>
    %dot_general3A_381 = tpu.matmul %slice3A_378, %slice3A_379, %dot_general3A_380 {dimension_numbers = #tpu.dot_dimension_numbers<[1], [1], [0], [0], [0, 0, 1, 0], [], []>, transpose_lhs_hint = false} : vector<128x128xf32>, vector<128x128xf32>, vector<128x128xf32> -> vector<128x128xf32>
    %mul3A_382 = arith.constant 0.0883883461 : f32
    %mul3A_383 = vector.broadcast %mul3A_382 : f32 to vector<128x128xf32>
    %mul3A_384 = arith.mulf %dot_general3A_381, %mul3A_383 : vector<128x128xf32>
    %swap3A_385 = arith.constant 1 : index
    %swap3A_386 = arith.constant 5 : index
    %swap3A_387 = arith.constant 0 : index
    %swap3A_388 = arith.constant 0 : index
    %swap3A_389 = vector.load %arg14[%swap3A_385, %swap3A_386, %swap3A_387, %swap3A_388] : memref<8x6x128x128xf32, #tpu.memory_space<vmem>>, vector<1x1x128x128xf32>
    %swap3A_390 = vector.shape_cast %swap3A_389 : vector<1x1x128x128xf32> to vector<128x128xf32>
    %swap3A_391 = vector.shape_cast %mul3A_384 : vector<128x128xf32> to vector<1x1x128x128xf32>
    tpu.vector_store %arg14[%swap3A_385, %swap3A_386, %swap3A_387, %swap3A_388], %swap3A_391 {strides = array<i32>} : memref<8x6x128x128xf32, #tpu.memory_space<vmem>>, vector<1x1x128x128xf32>,
    %reduce_max3A_392 = vector.shape_cast %mul3A_384 : vector<128x128xf32> to vector<1x128x128xf32>
    %reduce_max3A_393 = arith.constant dense<0xFF800000> : vector<1xf32>
    %reduce_max3A_394 = vector.multi_reduction <maximumf>, %reduce_max3A_392, %reduce_max3A_393 [1, 2] : vector<1x128x128xf32> to vector<1xf32>
    %reduce_max3A_395 = vector.shape_cast %reduce_max3A_394 : vector<1xf32> to vector<1x1x1xf32>
    %reduce_max3A_396 = vector.extract %reduce_max3A_395[0, 0, 0] : f32 from vector<1x1x1xf32>
    %max3A_397 = arith.maximumf %max3A_377, %reduce_max3A_396 : f32
    %slice3A_398 = vector.extract_strided_slice %slice3A {offsets = [256, 0], sizes = [128, 128], strides = [1, 1]} : vector<1024x768xf32> to vector<128x128xf32>
    %slice3A_399 = vector.extract_strided_slice %slice3A_156 {offsets = [256, 0], sizes = [128, 128], strides = [1, 1]} : vector<1024x768xf32> to vector<128x128xf32>
    %dot_general3A_400 = arith.constant dense<0.000000e+00> : vector<128x128xf32>
    %dot_general3A_401 = tpu.matmul %slice3A_398, %slice3A_399, %dot_general3A_400 {dimension_numbers = #tpu.dot_dimension_numbers<[1], [1], [0], [0], [0, 0, 1, 0], [], []>, transpose_lhs_hint = false} : vector<128x128xf32>, vector<128x128xf32>, vector<128x128xf32> -> vector<128x128xf32>
    %mul3A_402 = arith.constant 0.0883883461 : f32
    %mul3A_403 = vector.broadcast %mul3A_402 : f32 to vector<128x128xf32>
    %mul3A_404 = arith.mulf %dot_general3A_401, %mul3A_403 : vector<128x128xf32>
    %swap3A_405 = arith.constant 2 : index
    %swap3A_406 = arith.constant 0 : index
    %swap3A_407 = arith.constant 0 : index
    %swap3A_408 = arith.constant 0 : index
    %swap3A_409 = vector.load %arg14[%swap3A_405, %swap3A_406, %swap3A_407, %swap3A_408] : memref<8x6x128x128xf32, #tpu.memory_space<vmem>>, vector<1x1x128x128xf32>
    %swap3A_410 = vector.shape_cast %swap3A_409 : vector<1x1x128x128xf32> to vector<128x128xf32>
    %swap3A_411 = vector.shape_cast %mul3A_404 : vector<128x128xf32> to vector<1x1x128x128xf32>
    tpu.vector_store %arg14[%swap3A_405, %swap3A_406, %swap3A_407, %swap3A_408], %swap3A_411 {strides = array<i32>} : memref<8x6x128x128xf32, #tpu.memory_space<vmem>>, vector<1x1x128x128xf32>,
    %reduce_max3A_412 = vector.shape_cast %mul3A_404 : vector<128x128xf32> to vector<1x128x128xf32>
    %reduce_max3A_413 = arith.constant dense<0xFF800000> : vector<1xf32>
    %reduce_max3A_414 = vector.multi_reduction <maximumf>, %reduce_max3A_412, %reduce_max3A_413 [1, 2] : vector<1x128x128xf32> to vector<1xf32>
    %reduce_max3A_415 = vector.shape_cast %reduce_max3A_414 : vector<1xf32> to vector<1x1x1xf32>
    %reduce_max3A_416 = vector.extract %reduce_max3A_415[0, 0, 0] : f32 from vector<1x1x1xf32>
    %max3A_417 = arith.maximumf %max3A_397, %reduce_max3A_416 : f32
    %slice3A_418 = vector.extract_strided_slice %slice3A {offsets = [256, 128], sizes = [128, 128], strides = [1, 1]} : vector<1024x768xf32> to vector<128x128xf32>
    %slice3A_419 = vector.extract_strided_slice %slice3A_156 {offsets = [256, 128], sizes = [128, 128], strides = [1, 1]} : vector<1024x768xf32> to vector<128x128xf32>
    %dot_general3A_420 = arith.constant dense<0.000000e+00> : vector<128x128xf32>
    %dot_general3A_421 = tpu.matmul %slice3A_418, %slice3A_419, %dot_general3A_420 {dimension_numbers = #tpu.dot_dimension_numbers<[1], [1], [0], [0], [0, 0, 1, 0], [], []>, transpose_lhs_hint = false} : vector<128x128xf32>, vector<128x128xf32>, vector<128x128xf32> -> vector<128x128xf32>
    %mul3A_422 = arith.constant 0.0883883461 : f32
    %mul3A_423 = vector.broadcast %mul3A_422 : f32 to vector<128x128xf32>
    %mul3A_424 = arith.mulf %dot_general3A_421, %mul3A_423 : vector<128x128xf32>
    %swap3A_425 = arith.constant 2 : index
    %swap3A_426 = arith.constant 1 : index
    %swap3A_427 = arith.constant 0 : index
    %swap3A_428 = arith.constant 0 : index
    %swap3A_429 = vector.load %arg14[%swap3A_425, %swap3A_426, %swap3A_427, %swap3A_428] : memref<8x6x128x128xf32, #tpu.memory_space<vmem>>, vector<1x1x128x128xf32>
    %swap3A_430 = vector.shape_cast %swap3A_429 : vector<1x1x128x128xf32> to vector<128x128xf32>
    %swap3A_431 = vector.shape_cast %mul3A_424 : vector<128x128xf32> to vector<1x1x128x128xf32>
    tpu.vector_store %arg14[%swap3A_425, %swap3A_426, %swap3A_427, %swap3A_428], %swap3A_431 {strides = array<i32>} : memref<8x6x128x128xf32, #tpu.memory_space<vmem>>, vector<1x1x128x128xf32>,
    %reduce_max3A_432 = vector.shape_cast %mul3A_424 : vector<128x128xf32> to vector<1x128x128xf32>
    %reduce_max3A_433 = arith.constant dense<0xFF800000> : vector<1xf32>
    %reduce_max3A_434 = vector.multi_reduction <maximumf>, %reduce_max3A_432, %reduce_max3A_433 [1, 2] : vector<1x128x128xf32> to vector<1xf32>
    %reduce_max3A_435 = vector.shape_cast %reduce_max3A_434 : vector<1xf32> to vector<1x1x1xf32>
    %reduce_max3A_436 = vector.extract %reduce_max3A_435[0, 0, 0] : f32 from vector<1x1x1xf32>
    %max3A_437 = arith.maximumf %max3A_417, %reduce_max3A_436 : f32
    %slice3A_438 = vector.extract_strided_slice %slice3A {offsets = [256, 256], sizes = [128, 128], strides = [1, 1]} : vector<1024x768xf32> to vector<128x128xf32>
    %slice3A_439 = vector.extract_strided_slice %slice3A_156 {offsets = [256, 256], sizes = [128, 128], strides = [1, 1]} : vector<1024x768xf32> to vector<128x128xf32>
    %dot_general3A_440 = arith.constant dense<0.000000e+00> : vector<128x128xf32>
    %dot_general3A_441 = tpu.matmul %slice3A_438, %slice3A_439, %dot_general3A_440 {dimension_numbers = #tpu.dot_dimension_numbers<[1], [1], [0], [0], [0, 0, 1, 0], [], []>, transpose_lhs_hint = false} : vector<128x128xf32>, vector<128x128xf32>, vector<128x128xf32> -> vector<128x128xf32>
    %mul3A_442 = arith.constant 0.0883883461 : f32
    %mul3A_443 = vector.broadcast %mul3A_442 : f32 to vector<128x128xf32>
    %mul3A_444 = arith.mulf %dot_general3A_441, %mul3A_443 : vector<128x128xf32>
    %swap3A_445 = arith.constant 2 : index
    %swap3A_446 = arith.constant 2 : index
    %swap3A_447 = arith.constant 0 : index
    %swap3A_448 = arith.constant 0 : index
    %swap3A_449 = vector.load %arg14[%swap3A_445, %swap3A_446, %swap3A_447, %swap3A_448] : memref<8x6x128x128xf32, #tpu.memory_space<vmem>>, vector<1x1x128x128xf32>
    %swap3A_450 = vector.shape_cast %swap3A_449 : vector<1x1x128x128xf32> to vector<128x128xf32>
    %swap3A_451 = vector.shape_cast %mul3A_444 : vector<128x128xf32> to vector<1x1x128x128xf32>
    tpu.vector_store %arg14[%swap3A_445, %swap3A_446, %swap3A_447, %swap3A_448], %swap3A_451 {strides = array<i32>} : memref<8x6x128x128xf32, #tpu.memory_space<vmem>>, vector<1x1x128x128xf32>,
    %reduce_max3A_452 = vector.shape_cast %mul3A_444 : vector<128x128xf32> to vector<1x128x128xf32>
    %reduce_max3A_453 = arith.constant dense<0xFF800000> : vector<1xf32>
    %reduce_max3A_454 = vector.multi_reduction <maximumf>, %reduce_max3A_452, %reduce_max3A_453 [1, 2] : vector<1x128x128xf32> to vector<1xf32>
    %reduce_max3A_455 = vector.shape_cast %reduce_max3A_454 : vector<1xf32> to vector<1x1x1xf32>
    %reduce_max3A_456 = vector.extract %reduce_max3A_455[0, 0, 0] : f32 from vector<1x1x1xf32>
    %max3A_457 = arith.maximumf %max3A_437, %reduce_max3A_456 : f32
    %slice3A_458 = vector.extract_strided_slice %slice3A {offsets = [256, 384], sizes = [128, 128], strides = [1, 1]} : vector<1024x768xf32> to vector<128x128xf32>
    %slice3A_459 = vector.extract_strided_slice %slice3A_156 {offsets = [256, 384], sizes = [128, 128], strides = [1, 1]} : vector<1024x768xf32> to vector<128x128xf32>
    %dot_general3A_460 = arith.constant dense<0.000000e+00> : vector<128x128xf32>
    %dot_general3A_461 = tpu.matmul %slice3A_458, %slice3A_459, %dot_general3A_460 {dimension_numbers = #tpu.dot_dimension_numbers<[1], [1], [0], [0], [0, 0, 1, 0], [], []>, transpose_lhs_hint = false} : vector<128x128xf32>, vector<128x128xf32>, vector<128x128xf32> -> vector<128x128xf32>
    %mul3A_462 = arith.constant 0.0883883461 : f32
    %mul3A_463 = vector.broadcast %mul3A_462 : f32 to vector<128x128xf32>
    %mul3A_464 = arith.mulf %dot_general3A_461, %mul3A_463 : vector<128x128xf32>
    %swap3A_465 = arith.constant 2 : index
    %swap3A_466 = arith.constant 3 : index
    %swap3A_467 = arith.constant 0 : index
    %swap3A_468 = arith.constant 0 : index
    %swap3A_469 = vector.load %arg14[%swap3A_465, %swap3A_466, %swap3A_467, %swap3A_468] : memref<8x6x128x128xf32, #tpu.memory_space<vmem>>, vector<1x1x128x128xf32>
    %swap3A_470 = vector.shape_cast %swap3A_469 : vector<1x1x128x128xf32> to vector<128x128xf32>
    %swap3A_471 = vector.shape_cast %mul3A_464 : vector<128x128xf32> to vector<1x1x128x128xf32>
    tpu.vector_store %arg14[%swap3A_465, %swap3A_466, %swap3A_467, %swap3A_468], %swap3A_471 {strides = array<i32>} : memref<8x6x128x128xf32, #tpu.memory_space<vmem>>, vector<1x1x128x128xf32>,
    %reduce_max3A_472 = vector.shape_cast %mul3A_464 : vector<128x128xf32> to vector<1x128x128xf32>
    %reduce_max3A_473 = arith.constant dense<0xFF800000> : vector<1xf32>
    %reduce_max3A_474 = vector.multi_reduction <maximumf>, %reduce_max3A_472, %reduce_max3A_473 [1, 2] : vector<1x128x128xf32> to vector<1xf32>
    %reduce_max3A_475 = vector.shape_cast %reduce_max3A_474 : vector<1xf32> to vector<1x1x1xf32>
    %reduce_max3A_476 = vector.extract %reduce_max3A_475[0, 0, 0] : f32 from vector<1x1x1xf32>
    %max3A_477 = arith.maximumf %max3A_457, %reduce_max3A_476 : f32
    %slice3A_478 = vector.extract_strided_slice %slice3A {offsets = [256, 512], sizes = [128, 128], strides = [1, 1]} : vector<1024x768xf32> to vector<128x128xf32>
    %slice3A_479 = vector.extract_strided_slice %slice3A_156 {offsets = [256, 512], sizes = [128, 128], strides = [1, 1]} : vector<1024x768xf32> to vector<128x128xf32>
    %dot_general3A_480 = arith.constant dense<0.000000e+00> : vector<128x128xf32>
    %dot_general3A_481 = tpu.matmul %slice3A_478, %slice3A_479, %dot_general3A_480 {dimension_numbers = #tpu.dot_dimension_numbers<[1], [1], [0], [0], [0, 0, 1, 0], [], []>, transpose_lhs_hint = false} : vector<128x128xf32>, vector<128x128xf32>, vector<128x128xf32> -> vector<128x128xf32>
    %mul3A_482 = arith.constant 0.0883883461 : f32
    %mul3A_483 = vector.broadcast %mul3A_482 : f32 to vector<128x128xf32>
    %mul3A_484 = arith.mulf %dot_general3A_481, %mul3A_483 : vector<128x128xf32>
    %swap3A_485 = arith.constant 2 : index
    %swap3A_486 = arith.constant 4 : index
    %swap3A_487 = arith.constant 0 : index
    %swap3A_488 = arith.constant 0 : index
    %swap3A_489 = vector.load %arg14[%swap3A_485, %swap3A_486, %swap3A_487, %swap3A_488] : memref<8x6x128x128xf32, #tpu.memory_space<vmem>>, vector<1x1x128x128xf32>
    %swap3A_490 = vector.shape_cast %swap3A_489 : vector<1x1x128x128xf32> to vector<128x128xf32>
    %swap3A_491 = vector.shape_cast %mul3A_484 : vector<128x128xf32> to vector<1x1x128x128xf32>
    tpu.vector_store %arg14[%swap3A_485, %swap3A_486, %swap3A_487, %swap3A_488], %swap3A_491 {strides = array<i32>} : memref<8x6x128x128xf32, #tpu.memory_space<vmem>>, vector<1x1x128x128xf32>,
    %reduce_max3A_492 = vector.shape_cast %mul3A_484 : vector<128x128xf32> to vector<1x128x128xf32>
    %reduce_max3A_493 = arith.constant dense<0xFF800000> : vector<1xf32>
    %reduce_max3A_494 = vector.multi_reduction <maximumf>, %reduce_max3A_492, %reduce_max3A_493 [1, 2] : vector<1x128x128xf32> to vector<1xf32>
    %reduce_max3A_495 = vector.shape_cast %reduce_max3A_494 : vector<1xf32> to vector<1x1x1xf32>
    %reduce_max3A_496 = vector.extract %reduce_max3A_495[0, 0, 0] : f32 from vector<1x1x1xf32>
    %max3A_497 = arith.maximumf %max3A_477, %reduce_max3A_496 : f32
    %slice3A_498 = vector.extract_strided_slice %slice3A {offsets = [256, 640], sizes = [128, 128], strides = [1, 1]} : vector<1024x768xf32> to vector<128x128xf32>
    %slice3A_499 = vector.extract_strided_slice %slice3A_156 {offsets = [256, 640], sizes = [128, 128], strides = [1, 1]} : vector<1024x768xf32> to vector<128x128xf32>
    %dot_general3A_500 = arith.constant dense<0.000000e+00> : vector<128x128xf32>
    %dot_general3A_501 = tpu.matmul %slice3A_498, %slice3A_499, %dot_general3A_500 {dimension_numbers = #tpu.dot_dimension_numbers<[1], [1], [0], [0], [0, 0, 1, 0], [], []>, transpose_lhs_hint = false} : vector<128x128xf32>, vector<128x128xf32>, vector<128x128xf32> -> vector<128x128xf32>
    %mul3A_502 = arith.constant 0.0883883461 : f32
    %mul3A_503 = vector.broadcast %mul3A_502 : f32 to vector<128x128xf32>
    %mul3A_504 = arith.mulf %dot_general3A_501, %mul3A_503 : vector<128x128xf32>
    %swap3A_505 = arith.constant 2 : index
    %swap3A_506 = arith.constant 5 : index
    %swap3A_507 = arith.constant 0 : index
    %swap3A_508 = arith.constant 0 : index
    %swap3A_509 = vector.load %arg14[%swap3A_505, %swap3A_506, %swap3A_507, %swap3A_508] : memref<8x6x128x128xf32, #tpu.memory_space<vmem>>, vector<1x1x128x128xf32>
    %swap3A_510 = vector.shape_cast %swap3A_509 : vector<1x1x128x128xf32> to vector<128x128xf32>
    %swap3A_511 = vector.shape_cast %mul3A_504 : vector<128x128xf32> to vector<1x1x128x128xf32>
    tpu.vector_store %arg14[%swap3A_505, %swap3A_506, %swap3A_507, %swap3A_508], %swap3A_511 {strides = array<i32>} : memref<8x6x128x128xf32, #tpu.memory_space<vmem>>, vector<1x1x128x128xf32>,
    %reduce_max3A_512 = vector.shape_cast %mul3A_504 : vector<128x128xf32> to vector<1x128x128xf32>
    %reduce_max3A_513 = arith.constant dense<0xFF800000> : vector<1xf32>
    %reduce_max3A_514 = vector.multi_reduction <maximumf>, %reduce_max3A_512, %reduce_max3A_513 [1, 2] : vector<1x128x128xf32> to vector<1xf32>
    %reduce_max3A_515 = vector.shape_cast %reduce_max3A_514 : vector<1xf32> to vector<1x1x1xf32>
    %reduce_max3A_516 = vector.extract %reduce_max3A_515[0, 0, 0] : f32 from vector<1x1x1xf32>
    %max3A_517 = arith.maximumf %max3A_497, %reduce_max3A_516 : f32
    %slice3A_518 = vector.extract_strided_slice %slice3A {offsets = [384, 0], sizes = [128, 128], strides = [1, 1]} : vector<1024x768xf32> to vector<128x128xf32>
    %slice3A_519 = vector.extract_strided_slice %slice3A_156 {offsets = [384, 0], sizes = [128, 128], strides = [1, 1]} : vector<1024x768xf32> to vector<128x128xf32>
    %dot_general3A_520 = arith.constant dense<0.000000e+00> : vector<128x128xf32>
    %dot_general3A_521 = tpu.matmul %slice3A_518, %slice3A_519, %dot_general3A_520 {dimension_numbers = #tpu.dot_dimension_numbers<[1], [1], [0], [0], [0, 0, 1, 0], [], []>, transpose_lhs_hint = false} : vector<128x128xf32>, vector<128x128xf32>, vector<128x128xf32> -> vector<128x128xf32>
    %mul3A_522 = arith.constant 0.0883883461 : f32
    %mul3A_523 = vector.broadcast %mul3A_522 : f32 to vector<128x128xf32>
    %mul3A_524 = arith.mulf %dot_general3A_521, %mul3A_523 : vector<128x128xf32>
    %swap3A_525 = arith.constant 3 : index
    %swap3A_526 = arith.constant 0 : index
    %swap3A_527 = arith.constant 0 : index
    %swap3A_528 = arith.constant 0 : index
    %swap3A_529 = vector.load %arg14[%swap3A_525, %swap3A_526, %swap3A_527, %swap3A_528] : memref<8x6x128x128xf32, #tpu.memory_space<vmem>>, vector<1x1x128x128xf32>
    %swap3A_530 = vector.shape_cast %swap3A_529 : vector<1x1x128x128xf32> to vector<128x128xf32>
    %swap3A_531 = vector.shape_cast %mul3A_524 : vector<128x128xf32> to vector<1x1x128x128xf32>
    tpu.vector_store %arg14[%swap3A_525, %swap3A_526, %swap3A_527, %swap3A_528], %swap3A_531 {strides = array<i32>} : memref<8x6x128x128xf32, #tpu.memory_space<vmem>>, vector<1x1x128x128xf32>,
    %reduce_max3A_532 = vector.shape_cast %mul3A_524 : vector<128x128xf32> to vector<1x128x128xf32>
    %reduce_max3A_533 = arith.constant dense<0xFF800000> : vector<1xf32>
    %reduce_max3A_534 = vector.multi_reduction <maximumf>, %reduce_max3A_532, %reduce_max3A_533 [1, 2] : vector<1x128x128xf32> to vector<1xf32>
    %reduce_max3A_535 = vector.shape_cast %reduce_max3A_534 : vector<1xf32> to vector<1x1x1xf32>
    %reduce_max3A_536 = vector.extract %reduce_max3A_535[0, 0, 0] : f32 from vector<1x1x1xf32>
    %max3A_537 = arith.maximumf %max3A_517, %reduce_max3A_536 : f32
    %slice3A_538 = vector.extract_strided_slice %slice3A {offsets = [384, 128], sizes = [128, 128], strides = [1, 1]} : vector<1024x768xf32> to vector<128x128xf32>
    %slice3A_539 = vector.extract_strided_slice %slice3A_156 {offsets = [384, 128], sizes = [128, 128], strides = [1, 1]} : vector<1024x768xf32> to vector<128x128xf32>
    %dot_general3A_540 = arith.constant dense<0.000000e+00> : vector<128x128xf32>
    %dot_general3A_541 = tpu.matmul %slice3A_538, %slice3A_539, %dot_general3A_540 {dimension_numbers = #tpu.dot_dimension_numbers<[1], [1], [0], [0], [0, 0, 1, 0], [], []>, transpose_lhs_hint = false} : vector<128x128xf32>, vector<128x128xf32>, vector<128x128xf32> -> vector<128x128xf32>
    %mul3A_542 = arith.constant 0.0883883461 : f32
    %mul3A_543 = vector.broadcast %mul3A_542 : f32 to vector<128x128xf32>
    %mul3A_544 = arith.mulf %dot_general3A_541, %mul3A_543 : vector<128x128xf32>
    %swap3A_545 = arith.constant 3 : index
    %swap3A_546 = arith.constant 1 : index
    %swap3A_547 = arith.constant 0 : index
    %swap3A_548 = arith.constant 0 : index
    %swap3A_549 = vector.load %arg14[%swap3A_545, %swap3A_546, %swap3A_547, %swap3A_548] : memref<8x6x128x128xf32, #tpu.memory_space<vmem>>, vector<1x1x128x128xf32>
    %swap3A_550 = vector.shape_cast %swap3A_549 : vector<1x1x128x128xf32> to vector<128x128xf32>
    %swap3A_551 = vector.shape_cast %mul3A_544 : vector<128x128xf32> to vector<1x1x128x128xf32>
    tpu.vector_store %arg14[%swap3A_545, %swap3A_546, %swap3A_547, %swap3A_548], %swap3A_551 {strides = array<i32>} : memref<8x6x128x128xf32, #tpu.memory_space<vmem>>, vector<1x1x128x128xf32>,
    %reduce_max3A_552 = vector.shape_cast %mul3A_544 : vector<128x128xf32> to vector<1x128x128xf32>
    %reduce_max3A_553 = arith.constant dense<0xFF800000> : vector<1xf32>
    %reduce_max3A_554 = vector.multi_reduction <maximumf>, %reduce_max3A_552, %reduce_max3A_553 [1, 2] : vector<1x128x128xf32> to vector<1xf32>
    %reduce_max3A_555 = vector.shape_cast %reduce_max3A_554 : vector<1xf32> to vector<1x1x1xf32>
    %reduce_max3A_556 = vector.extract %reduce_max3A_555[0, 0, 0] : f32 from vector<1x1x1xf32>
    %max3A_557 = arith.maximumf %max3A_537, %reduce_max3A_556 : f32
    %slice3A_558 = vector.extract_strided_slice %slice3A {offsets = [384, 256], sizes = [128, 128], strides = [1, 1]} : vector<1024x768xf32> to vector<128x128xf32>
    %slice3A_559 = vector.extract_strided_slice %slice3A_156 {offsets = [384, 256], sizes = [128, 128], strides = [1, 1]} : vector<1024x768xf32> to vector<128x128xf32>
    %dot_general3A_560 = arith.constant dense<0.000000e+00> : vector<128x128xf32>
    %dot_general3A_561 = tpu.matmul %slice3A_558, %slice3A_559, %dot_general3A_560 {dimension_numbers = #tpu.dot_dimension_numbers<[1], [1], [0], [0], [0, 0, 1, 0], [], []>, transpose_lhs_hint = false} : vector<128x128xf32>, vector<128x128xf32>, vector<128x128xf32> -> vector<128x128xf32>
    %mul3A_562 = arith.constant 0.0883883461 : f32
    %mul3A_563 = vector.broadcast %mul3A_562 : f32 to vector<128x128xf32>
    %mul3A_564 = arith.mulf %dot_general3A_561, %mul3A_563 : vector<128x128xf32>
    %swap3A_565 = arith.constant 3 : index
    %swap3A_566 = arith.constant 2 : index
    %swap3A_567 = arith.constant 0 : index
    %swap3A_568 = arith.constant 0 : index
    %swap3A_569 = vector.load %arg14[%swap3A_565, %swap3A_566, %swap3A_567, %swap3A_568] : memref<8x6x128x128xf32, #tpu.memory_space<vmem>>, vector<1x1x128x128xf32>
    %swap3A_570 = vector.shape_cast %swap3A_569 : vector<1x1x128x128xf32> to vector<128x128xf32>
    %swap3A_571 = vector.shape_cast %mul3A_564 : vector<128x128xf32> to vector<1x1x128x128xf32>
    tpu.vector_store %arg14[%swap3A_565, %swap3A_566, %swap3A_567, %swap3A_568], %swap3A_571 {strides = array<i32>} : memref<8x6x128x128xf32, #tpu.memory_space<vmem>>, vector<1x1x128x128xf32>,
    %reduce_max3A_572 = vector.shape_cast %mul3A_564 : vector<128x128xf32> to vector<1x128x128xf32>
    %reduce_max3A_573 = arith.constant dense<0xFF800000> : vector<1xf32>
    %reduce_max3A_574 = vector.multi_reduction <maximumf>, %reduce_max3A_572, %reduce_max3A_573 [1, 2] : vector<1x128x128xf32> to vector<1xf32>
    %reduce_max3A_575 = vector.shape_cast %reduce_max3A_574 : vector<1xf32> to vector<1x1x1xf32>
    %reduce_max3A_576 = vector.extract %reduce_max3A_575[0, 0, 0] : f32 from vector<1x1x1xf32>
    %max3A_577 = arith.maximumf %max3A_557, %reduce_max3A_576 : f32
    %slice3A_578 = vector.extract_strided_slice %slice3A {offsets = [384, 384], sizes = [128, 128], strides = [1, 1]} : vector<1024x768xf32> to vector<128x128xf32>
    %slice3A_579 = vector.extract_strided_slice %slice3A_156 {offsets = [384, 384], sizes = [128, 128], strides = [1, 1]} : vector<1024x768xf32> to vector<128x128xf32>
    %dot_general3A_580 = arith.constant dense<0.000000e+00> : vector<128x128xf32>
    %dot_general3A_581 = tpu.matmul %slice3A_578, %slice3A_579, %dot_general3A_580 {dimension_numbers = #tpu.dot_dimension_numbers<[1], [1], [0], [0], [0, 0, 1, 0], [], []>, transpose_lhs_hint = false} : vector<128x128xf32>, vector<128x128xf32>, vector<128x128xf32> -> vector<128x128xf32>
    %mul3A_582 = arith.constant 0.0883883461 : f32
    %mul3A_583 = vector.broadcast %mul3A_582 : f32 to vector<128x128xf32>
    %mul3A_584 = arith.mulf %dot_general3A_581, %mul3A_583 : vector<128x128xf32>
    %swap3A_585 = arith.constant 3 : index
    %swap3A_586 = arith.constant 3 : index
    %swap3A_587 = arith.constant 0 : index
    %swap3A_588 = arith.constant 0 : index
    %swap3A_589 = vector.load %arg14[%swap3A_585, %swap3A_586, %swap3A_587, %swap3A_588] : memref<8x6x128x128xf32, #tpu.memory_space<vmem>>, vector<1x1x128x128xf32>
    %swap3A_590 = vector.shape_cast %swap3A_589 : vector<1x1x128x128xf32> to vector<128x128xf32>
    %swap3A_591 = vector.shape_cast %mul3A_584 : vector<128x128xf32> to vector<1x1x128x128xf32>
    tpu.vector_store %arg14[%swap3A_585, %swap3A_586, %swap3A_587, %swap3A_588], %swap3A_591 {strides = array<i32>} : memref<8x6x128x128xf32, #tpu.memory_space<vmem>>, vector<1x1x128x128xf32>,
    %reduce_max3A_592 = vector.shape_cast %mul3A_584 : vector<128x128xf32> to vector<1x128x128xf32>
    %reduce_max3A_593 = arith.constant dense<0xFF800000> : vector<1xf32>
    %reduce_max3A_594 = vector.multi_reduction <maximumf>, %reduce_max3A_592, %reduce_max3A_593 [1, 2] : vector<1x128x128xf32> to vector<1xf32>
    %reduce_max3A_595 = vector.shape_cast %reduce_max3A_594 : vector<1xf32> to vector<1x1x1xf32>
    %reduce_max3A_596 = vector.extract %reduce_max3A_595[0, 0, 0] : f32 from vector<1x1x1xf32>
    %max3A_597 = arith.maximumf %max3A_577, %reduce_max3A_596 : f32
    %slice3A_598 = vector.extract_strided_slice %slice3A {offsets = [384, 512], sizes = [128, 128], strides = [1, 1]} : vector<1024x768xf32> to vector<128x128xf32>
    %slice3A_599 = vector.extract_strided_slice %slice3A_156 {offsets = [384, 512], sizes = [128, 128], strides = [1, 1]} : vector<1024x768xf32> to vector<128x128xf32>
    %dot_general3A_600 = arith.constant dense<0.000000e+00> : vector<128x128xf32>
    %dot_general3A_601 = tpu.matmul %slice3A_598, %slice3A_599, %dot_general3A_600 {dimension_numbers = #tpu.dot_dimension_numbers<[1], [1], [0], [0], [0, 0, 1, 0], [], []>, transpose_lhs_hint = false} : vector<128x128xf32>, vector<128x128xf32>, vector<128x128xf32> -> vector<128x128xf32>
    %mul3A_602 = arith.constant 0.0883883461 : f32
    %mul3A_603 = vector.broadcast %mul3A_602 : f32 to vector<128x128xf32>
    %mul3A_604 = arith.mulf %dot_general3A_601, %mul3A_603 : vector<128x128xf32>
    %swap3A_605 = arith.constant 3 : index
    %swap3A_606 = arith.constant 4 : index
    %swap3A_607 = arith.constant 0 : index
    %swap3A_608 = arith.constant 0 : index
    %swap3A_609 = vector.load %arg14[%swap3A_605, %swap3A_606, %swap3A_607, %swap3A_608] : memref<8x6x128x128xf32, #tpu.memory_space<vmem>>, vector<1x1x128x128xf32>
    %swap3A_610 = vector.shape_cast %swap3A_609 : vector<1x1x128x128xf32> to vector<128x128xf32>
    %swap3A_611 = vector.shape_cast %mul3A_604 : vector<128x128xf32> to vector<1x1x128x128xf32>
    tpu.vector_store %arg14[%swap3A_605, %swap3A_606, %swap3A_607, %swap3A_608], %swap3A_611 {strides = array<i32>} : memref<8x6x128x128xf32, #tpu.memory_space<vmem>>, vector<1x1x128x128xf32>,
    %reduce_max3A_612 = vector.shape_cast %mul3A_604 : vector<128x128xf32> to vector<1x128x128xf32>
    %reduce_max3A_613 = arith.constant dense<0xFF800000> : vector<1xf32>
    %reduce_max3A_614 = vector.multi_reduction <maximumf>, %reduce_max3A_612, %reduce_max3A_613 [1, 2] : vector<1x128x128xf32> to vector<1xf32>
    %reduce_max3A_615 = vector.shape_cast %reduce_max3A_614 : vector<1xf32> to vector<1x1x1xf32>
    %reduce_max3A_616 = vector.extract %reduce_max3A_615[0, 0, 0] : f32 from vector<1x1x1xf32>
    %max3A_617 = arith.maximumf %max3A_597, %reduce_max3A_616 : f32
    %slice3A_618 = vector.extract_strided_slice %slice3A {offsets = [384, 640], sizes = [128, 128], strides = [1, 1]} : vector<1024x768xf32> to vector<128x128xf32>
    %slice3A_619 = vector.extract_strided_slice %slice3A_156 {offsets = [384, 640], sizes = [128, 128], strides = [1, 1]} : vector<1024x768xf32> to vector<128x128xf32>
    %dot_general3A_620 = arith.constant dense<0.000000e+00> : vector<128x128xf32>
    %dot_general3A_621 = tpu.matmul %slice3A_618, %slice3A_619, %dot_general3A_620 {dimension_numbers = #tpu.dot_dimension_numbers<[1], [1], [0], [0], [0, 0, 1, 0], [], []>, transpose_lhs_hint = false} : vector<128x128xf32>, vector<128x128xf32>, vector<128x128xf32> -> vector<128x128xf32>
    %mul3A_622 = arith.constant 0.0883883461 : f32
    %mul3A_623 = vector.broadcast %mul3A_622 : f32 to vector<128x128xf32>
    %mul3A_624 = arith.mulf %dot_general3A_621, %mul3A_623 : vector<128x128xf32>
    %swap3A_625 = arith.constant 3 : index
    %swap3A_626 = arith.constant 5 : index
    %swap3A_627 = arith.constant 0 : index
    %swap3A_628 = arith.constant 0 : index
    %swap3A_629 = vector.load %arg14[%swap3A_625, %swap3A_626, %swap3A_627, %swap3A_628] : memref<8x6x128x128xf32, #tpu.memory_space<vmem>>, vector<1x1x128x128xf32>
    %swap3A_630 = vector.shape_cast %swap3A_629 : vector<1x1x128x128xf32> to vector<128x128xf32>
    %swap3A_631 = vector.shape_cast %mul3A_624 : vector<128x128xf32> to vector<1x1x128x128xf32>
    tpu.vector_store %arg14[%swap3A_625, %swap3A_626, %swap3A_627, %swap3A_628], %swap3A_631 {strides = array<i32>} : memref<8x6x128x128xf32, #tpu.memory_space<vmem>>, vector<1x1x128x128xf32>,
    %reduce_max3A_632 = vector.shape_cast %mul3A_624 : vector<128x128xf32> to vector<1x128x128xf32>
    %reduce_max3A_633 = arith.constant dense<0xFF800000> : vector<1xf32>
    %reduce_max3A_634 = vector.multi_reduction <maximumf>, %reduce_max3A_632, %reduce_max3A_633 [1, 2] : vector<1x128x128xf32> to vector<1xf32>
    %reduce_max3A_635 = vector.shape_cast %reduce_max3A_634 : vector<1xf32> to vector<1x1x1xf32>
    %reduce_max3A_636 = vector.extract %reduce_max3A_635[0, 0, 0] : f32 from vector<1x1x1xf32>
    %max3A_637 = arith.maximumf %max3A_617, %reduce_max3A_636 : f32
    %slice3A_638 = vector.extract_strided_slice %slice3A {offsets = [512, 0], sizes = [128, 128], strides = [1, 1]} : vector<1024x768xf32> to vector<128x128xf32>
    %slice3A_639 = vector.extract_strided_slice %slice3A_156 {offsets = [512, 0], sizes = [128, 128], strides = [1, 1]} : vector<1024x768xf32> to vector<128x128xf32>
    %dot_general3A_640 = arith.constant dense<0.000000e+00> : vector<128x128xf32>
    %dot_general3A_641 = tpu.matmul %slice3A_638, %slice3A_639, %dot_general3A_640 {dimension_numbers = #tpu.dot_dimension_numbers<[1], [1], [0], [0], [0, 0, 1, 0], [], []>, transpose_lhs_hint = false} : vector<128x128xf32>, vector<128x128xf32>, vector<128x128xf32> -> vector<128x128xf32>
    %mul3A_642 = arith.constant 0.0883883461 : f32
    %mul3A_643 = vector.broadcast %mul3A_642 : f32 to vector<128x128xf32>
    %mul3A_644 = arith.mulf %dot_general3A_641, %mul3A_643 : vector<128x128xf32>
    %swap3A_645 = arith.constant 4 : index
    %swap3A_646 = arith.constant 0 : index
    %swap3A_647 = arith.constant 0 : index
    %swap3A_648 = arith.constant 0 : index
    %swap3A_649 = vector.load %arg14[%swap3A_645, %swap3A_646, %swap3A_647, %swap3A_648] : memref<8x6x128x128xf32, #tpu.memory_space<vmem>>, vector<1x1x128x128xf32>
    %swap3A_650 = vector.shape_cast %swap3A_649 : vector<1x1x128x128xf32> to vector<128x128xf32>
    %swap3A_651 = vector.shape_cast %mul3A_644 : vector<128x128xf32> to vector<1x1x128x128xf32>
    tpu.vector_store %arg14[%swap3A_645, %swap3A_646, %swap3A_647, %swap3A_648], %swap3A_651 {strides = array<i32>} : memref<8x6x128x128xf32, #tpu.memory_space<vmem>>, vector<1x1x128x128xf32>,
    %reduce_max3A_652 = vector.shape_cast %mul3A_644 : vector<128x128xf32> to vector<1x128x128xf32>
    %reduce_max3A_653 = arith.constant dense<0xFF800000> : vector<1xf32>
    %reduce_max3A_654 = vector.multi_reduction <maximumf>, %reduce_max3A_652, %reduce_max3A_653 [1, 2] : vector<1x128x128xf32> to vector<1xf32>
    %reduce_max3A_655 = vector.shape_cast %reduce_max3A_654 : vector<1xf32> to vector<1x1x1xf32>
    %reduce_max3A_656 = vector.extract %reduce_max3A_655[0, 0, 0] : f32 from vector<1x1x1xf32>
    %max3A_657 = arith.maximumf %max3A_637, %reduce_max3A_656 : f32
    %slice3A_658 = vector.extract_strided_slice %slice3A {offsets = [512, 128], sizes = [128, 128], strides = [1, 1]} : vector<1024x768xf32> to vector<128x128xf32>
    %slice3A_659 = vector.extract_strided_slice %slice3A_156 {offsets = [512, 128], sizes = [128, 128], strides = [1, 1]} : vector<1024x768xf32> to vector<128x128xf32>
    %dot_general3A_660 = arith.constant dense<0.000000e+00> : vector<128x128xf32>
    %dot_general3A_661 = tpu.matmul %slice3A_658, %slice3A_659, %dot_general3A_660 {dimension_numbers = #tpu.dot_dimension_numbers<[1], [1], [0], [0], [0, 0, 1, 0], [], []>, transpose_lhs_hint = false} : vector<128x128xf32>, vector<128x128xf32>, vector<128x128xf32> -> vector<128x128xf32>
    %mul3A_662 = arith.constant 0.0883883461 : f32
    %mul3A_663 = vector.broadcast %mul3A_662 : f32 to vector<128x128xf32>
    %mul3A_664 = arith.mulf %dot_general3A_661, %mul3A_663 : vector<128x128xf32>
    %swap3A_665 = arith.constant 4 : index
    %swap3A_666 = arith.constant 1 : index
    %swap3A_667 = arith.constant 0 : index
    %swap3A_668 = arith.constant 0 : index
    %swap3A_669 = vector.load %arg14[%swap3A_665, %swap3A_666, %swap3A_667, %swap3A_668] : memref<8x6x128x128xf32, #tpu.memory_space<vmem>>, vector<1x1x128x128xf32>
    %swap3A_670 = vector.shape_cast %swap3A_669 : vector<1x1x128x128xf32> to vector<128x128xf32>
    %swap3A_671 = vector.shape_cast %mul3A_664 : vector<128x128xf32> to vector<1x1x128x128xf32>
    tpu.vector_store %arg14[%swap3A_665, %swap3A_666, %swap3A_667, %swap3A_668], %swap3A_671 {strides = array<i32>} : memref<8x6x128x128xf32, #tpu.memory_space<vmem>>, vector<1x1x128x128xf32>,
    %reduce_max3A_672 = vector.shape_cast %mul3A_664 : vector<128x128xf32> to vector<1x128x128xf32>
    %reduce_max3A_673 = arith.constant dense<0xFF800000> : vector<1xf32>
    %reduce_max3A_674 = vector.multi_reduction <maximumf>, %reduce_max3A_672, %reduce_max3A_673 [1, 2] : vector<1x128x128xf32> to vector<1xf32>
    %reduce_max3A_675 = vector.shape_cast %reduce_max3A_674 : vector<1xf32> to vector<1x1x1xf32>
    %reduce_max3A_676 = vector.extract %reduce_max3A_675[0, 0, 0] : f32 from vector<1x1x1xf32>
    %max3A_677 = arith.maximumf %max3A_657, %reduce_max3A_676 : f32
    %slice3A_678 = vector.extract_strided_slice %slice3A {offsets = [512, 256], sizes = [128, 128], strides = [1, 1]} : vector<1024x768xf32> to vector<128x128xf32>
    %slice3A_679 = vector.extract_strided_slice %slice3A_156 {offsets = [512, 256], sizes = [128, 128], strides = [1, 1]} : vector<1024x768xf32> to vector<128x128xf32>
    %dot_general3A_680 = arith.constant dense<0.000000e+00> : vector<128x128xf32>
    %dot_general3A_681 = tpu.matmul %slice3A_678, %slice3A_679, %dot_general3A_680 {dimension_numbers = #tpu.dot_dimension_numbers<[1], [1], [0], [0], [0, 0, 1, 0], [], []>, transpose_lhs_hint = false} : vector<128x128xf32>, vector<128x128xf32>, vector<128x128xf32> -> vector<128x128xf32>
    %mul3A_682 = arith.constant 0.0883883461 : f32
    %mul3A_683 = vector.broadcast %mul3A_682 : f32 to vector<128x128xf32>
    %mul3A_684 = arith.mulf %dot_general3A_681, %mul3A_683 : vector<128x128xf32>
    %swap3A_685 = arith.constant 4 : index
    %swap3A_686 = arith.constant 2 : index
    %swap3A_687 = arith.constant 0 : index
    %swap3A_688 = arith.constant 0 : index
    %swap3A_689 = vector.load %arg14[%swap3A_685, %swap3A_686, %swap3A_687, %swap3A_688] : memref<8x6x128x128xf32, #tpu.memory_space<vmem>>, vector<1x1x128x128xf32>
    %swap3A_690 = vector.shape_cast %swap3A_689 : vector<1x1x128x128xf32> to vector<128x128xf32>
    %swap3A_691 = vector.shape_cast %mul3A_684 : vector<128x128xf32> to vector<1x1x128x128xf32>
    tpu.vector_store %arg14[%swap3A_685, %swap3A_686, %swap3A_687, %swap3A_688], %swap3A_691 {strides = array<i32>} : memref<8x6x128x128xf32, #tpu.memory_space<vmem>>, vector<1x1x128x128xf32>,
    %reduce_max3A_692 = vector.shape_cast %mul3A_684 : vector<128x128xf32> to vector<1x128x128xf32>
    %reduce_max3A_693 = arith.constant dense<0xFF800000> : vector<1xf32>
    %reduce_max3A_694 = vector.multi_reduction <maximumf>, %reduce_max3A_692, %reduce_max3A_693 [1, 2] : vector<1x128x128xf32> to vector<1xf32>
    %reduce_max3A_695 = vector.shape_cast %reduce_max3A_694 : vector<1xf32> to vector<1x1x1xf32>
    %reduce_max3A_696 = vector.extract %reduce_max3A_695[0, 0, 0] : f32 from vector<1x1x1xf32>
    %max3A_697 = arith.maximumf %max3A_677, %reduce_max3A_696 : f32
    %slice3A_698 = vector.extract_strided_slice %slice3A {offsets = [512, 384], sizes = [128, 128], strides = [1, 1]} : vector<1024x768xf32> to vector<128x128xf32>
    %slice3A_699 = vector.extract_strided_slice %slice3A_156 {offsets = [512, 384], sizes = [128, 128], strides = [1, 1]} : vector<1024x768xf32> to vector<128x128xf32>
    %dot_general3A_700 = arith.constant dense<0.000000e+00> : vector<128x128xf32>
    %dot_general3A_701 = tpu.matmul %slice3A_698, %slice3A_699, %dot_general3A_700 {dimension_numbers = #tpu.dot_dimension_numbers<[1], [1], [0], [0], [0, 0, 1, 0], [], []>, transpose_lhs_hint = false} : vector<128x128xf32>, vector<128x128xf32>, vector<128x128xf32> -> vector<128x128xf32>
    %mul3A_702 = arith.constant 0.0883883461 : f32
    %mul3A_703 = vector.broadcast %mul3A_702 : f32 to vector<128x128xf32>
    %mul3A_704 = arith.mulf %dot_general3A_701, %mul3A_703 : vector<128x128xf32>
    %swap3A_705 = arith.constant 4 : index
    %swap3A_706 = arith.constant 3 : index
    %swap3A_707 = arith.constant 0 : index
    %swap3A_708 = arith.constant 0 : index
    %swap3A_709 = vector.load %arg14[%swap3A_705, %swap3A_706, %swap3A_707, %swap3A_708] : memref<8x6x128x128xf32, #tpu.memory_space<vmem>>, vector<1x1x128x128xf32>
    %swap3A_710 = vector.shape_cast %swap3A_709 : vector<1x1x128x128xf32> to vector<128x128xf32>
    %swap3A_711 = vector.shape_cast %mul3A_704 : vector<128x128xf32> to vector<1x1x128x128xf32>
    tpu.vector_store %arg14[%swap3A_705, %swap3A_706, %swap3A_707, %swap3A_708], %swap3A_711 {strides = array<i32>} : memref<8x6x128x128xf32, #tpu.memory_space<vmem>>, vector<1x1x128x128xf32>,
    %reduce_max3A_712 = vector.shape_cast %mul3A_704 : vector<128x128xf32> to vector<1x128x128xf32>
    %reduce_max3A_713 = arith.constant dense<0xFF800000> : vector<1xf32>
    %reduce_max3A_714 = vector.multi_reduction <maximumf>, %reduce_max3A_712, %reduce_max3A_713 [1, 2] : vector<1x128x128xf32> to vector<1xf32>
    %reduce_max3A_715 = vector.shape_cast %reduce_max3A_714 : vector<1xf32> to vector<1x1x1xf32>
    %reduce_max3A_716 = vector.extract %reduce_max3A_715[0, 0, 0] : f32 from vector<1x1x1xf32>
    %max3A_717 = arith.maximumf %max3A_697, %reduce_max3A_716 : f32
    %slice3A_718 = vector.extract_strided_slice %slice3A {offsets = [512, 512], sizes = [128, 128], strides = [1, 1]} : vector<1024x768xf32> to vector<128x128xf32>
    %slice3A_719 = vector.extract_strided_slice %slice3A_156 {offsets = [512, 512], sizes = [128, 128], strides = [1, 1]} : vector<1024x768xf32> to vector<128x128xf32>
    %dot_general3A_720 = arith.constant dense<0.000000e+00> : vector<128x128xf32>
    %dot_general3A_721 = tpu.matmul %slice3A_718, %slice3A_719, %dot_general3A_720 {dimension_numbers = #tpu.dot_dimension_numbers<[1], [1], [0], [0], [0, 0, 1, 0], [], []>, transpose_lhs_hint = false} : vector<128x128xf32>, vector<128x128xf32>, vector<128x128xf32> -> vector<128x128xf32>
    %mul3A_722 = arith.constant 0.0883883461 : f32
    %mul3A_723 = vector.broadcast %mul3A_722 : f32 to vector<128x128xf32>
    %mul3A_724 = arith.mulf %dot_general3A_721, %mul3A_723 : vector<128x128xf32>
    %swap3A_725 = arith.constant 4 : index
    %swap3A_726 = arith.constant 4 : index
    %swap3A_727 = arith.constant 0 : index
    %swap3A_728 = arith.constant 0 : index
    %swap3A_729 = vector.load %arg14[%swap3A_725, %swap3A_726, %swap3A_727, %swap3A_728] : memref<8x6x128x128xf32, #tpu.memory_space<vmem>>, vector<1x1x128x128xf32>
    %swap3A_730 = vector.shape_cast %swap3A_729 : vector<1x1x128x128xf32> to vector<128x128xf32>
    %swap3A_731 = vector.shape_cast %mul3A_724 : vector<128x128xf32> to vector<1x1x128x128xf32>
    tpu.vector_store %arg14[%swap3A_725, %swap3A_726, %swap3A_727, %swap3A_728], %swap3A_731 {strides = array<i32>} : memref<8x6x128x128xf32, #tpu.memory_space<vmem>>, vector<1x1x128x128xf32>,
    %reduce_max3A_732 = vector.shape_cast %mul3A_724 : vector<128x128xf32> to vector<1x128x128xf32>
    %reduce_max3A_733 = arith.constant dense<0xFF800000> : vector<1xf32>
    %reduce_max3A_734 = vector.multi_reduction <maximumf>, %reduce_max3A_732, %reduce_max3A_733 [1, 2] : vector<1x128x128xf32> to vector<1xf32>
    %reduce_max3A_735 = vector.shape_cast %reduce_max3A_734 : vector<1xf32> to vector<1x1x1xf32>
    %reduce_max3A_736 = vector.extract %reduce_max3A_735[0, 0, 0] : f32 from vector<1x1x1xf32>
    %max3A_737 = arith.maximumf %max3A_717, %reduce_max3A_736 : f32
    %slice3A_738 = vector.extract_strided_slice %slice3A {offsets = [512, 640], sizes = [128, 128], strides = [1, 1]} : vector<1024x768xf32> to vector<128x128xf32>
    %slice3A_739 = vector.extract_strided_slice %slice3A_156 {offsets = [512, 640], sizes = [128, 128], strides = [1, 1]} : vector<1024x768xf32> to vector<128x128xf32>
    %dot_general3A_740 = arith.constant dense<0.000000e+00> : vector<128x128xf32>
    %dot_general3A_741 = tpu.matmul %slice3A_738, %slice3A_739, %dot_general3A_740 {dimension_numbers = #tpu.dot_dimension_numbers<[1], [1], [0], [0], [0, 0, 1, 0], [], []>, transpose_lhs_hint = false} : vector<128x128xf32>, vector<128x128xf32>, vector<128x128xf32> -> vector<128x128xf32>
    %mul3A_742 = arith.constant 0.0883883461 : f32
    %mul3A_743 = vector.broadcast %mul3A_742 : f32 to vector<128x128xf32>
    %mul3A_744 = arith.mulf %dot_general3A_741, %mul3A_743 : vector<128x128xf32>
    %swap3A_745 = arith.constant 4 : index
    %swap3A_746 = arith.constant 5 : index
    %swap3A_747 = arith.constant 0 : index
    %swap3A_748 = arith.constant 0 : index
    %swap3A_749 = vector.load %arg14[%swap3A_745, %swap3A_746, %swap3A_747, %swap3A_748] : memref<8x6x128x128xf32, #tpu.memory_space<vmem>>, vector<1x1x128x128xf32>
    %swap3A_750 = vector.shape_cast %swap3A_749 : vector<1x1x128x128xf32> to vector<128x128xf32>
    %swap3A_751 = vector.shape_cast %mul3A_744 : vector<128x128xf32> to vector<1x1x128x128xf32>
    tpu.vector_store %arg14[%swap3A_745, %swap3A_746, %swap3A_747, %swap3A_748], %swap3A_751 {strides = array<i32>} : memref<8x6x128x128xf32, #tpu.memory_space<vmem>>, vector<1x1x128x128xf32>,
    %reduce_max3A_752 = vector.shape_cast %mul3A_744 : vector<128x128xf32> to vector<1x128x128xf32>
    %reduce_max3A_753 = arith.constant dense<0xFF800000> : vector<1xf32>
    %reduce_max3A_754 = vector.multi_reduction <maximumf>, %reduce_max3A_752, %reduce_max3A_753 [1, 2] : vector<1x128x128xf32> to vector<1xf32>
    %reduce_max3A_755 = vector.shape_cast %reduce_max3A_754 : vector<1xf32> to vector<1x1x1xf32>
    %reduce_max3A_756 = vector.extract %reduce_max3A_755[0, 0, 0] : f32 from vector<1x1x1xf32>
    %max3A_757 = arith.maximumf %max3A_737, %reduce_max3A_756 : f32
    %slice3A_758 = vector.extract_strided_slice %slice3A {offsets = [640, 0], sizes = [128, 128], strides = [1, 1]} : vector<1024x768xf32> to vector<128x128xf32>
    %slice3A_759 = vector.extract_strided_slice %slice3A_156 {offsets = [640, 0], sizes = [128, 128], strides = [1, 1]} : vector<1024x768xf32> to vector<128x128xf32>
    %dot_general3A_760 = arith.constant dense<0.000000e+00> : vector<128x128xf32>
    %dot_general3A_761 = tpu.matmul %slice3A_758, %slice3A_759, %dot_general3A_760 {dimension_numbers = #tpu.dot_dimension_numbers<[1], [1], [0], [0], [0, 0, 1, 0], [], []>, transpose_lhs_hint = false} : vector<128x128xf32>, vector<128x128xf32>, vector<128x128xf32> -> vector<128x128xf32>
    %mul3A_762 = arith.constant 0.0883883461 : f32
    %mul3A_763 = vector.broadcast %mul3A_762 : f32 to vector<128x128xf32>
    %mul3A_764 = arith.mulf %dot_general3A_761, %mul3A_763 : vector<128x128xf32>
    %swap3A_765 = arith.constant 5 : index
    %swap3A_766 = arith.constant 0 : index
    %swap3A_767 = arith.constant 0 : index
    %swap3A_768 = arith.constant 0 : index
    %swap3A_769 = vector.load %arg14[%swap3A_765, %swap3A_766, %swap3A_767, %swap3A_768] : memref<8x6x128x128xf32, #tpu.memory_space<vmem>>, vector<1x1x128x128xf32>
    %swap3A_770 = vector.shape_cast %swap3A_769 : vector<1x1x128x128xf32> to vector<128x128xf32>
    %swap3A_771 = vector.shape_cast %mul3A_764 : vector<128x128xf32> to vector<1x1x128x128xf32>
    tpu.vector_store %arg14[%swap3A_765, %swap3A_766, %swap3A_767, %swap3A_768], %swap3A_771 {strides = array<i32>} : memref<8x6x128x128xf32, #tpu.memory_space<vmem>>, vector<1x1x128x128xf32>,
    %reduce_max3A_772 = vector.shape_cast %mul3A_764 : vector<128x128xf32> to vector<1x128x128xf32>
    %reduce_max3A_773 = arith.constant dense<0xFF800000> : vector<1xf32>
    %reduce_max3A_774 = vector.multi_reduction <maximumf>, %reduce_max3A_772, %reduce_max3A_773 [1, 2] : vector<1x128x128xf32> to vector<1xf32>
    %reduce_max3A_775 = vector.shape_cast %reduce_max3A_774 : vector<1xf32> to vector<1x1x1xf32>
    %reduce_max3A_776 = vector.extract %reduce_max3A_775[0, 0, 0] : f32 from vector<1x1x1xf32>
    %max3A_777 = arith.maximumf %max3A_757, %reduce_max3A_776 : f32
    %slice3A_778 = vector.extract_strided_slice %slice3A {offsets = [640, 128], sizes = [128, 128], strides = [1, 1]} : vector<1024x768xf32> to vector<128x128xf32>
    %slice3A_779 = vector.extract_strided_slice %slice3A_156 {offsets = [640, 128], sizes = [128, 128], strides = [1, 1]} : vector<1024x768xf32> to vector<128x128xf32>
    %dot_general3A_780 = arith.constant dense<0.000000e+00> : vector<128x128xf32>
    %dot_general3A_781 = tpu.matmul %slice3A_778, %slice3A_779, %dot_general3A_780 {dimension_numbers = #tpu.dot_dimension_numbers<[1], [1], [0], [0], [0, 0, 1, 0], [], []>, transpose_lhs_hint = false} : vector<128x128xf32>, vector<128x128xf32>, vector<128x128xf32> -> vector<128x128xf32>
    %mul3A_782 = arith.constant 0.0883883461 : f32
    %mul3A_783 = vector.broadcast %mul3A_782 : f32 to vector<128x128xf32>
    %mul3A_784 = arith.mulf %dot_general3A_781, %mul3A_783 : vector<128x128xf32>
    %swap3A_785 = arith.constant 5 : index
    %swap3A_786 = arith.constant 1 : index
    %swap3A_787 = arith.constant 0 : index
    %swap3A_788 = arith.constant 0 : index
    %swap3A_789 = vector.load %arg14[%swap3A_785, %swap3A_786, %swap3A_787, %swap3A_788] : memref<8x6x128x128xf32, #tpu.memory_space<vmem>>, vector<1x1x128x128xf32>
    %swap3A_790 = vector.shape_cast %swap3A_789 : vector<1x1x128x128xf32> to vector<128x128xf32>
    %swap3A_791 = vector.shape_cast %mul3A_784 : vector<128x128xf32> to vector<1x1x128x128xf32>
    tpu.vector_store %arg14[%swap3A_785, %swap3A_786, %swap3A_787, %swap3A_788], %swap3A_791 {strides = array<i32>} : memref<8x6x128x128xf32, #tpu.memory_space<vmem>>, vector<1x1x128x128xf32>,
    %reduce_max3A_792 = vector.shape_cast %mul3A_784 : vector<128x128xf32> to vector<1x128x128xf32>
    %reduce_max3A_793 = arith.constant dense<0xFF800000> : vector<1xf32>
    %reduce_max3A_794 = vector.multi_reduction <maximumf>, %reduce_max3A_792, %reduce_max3A_793 [1, 2] : vector<1x128x128xf32> to vector<1xf32>
    %reduce_max3A_795 = vector.shape_cast %reduce_max3A_794 : vector<1xf32> to vector<1x1x1xf32>
    %reduce_max3A_796 = vector.extract %reduce_max3A_795[0, 0, 0] : f32 from vector<1x1x1xf32>
    %max3A_797 = arith.maximumf %max3A_777, %reduce_max3A_796 : f32
    %slice3A_798 = vector.extract_strided_slice %slice3A {offsets = [640, 256], sizes = [128, 128], strides = [1, 1]} : vector<1024x768xf32> to vector<128x128xf32>
    %slice3A_799 = vector.extract_strided_slice %slice3A_156 {offsets = [640, 256], sizes = [128, 128], strides = [1, 1]} : vector<1024x768xf32> to vector<128x128xf32>
    %dot_general3A_800 = arith.constant dense<0.000000e+00> : vector<128x128xf32>
    %dot_general3A_801 = tpu.matmul %slice3A_798, %slice3A_799, %dot_general3A_800 {dimension_numbers = #tpu.dot_dimension_numbers<[1], [1], [0], [0], [0, 0, 1, 0], [], []>, transpose_lhs_hint = false} : vector<128x128xf32>, vector<128x128xf32>, vector<128x128xf32> -> vector<128x128xf32>
    %mul3A_802 = arith.constant 0.0883883461 : f32
    %mul3A_803 = vector.broadcast %mul3A_802 : f32 to vector<128x128xf32>
    %mul3A_804 = arith.mulf %dot_general3A_801, %mul3A_803 : vector<128x128xf32>
    %swap3A_805 = arith.constant 5 : index
    %swap3A_806 = arith.constant 2 : index
    %swap3A_807 = arith.constant 0 : index
    %swap3A_808 = arith.constant 0 : index
    %swap3A_809 = vector.load %arg14[%swap3A_805, %swap3A_806, %swap3A_807, %swap3A_808] : memref<8x6x128x128xf32, #tpu.memory_space<vmem>>, vector<1x1x128x128xf32>
    %swap3A_810 = vector.shape_cast %swap3A_809 : vector<1x1x128x128xf32> to vector<128x128xf32>
    %swap3A_811 = vector.shape_cast %mul3A_804 : vector<128x128xf32> to vector<1x1x128x128xf32>
    tpu.vector_store %arg14[%swap3A_805, %swap3A_806, %swap3A_807, %swap3A_808], %swap3A_811 {strides = array<i32>} : memref<8x6x128x128xf32, #tpu.memory_space<vmem>>, vector<1x1x128x128xf32>,
    %reduce_max3A_812 = vector.shape_cast %mul3A_804 : vector<128x128xf32> to vector<1x128x128xf32>
    %reduce_max3A_813 = arith.constant dense<0xFF800000> : vector<1xf32>
    %reduce_max3A_814 = vector.multi_reduction <maximumf>, %reduce_max3A_812, %reduce_max3A_813 [1, 2] : vector<1x128x128xf32> to vector<1xf32>
    %reduce_max3A_815 = vector.shape_cast %reduce_max3A_814 : vector<1xf32> to vector<1x1x1xf32>
    %reduce_max3A_816 = vector.extract %reduce_max3A_815[0, 0, 0] : f32 from vector<1x1x1xf32>
    %max3A_817 = arith.maximumf %max3A_797, %reduce_max3A_816 : f32
    %slice3A_818 = vector.extract_strided_slice %slice3A {offsets = [640, 384], sizes = [128, 128], strides = [1, 1]} : vector<1024x768xf32> to vector<128x128xf32>
    %slice3A_819 = vector.extract_strided_slice %slice3A_156 {offsets = [640, 384], sizes = [128, 128], strides = [1, 1]} : vector<1024x768xf32> to vector<128x128xf32>
    %dot_general3A_820 = arith.constant dense<0.000000e+00> : vector<128x128xf32>
    %dot_general3A_821 = tpu.matmul %slice3A_818, %slice3A_819, %dot_general3A_820 {dimension_numbers = #tpu.dot_dimension_numbers<[1], [1], [0], [0], [0, 0, 1, 0], [], []>, transpose_lhs_hint = false} : vector<128x128xf32>, vector<128x128xf32>, vector<128x128xf32> -> vector<128x128xf32>
    %mul3A_822 = arith.constant 0.0883883461 : f32
    %mul3A_823 = vector.broadcast %mul3A_822 : f32 to vector<128x128xf32>
    %mul3A_824 = arith.mulf %dot_general3A_821, %mul3A_823 : vector<128x128xf32>
    %swap3A_825 = arith.constant 5 : index
    %swap3A_826 = arith.constant 3 : index
    %swap3A_827 = arith.constant 0 : index
    %swap3A_828 = arith.constant 0 : index
    %swap3A_829 = vector.load %arg14[%swap3A_825, %swap3A_826, %swap3A_827, %swap3A_828] : memref<8x6x128x128xf32, #tpu.memory_space<vmem>>, vector<1x1x128x128xf32>
    %swap3A_830 = vector.shape_cast %swap3A_829 : vector<1x1x128x128xf32> to vector<128x128xf32>
    %swap3A_831 = vector.shape_cast %mul3A_824 : vector<128x128xf32> to vector<1x1x128x128xf32>
    tpu.vector_store %arg14[%swap3A_825, %swap3A_826, %swap3A_827, %swap3A_828], %swap3A_831 {strides = array<i32>} : memref<8x6x128x128xf32, #tpu.memory_space<vmem>>, vector<1x1x128x128xf32>,
    %reduce_max3A_832 = vector.shape_cast %mul3A_824 : vector<128x128xf32> to vector<1x128x128xf32>
    %reduce_max3A_833 = arith.constant dense<0xFF800000> : vector<1xf32>
    %reduce_max3A_834 = vector.multi_reduction <maximumf>, %reduce_max3A_832, %reduce_max3A_833 [1, 2] : vector<1x128x128xf32> to vector<1xf32>
    %reduce_max3A_835 = vector.shape_cast %reduce_max3A_834 : vector<1xf32> to vector<1x1x1xf32>
    %reduce_max3A_836 = vector.extract %reduce_max3A_835[0, 0, 0] : f32 from vector<1x1x1xf32>
    %max3A_837 = arith.maximumf %max3A_817, %reduce_max3A_836 : f32
    %slice3A_838 = vector.extract_strided_slice %slice3A {offsets = [640, 512], sizes = [128, 128], strides = [1, 1]} : vector<1024x768xf32> to vector<128x128xf32>
    %slice3A_839 = vector.extract_strided_slice %slice3A_156 {offsets = [640, 512], sizes = [128, 128], strides = [1, 1]} : vector<1024x768xf32> to vector<128x128xf32>
    %dot_general3A_840 = arith.constant dense<0.000000e+00> : vector<128x128xf32>
    %dot_general3A_841 = tpu.matmul %slice3A_838, %slice3A_839, %dot_general3A_840 {dimension_numbers = #tpu.dot_dimension_numbers<[1], [1], [0], [0], [0, 0, 1, 0], [], []>, transpose_lhs_hint = false} : vector<128x128xf32>, vector<128x128xf32>, vector<128x128xf32> -> vector<128x128xf32>
    %mul3A_842 = arith.constant 0.0883883461 : f32
    %mul3A_843 = vector.broadcast %mul3A_842 : f32 to vector<128x128xf32>
    %mul3A_844 = arith.mulf %dot_general3A_841, %mul3A_843 : vector<128x128xf32>
    %swap3A_845 = arith.constant 5 : index
    %swap3A_846 = arith.constant 4 : index
    %swap3A_847 = arith.constant 0 : index
    %swap3A_848 = arith.constant 0 : index
    %swap3A_849 = vector.load %arg14[%swap3A_845, %swap3A_846, %swap3A_847, %swap3A_848] : memref<8x6x128x128xf32, #tpu.memory_space<vmem>>, vector<1x1x128x128xf32>
    %swap3A_850 = vector.shape_cast %swap3A_849 : vector<1x1x128x128xf32> to vector<128x128xf32>
    %swap3A_851 = vector.shape_cast %mul3A_844 : vector<128x128xf32> to vector<1x1x128x128xf32>
    tpu.vector_store %arg14[%swap3A_845, %swap3A_846, %swap3A_847, %swap3A_848], %swap3A_851 {strides = array<i32>} : memref<8x6x128x128xf32, #tpu.memory_space<vmem>>, vector<1x1x128x128xf32>,
    %reduce_max3A_852 = vector.shape_cast %mul3A_844 : vector<128x128xf32> to vector<1x128x128xf32>
    %reduce_max3A_853 = arith.constant dense<0xFF800000> : vector<1xf32>
    %reduce_max3A_854 = vector.multi_reduction <maximumf>, %reduce_max3A_852, %reduce_max3A_853 [1, 2] : vector<1x128x128xf32> to vector<1xf32>
    %reduce_max3A_855 = vector.shape_cast %reduce_max3A_854 : vector<1xf32> to vector<1x1x1xf32>
    %reduce_max3A_856 = vector.extract %reduce_max3A_855[0, 0, 0] : f32 from vector<1x1x1xf32>
    %max3A_857 = arith.maximumf %max3A_837, %reduce_max3A_856 : f32
    %slice3A_858 = vector.extract_strided_slice %slice3A {offsets = [640, 640], sizes = [128, 128], strides = [1, 1]} : vector<1024x768xf32> to vector<128x128xf32>
    %slice3A_859 = vector.extract_strided_slice %slice3A_156 {offsets = [640, 640], sizes = [128, 128], strides = [1, 1]} : vector<1024x768xf32> to vector<128x128xf32>
    %dot_general3A_860 = arith.constant dense<0.000000e+00> : vector<128x128xf32>
    %dot_general3A_861 = tpu.matmul %slice3A_858, %slice3A_859, %dot_general3A_860 {dimension_numbers = #tpu.dot_dimension_numbers<[1], [1], [0], [0], [0, 0, 1, 0], [], []>, transpose_lhs_hint = false} : vector<128x128xf32>, vector<128x128xf32>, vector<128x128xf32> -> vector<128x128xf32>
    %mul3A_862 = arith.constant 0.0883883461 : f32
    %mul3A_863 = vector.broadcast %mul3A_862 : f32 to vector<128x128xf32>
    %mul3A_864 = arith.mulf %dot_general3A_861, %mul3A_863 : vector<128x128xf32>
    %swap3A_865 = arith.constant 5 : index
    %swap3A_866 = arith.constant 5 : index
    %swap3A_867 = arith.constant 0 : index
    %swap3A_868 = arith.constant 0 : index
    %swap3A_869 = vector.load %arg14[%swap3A_865, %swap3A_866, %swap3A_867, %swap3A_868] : memref<8x6x128x128xf32, #tpu.memory_space<vmem>>, vector<1x1x128x128xf32>
    %swap3A_870 = vector.shape_cast %swap3A_869 : vector<1x1x128x128xf32> to vector<128x128xf32>
    %swap3A_871 = vector.shape_cast %mul3A_864 : vector<128x128xf32> to vector<1x1x128x128xf32>
    tpu.vector_store %arg14[%swap3A_865, %swap3A_866, %swap3A_867, %swap3A_868], %swap3A_871 {strides = array<i32>} : memref<8x6x128x128xf32, #tpu.memory_space<vmem>>, vector<1x1x128x128xf32>,
    %reduce_max3A_872 = vector.shape_cast %mul3A_864 : vector<128x128xf32> to vector<1x128x128xf32>
    %reduce_max3A_873 = arith.constant dense<0xFF800000> : vector<1xf32>
    %reduce_max3A_874 = vector.multi_reduction <maximumf>, %reduce_max3A_872, %reduce_max3A_873 [1, 2] : vector<1x128x128xf32> to vector<1xf32>
    %reduce_max3A_875 = vector.shape_cast %reduce_max3A_874 : vector<1xf32> to vector<1x1x1xf32>
    %reduce_max3A_876 = vector.extract %reduce_max3A_875[0, 0, 0] : f32 from vector<1x1x1xf32>
    %max3A_877 = arith.maximumf %max3A_857, %reduce_max3A_876 : f32
    %slice3A_878 = vector.extract_strided_slice %slice3A {offsets = [768, 0], sizes = [128, 128], strides = [1, 1]} : vector<1024x768xf32> to vector<128x128xf32>
    %slice3A_879 = vector.extract_strided_slice %slice3A_156 {offsets = [768, 0], sizes = [128, 128], strides = [1, 1]} : vector<1024x768xf32> to vector<128x128xf32>
    %dot_general3A_880 = arith.constant dense<0.000000e+00> : vector<128x128xf32>
    %dot_general3A_881 = tpu.matmul %slice3A_878, %slice3A_879, %dot_general3A_880 {dimension_numbers = #tpu.dot_dimension_numbers<[1], [1], [0], [0], [0, 0, 1, 0], [], []>, transpose_lhs_hint = false} : vector<128x128xf32>, vector<128x128xf32>, vector<128x128xf32> -> vector<128x128xf32>
    %mul3A_882 = arith.constant 0.0883883461 : f32
    %mul3A_883 = vector.broadcast %mul3A_882 : f32 to vector<128x128xf32>
    %mul3A_884 = arith.mulf %dot_general3A_881, %mul3A_883 : vector<128x128xf32>
    %swap3A_885 = arith.constant 6 : index
    %swap3A_886 = arith.constant 0 : index
    %swap3A_887 = arith.constant 0 : index
    %swap3A_888 = arith.constant 0 : index
    %swap3A_889 = vector.load %arg14[%swap3A_885, %swap3A_886, %swap3A_887, %swap3A_888] : memref<8x6x128x128xf32, #tpu.memory_space<vmem>>, vector<1x1x128x128xf32>
    %swap3A_890 = vector.shape_cast %swap3A_889 : vector<1x1x128x128xf32> to vector<128x128xf32>
    %swap3A_891 = vector.shape_cast %mul3A_884 : vector<128x128xf32> to vector<1x1x128x128xf32>
    tpu.vector_store %arg14[%swap3A_885, %swap3A_886, %swap3A_887, %swap3A_888], %swap3A_891 {strides = array<i32>} : memref<8x6x128x128xf32, #tpu.memory_space<vmem>>, vector<1x1x128x128xf32>,
    %reduce_max3A_892 = vector.shape_cast %mul3A_884 : vector<128x128xf32> to vector<1x128x128xf32>
    %reduce_max3A_893 = arith.constant dense<0xFF800000> : vector<1xf32>
    %reduce_max3A_894 = vector.multi_reduction <maximumf>, %reduce_max3A_892, %reduce_max3A_893 [1, 2] : vector<1x128x128xf32> to vector<1xf32>
    %reduce_max3A_895 = vector.shape_cast %reduce_max3A_894 : vector<1xf32> to vector<1x1x1xf32>
    %reduce_max3A_896 = vector.extract %reduce_max3A_895[0, 0, 0] : f32 from vector<1x1x1xf32>
    %max3A_897 = arith.maximumf %max3A_877, %reduce_max3A_896 : f32
    %slice3A_898 = vector.extract_strided_slice %slice3A {offsets = [768, 128], sizes = [128, 128], strides = [1, 1]} : vector<1024x768xf32> to vector<128x128xf32>
    %slice3A_899 = vector.extract_strided_slice %slice3A_156 {offsets = [768, 128], sizes = [128, 128], strides = [1, 1]} : vector<1024x768xf32> to vector<128x128xf32>
    %dot_general3A_900 = arith.constant dense<0.000000e+00> : vector<128x128xf32>
    %dot_general3A_901 = tpu.matmul %slice3A_898, %slice3A_899, %dot_general3A_900 {dimension_numbers = #tpu.dot_dimension_numbers<[1], [1], [0], [0], [0, 0, 1, 0], [], []>, transpose_lhs_hint = false} : vector<128x128xf32>, vector<128x128xf32>, vector<128x128xf32> -> vector<128x128xf32>
    %mul3A_902 = arith.constant 0.0883883461 : f32
    %mul3A_903 = vector.broadcast %mul3A_902 : f32 to vector<128x128xf32>
    %mul3A_904 = arith.mulf %dot_general3A_901, %mul3A_903 : vector<128x128xf32>
    %swap3A_905 = arith.constant 6 : index
    %swap3A_906 = arith.constant 1 : index
    %swap3A_907 = arith.constant 0 : index
    %swap3A_908 = arith.constant 0 : index
    %swap3A_909 = vector.load %arg14[%swap3A_905, %swap3A_906, %swap3A_907, %swap3A_908] : memref<8x6x128x128xf32, #tpu.memory_space<vmem>>, vector<1x1x128x128xf32>
    %swap3A_910 = vector.shape_cast %swap3A_909 : vector<1x1x128x128xf32> to vector<128x128xf32>
    %swap3A_911 = vector.shape_cast %mul3A_904 : vector<128x128xf32> to vector<1x1x128x128xf32>
    tpu.vector_store %arg14[%swap3A_905, %swap3A_906, %swap3A_907, %swap3A_908], %swap3A_911 {strides = array<i32>} : memref<8x6x128x128xf32, #tpu.memory_space<vmem>>, vector<1x1x128x128xf32>,
    %reduce_max3A_912 = vector.shape_cast %mul3A_904 : vector<128x128xf32> to vector<1x128x128xf32>
    %reduce_max3A_913 = arith.constant dense<0xFF800000> : vector<1xf32>
    %reduce_max3A_914 = vector.multi_reduction <maximumf>, %reduce_max3A_912, %reduce_max3A_913 [1, 2] : vector<1x128x128xf32> to vector<1xf32>
    %reduce_max3A_915 = vector.shape_cast %reduce_max3A_914 : vector<1xf32> to vector<1x1x1xf32>
    %reduce_max3A_916 = vector.extract %reduce_max3A_915[0, 0, 0] : f32 from vector<1x1x1xf32>
    %max3A_917 = arith.maximumf %max3A_897, %reduce_max3A_916 : f32
    %slice3A_918 = vector.extract_strided_slice %slice3A {offsets = [768, 256], sizes = [128, 128], strides = [1, 1]} : vector<1024x768xf32> to vector<128x128xf32>
    %slice3A_919 = vector.extract_strided_slice %slice3A_156 {offsets = [768, 256], sizes = [128, 128], strides = [1, 1]} : vector<1024x768xf32> to vector<128x128xf32>
    %dot_general3A_920 = arith.constant dense<0.000000e+00> : vector<128x128xf32>
    %dot_general3A_921 = tpu.matmul %slice3A_918, %slice3A_919, %dot_general3A_920 {dimension_numbers = #tpu.dot_dimension_numbers<[1], [1], [0], [0], [0, 0, 1, 0], [], []>, transpose_lhs_hint = false} : vector<128x128xf32>, vector<128x128xf32>, vector<128x128xf32> -> vector<128x128xf32>
    %mul3A_922 = arith.constant 0.0883883461 : f32
    %mul3A_923 = vector.broadcast %mul3A_922 : f32 to vector<128x128xf32>
    %mul3A_924 = arith.mulf %dot_general3A_921, %mul3A_923 : vector<128x128xf32>
    %swap3A_925 = arith.constant 6 : index
    %swap3A_926 = arith.constant 2 : index
    %swap3A_927 = arith.constant 0 : index
    %swap3A_928 = arith.constant 0 : index
    %swap3A_929 = vector.load %arg14[%swap3A_925, %swap3A_926, %swap3A_927, %swap3A_928] : memref<8x6x128x128xf32, #tpu.memory_space<vmem>>, vector<1x1x128x128xf32>
    %swap3A_930 = vector.shape_cast %swap3A_929 : vector<1x1x128x128xf32> to vector<128x128xf32>
    %swap3A_931 = vector.shape_cast %mul3A_924 : vector<128x128xf32> to vector<1x1x128x128xf32>
    tpu.vector_store %arg14[%swap3A_925, %swap3A_926, %swap3A_927, %swap3A_928], %swap3A_931 {strides = array<i32>} : memref<8x6x128x128xf32, #tpu.memory_space<vmem>>, vector<1x1x128x128xf32>,
    %reduce_max3A_932 = vector.shape_cast %mul3A_924 : vector<128x128xf32> to vector<1x128x128xf32>
    %reduce_max3A_933 = arith.constant dense<0xFF800000> : vector<1xf32>
    %reduce_max3A_934 = vector.multi_reduction <maximumf>, %reduce_max3A_932, %reduce_max3A_933 [1, 2] : vector<1x128x128xf32> to vector<1xf32>
    %reduce_max3A_935 = vector.shape_cast %reduce_max3A_934 : vector<1xf32> to vector<1x1x1xf32>
    %reduce_max3A_936 = vector.extract %reduce_max3A_935[0, 0, 0] : f32 from vector<1x1x1xf32>
    %max3A_937 = arith.maximumf %max3A_917, %reduce_max3A_936 : f32
    %slice3A_938 = vector.extract_strided_slice %slice3A {offsets = [768, 384], sizes = [128, 128], strides = [1, 1]} : vector<1024x768xf32> to vector<128x128xf32>
    %slice3A_939 = vector.extract_strided_slice %slice3A_156 {offsets = [768, 384], sizes = [128, 128], strides = [1, 1]} : vector<1024x768xf32> to vector<128x128xf32>
    %dot_general3A_940 = arith.constant dense<0.000000e+00> : vector<128x128xf32>
    %dot_general3A_941 = tpu.matmul %slice3A_938, %slice3A_939, %dot_general3A_940 {dimension_numbers = #tpu.dot_dimension_numbers<[1], [1], [0], [0], [0, 0, 1, 0], [], []>, transpose_lhs_hint = false} : vector<128x128xf32>, vector<128x128xf32>, vector<128x128xf32> -> vector<128x128xf32>
    %mul3A_942 = arith.constant 0.0883883461 : f32
    %mul3A_943 = vector.broadcast %mul3A_942 : f32 to vector<128x128xf32>
    %mul3A_944 = arith.mulf %dot_general3A_941, %mul3A_943 : vector<128x128xf32>
    %swap3A_945 = arith.constant 6 : index
    %swap3A_946 = arith.constant 3 : index
    %swap3A_947 = arith.constant 0 : index
    %swap3A_948 = arith.constant 0 : index
    %swap3A_949 = vector.load %arg14[%swap3A_945, %swap3A_946, %swap3A_947, %swap3A_948] : memref<8x6x128x128xf32, #tpu.memory_space<vmem>>, vector<1x1x128x128xf32>
    %swap3A_950 = vector.shape_cast %swap3A_949 : vector<1x1x128x128xf32> to vector<128x128xf32>
    %swap3A_951 = vector.shape_cast %mul3A_944 : vector<128x128xf32> to vector<1x1x128x128xf32>
    tpu.vector_store %arg14[%swap3A_945, %swap3A_946, %swap3A_947, %swap3A_948], %swap3A_951 {strides = array<i32>} : memref<8x6x128x128xf32, #tpu.memory_space<vmem>>, vector<1x1x128x128xf32>,
    %reduce_max3A_952 = vector.shape_cast %mul3A_944 : vector<128x128xf32> to vector<1x128x128xf32>
    %reduce_max3A_953 = arith.constant dense<0xFF800000> : vector<1xf32>
    %reduce_max3A_954 = vector.multi_reduction <maximumf>, %reduce_max3A_952, %reduce_max3A_953 [1, 2] : vector<1x128x128xf32> to vector<1xf32>
    %reduce_max3A_955 = vector.shape_cast %reduce_max3A_954 : vector<1xf32> to vector<1x1x1xf32>
    %reduce_max3A_956 = vector.extract %reduce_max3A_955[0, 0, 0] : f32 from vector<1x1x1xf32>
    %max3A_957 = arith.maximumf %max3A_937, %reduce_max3A_956 : f32
    %slice3A_958 = vector.extract_strided_slice %slice3A {offsets = [768, 512], sizes = [128, 128], strides = [1, 1]} : vector<1024x768xf32> to vector<128x128xf32>
    %slice3A_959 = vector.extract_strided_slice %slice3A_156 {offsets = [768, 512], sizes = [128, 128], strides = [1, 1]} : vector<1024x768xf32> to vector<128x128xf32>
    %dot_general3A_960 = arith.constant dense<0.000000e+00> : vector<128x128xf32>
    %dot_general3A_961 = tpu.matmul %slice3A_958, %slice3A_959, %dot_general3A_960 {dimension_numbers = #tpu.dot_dimension_numbers<[1], [1], [0], [0], [0, 0, 1, 0], [], []>, transpose_lhs_hint = false} : vector<128x128xf32>, vector<128x128xf32>, vector<128x128xf32> -> vector<128x128xf32>
    %mul3A_962 = arith.constant 0.0883883461 : f32
    %mul3A_963 = vector.broadcast %mul3A_962 : f32 to vector<128x128xf32>
    %mul3A_964 = arith.mulf %dot_general3A_961, %mul3A_963 : vector<128x128xf32>
    %swap3A_965 = arith.constant 6 : index
    %swap3A_966 = arith.constant 4 : index
    %swap3A_967 = arith.constant 0 : index
    %swap3A_968 = arith.constant 0 : index
    %swap3A_969 = vector.load %arg14[%swap3A_965, %swap3A_966, %swap3A_967, %swap3A_968] : memref<8x6x128x128xf32, #tpu.memory_space<vmem>>, vector<1x1x128x128xf32>
    %swap3A_970 = vector.shape_cast %swap3A_969 : vector<1x1x128x128xf32> to vector<128x128xf32>
    %swap3A_971 = vector.shape_cast %mul3A_964 : vector<128x128xf32> to vector<1x1x128x128xf32>
    tpu.vector_store %arg14[%swap3A_965, %swap3A_966, %swap3A_967, %swap3A_968], %swap3A_971 {strides = array<i32>} : memref<8x6x128x128xf32, #tpu.memory_space<vmem>>, vector<1x1x128x128xf32>,
    %reduce_max3A_972 = vector.shape_cast %mul3A_964 : vector<128x128xf32> to vector<1x128x128xf32>
    %reduce_max3A_973 = arith.constant dense<0xFF800000> : vector<1xf32>
    %reduce_max3A_974 = vector.multi_reduction <maximumf>, %reduce_max3A_972, %reduce_max3A_973 [1, 2] : vector<1x128x128xf32> to vector<1xf32>
    %reduce_max3A_975 = vector.shape_cast %reduce_max3A_974 : vector<1xf32> to vector<1x1x1xf32>
    %reduce_max3A_976 = vector.extract %reduce_max3A_975[0, 0, 0] : f32 from vector<1x1x1xf32>
    %max3A_977 = arith.maximumf %max3A_957, %reduce_max3A_976 : f32
    %slice3A_978 = vector.extract_strided_slice %slice3A {offsets = [768, 640], sizes = [128, 128], strides = [1, 1]} : vector<1024x768xf32> to vector<128x128xf32>
    %slice3A_979 = vector.extract_strided_slice %slice3A_156 {offsets = [768, 640], sizes = [128, 128], strides = [1, 1]} : vector<1024x768xf32> to vector<128x128xf32>
    %dot_general3A_980 = arith.constant dense<0.000000e+00> : vector<128x128xf32>
    %dot_general3A_981 = tpu.matmul %slice3A_978, %slice3A_979, %dot_general3A_980 {dimension_numbers = #tpu.dot_dimension_numbers<[1], [1], [0], [0], [0, 0, 1, 0], [], []>, transpose_lhs_hint = false} : vector<128x128xf32>, vector<128x128xf32>, vector<128x128xf32> -> vector<128x128xf32>
    %mul3A_982 = arith.constant 0.0883883461 : f32
    %mul3A_983 = vector.broadcast %mul3A_982 : f32 to vector<128x128xf32>
    %mul3A_984 = arith.mulf %dot_general3A_981, %mul3A_983 : vector<128x128xf32>
    %swap3A_985 = arith.constant 6 : index
    %swap3A_986 = arith.constant 5 : index
    %swap3A_987 = arith.constant 0 : index
    %swap3A_988 = arith.constant 0 : index
    %swap3A_989 = vector.load %arg14[%swap3A_985, %swap3A_986, %swap3A_987, %swap3A_988] : memref<8x6x128x128xf32, #tpu.memory_space<vmem>>, vector<1x1x128x128xf32>
    %swap3A_990 = vector.shape_cast %swap3A_989 : vector<1x1x128x128xf32> to vector<128x128xf32>
    %swap3A_991 = vector.shape_cast %mul3A_984 : vector<128x128xf32> to vector<1x1x128x128xf32>
    tpu.vector_store %arg14[%swap3A_985, %swap3A_986, %swap3A_987, %swap3A_988], %swap3A_991 {strides = array<i32>} : memref<8x6x128x128xf32, #tpu.memory_space<vmem>>, vector<1x1x128x128xf32>,
    %reduce_max3A_992 = vector.shape_cast %mul3A_984 : vector<128x128xf32> to vector<1x128x128xf32>
    %reduce_max3A_993 = arith.constant dense<0xFF800000> : vector<1xf32>
    %reduce_max3A_994 = vector.multi_reduction <maximumf>, %reduce_max3A_992, %reduce_max3A_993 [1, 2] : vector<1x128x128xf32> to vector<1xf32>
    %reduce_max3A_995 = vector.shape_cast %reduce_max3A_994 : vector<1xf32> to vector<1x1x1xf32>
    %reduce_max3A_996 = vector.extract %reduce_max3A_995[0, 0, 0] : f32 from vector<1x1x1xf32>
    %max3A_997 = arith.maximumf %max3A_977, %reduce_max3A_996 : f32
    %slice3A_998 = vector.extract_strided_slice %slice3A {offsets = [896, 0], sizes = [128, 128], strides = [1, 1]} : vector<1024x768xf32> to vector<128x128xf32>
    %slice3A_999 = vector.extract_strided_slice %slice3A_156 {offsets = [896, 0], sizes = [128, 128], strides = [1, 1]} : vector<1024x768xf32> to vector<128x128xf32>
    %dot_general3A_1000 = arith.constant dense<0.000000e+00> : vector<128x128xf32>
    %dot_general3A_1001 = tpu.matmul %slice3A_998, %slice3A_999, %dot_general3A_1000 {dimension_numbers = #tpu.dot_dimension_numbers<[1], [1], [0], [0], [0, 0, 1, 0], [], []>, transpose_lhs_hint = false} : vector<128x128xf32>, vector<128x128xf32>, vector<128x128xf32> -> vector<128x128xf32>
    %mul3A_1002 = arith.constant 0.0883883461 : f32
    %mul3A_1003 = vector.broadcast %mul3A_1002 : f32 to vector<128x128xf32>
    %mul3A_1004 = arith.mulf %dot_general3A_1001, %mul3A_1003 : vector<128x128xf32>
    %swap3A_1005 = arith.constant 7 : index
    %swap3A_1006 = arith.constant 0 : index
    %swap3A_1007 = arith.constant 0 : index
    %swap3A_1008 = arith.constant 0 : index
    %swap3A_1009 = vector.load %arg14[%swap3A_1005, %swap3A_1006, %swap3A_1007, %swap3A_1008] : memref<8x6x128x128xf32, #tpu.memory_space<vmem>>, vector<1x1x128x128xf32>
    %swap3A_1010 = vector.shape_cast %swap3A_1009 : vector<1x1x128x128xf32> to vector<128x128xf32>
    %swap3A_1011 = vector.shape_cast %mul3A_1004 : vector<128x128xf32> to vector<1x1x128x128xf32>
    tpu.vector_store %arg14[%swap3A_1005, %swap3A_1006, %swap3A_1007, %swap3A_1008], %swap3A_1011 {strides = array<i32>} : memref<8x6x128x128xf32, #tpu.memory_space<vmem>>, vector<1x1x128x128xf32>,
    %reduce_max3A_1012 = vector.shape_cast %mul3A_1004 : vector<128x128xf32> to vector<1x128x128xf32>
    %reduce_max3A_1013 = arith.constant dense<0xFF800000> : vector<1xf32>
    %reduce_max3A_1014 = vector.multi_reduction <maximumf>, %reduce_max3A_1012, %reduce_max3A_1013 [1, 2] : vector<1x128x128xf32> to vector<1xf32>
    %reduce_max3A_1015 = vector.shape_cast %reduce_max3A_1014 : vector<1xf32> to vector<1x1x1xf32>
    %reduce_max3A_1016 = vector.extract %reduce_max3A_1015[0, 0, 0] : f32 from vector<1x1x1xf32>
    %max3A_1017 = arith.maximumf %max3A_997, %reduce_max3A_1016 : f32
    %slice3A_1018 = vector.extract_strided_slice %slice3A {offsets = [896, 128], sizes = [128, 128], strides = [1, 1]} : vector<1024x768xf32> to vector<128x128xf32>
    %slice3A_1019 = vector.extract_strided_slice %slice3A_156 {offsets = [896, 128], sizes = [128, 128], strides = [1, 1]} : vector<1024x768xf32> to vector<128x128xf32>
    %dot_general3A_1020 = arith.constant dense<0.000000e+00> : vector<128x128xf32>
    %dot_general3A_1021 = tpu.matmul %slice3A_1018, %slice3A_1019, %dot_general3A_1020 {dimension_numbers = #tpu.dot_dimension_numbers<[1], [1], [0], [0], [0, 0, 1, 0], [], []>, transpose_lhs_hint = false} : vector<128x128xf32>, vector<128x128xf32>, vector<128x128xf32> -> vector<128x128xf32>
    %mul3A_1022 = arith.constant 0.0883883461 : f32
    %mul3A_1023 = vector.broadcast %mul3A_1022 : f32 to vector<128x128xf32>
    %mul3A_1024 = arith.mulf %dot_general3A_1021, %mul3A_1023 : vector<128x128xf32>
    %swap3A_1025 = arith.constant 7 : index
    %swap3A_1026 = arith.constant 1 : index
    %swap3A_1027 = arith.constant 0 : index
    %swap3A_1028 = arith.constant 0 : index
    %swap3A_1029 = vector.load %arg14[%swap3A_1025, %swap3A_1026, %swap3A_1027, %swap3A_1028] : memref<8x6x128x128xf32, #tpu.memory_space<vmem>>, vector<1x1x128x128xf32>
    %swap3A_1030 = vector.shape_cast %swap3A_1029 : vector<1x1x128x128xf32> to vector<128x128xf32>
    %swap3A_1031 = vector.shape_cast %mul3A_1024 : vector<128x128xf32> to vector<1x1x128x128xf32>
    tpu.vector_store %arg14[%swap3A_1025, %swap3A_1026, %swap3A_1027, %swap3A_1028], %swap3A_1031 {strides = array<i32>} : memref<8x6x128x128xf32, #tpu.memory_space<vmem>>, vector<1x1x128x128xf32>,
    %reduce_max3A_1032 = vector.shape_cast %mul3A_1024 : vector<128x128xf32> to vector<1x128x128xf32>
    %reduce_max3A_1033 = arith.constant dense<0xFF800000> : vector<1xf32>
    %reduce_max3A_1034 = vector.multi_reduction <maximumf>, %reduce_max3A_1032, %reduce_max3A_1033 [1, 2] : vector<1x128x128xf32> to vector<1xf32>
    %reduce_max3A_1035 = vector.shape_cast %reduce_max3A_1034 : vector<1xf32> to vector<1x1x1xf32>
    %reduce_max3A_1036 = vector.extract %reduce_max3A_1035[0, 0, 0] : f32 from vector<1x1x1xf32>
    %max3A_1037 = arith.maximumf %max3A_1017, %reduce_max3A_1036 : f32
    %slice3A_1038 = vector.extract_strided_slice %slice3A {offsets = [896, 256], sizes = [128, 128], strides = [1, 1]} : vector<1024x768xf32> to vector<128x128xf32>
    %slice3A_1039 = vector.extract_strided_slice %slice3A_156 {offsets = [896, 256], sizes = [128, 128], strides = [1, 1]} : vector<1024x768xf32> to vector<128x128xf32>
    %dot_general3A_1040 = arith.constant dense<0.000000e+00> : vector<128x128xf32>
    %dot_general3A_1041 = tpu.matmul %slice3A_1038, %slice3A_1039, %dot_general3A_1040 {dimension_numbers = #tpu.dot_dimension_numbers<[1], [1], [0], [0], [0, 0, 1, 0], [], []>, transpose_lhs_hint = false} : vector<128x128xf32>, vector<128x128xf32>, vector<128x128xf32> -> vector<128x128xf32>
    %mul3A_1042 = arith.constant 0.0883883461 : f32
    %mul3A_1043 = vector.broadcast %mul3A_1042 : f32 to vector<128x128xf32>
    %mul3A_1044 = arith.mulf %dot_general3A_1041, %mul3A_1043 : vector<128x128xf32>
    %swap3A_1045 = arith.constant 7 : index
    %swap3A_1046 = arith.constant 2 : index
    %swap3A_1047 = arith.constant 0 : index
    %swap3A_1048 = arith.constant 0 : index
    %swap3A_1049 = vector.load %arg14[%swap3A_1045, %swap3A_1046, %swap3A_1047, %swap3A_1048] : memref<8x6x128x128xf32, #tpu.memory_space<vmem>>, vector<1x1x128x128xf32>
    %swap3A_1050 = vector.shape_cast %swap3A_1049 : vector<1x1x128x128xf32> to vector<128x128xf32>
    %swap3A_1051 = vector.shape_cast %mul3A_1044 : vector<128x128xf32> to vector<1x1x128x128xf32>
    tpu.vector_store %arg14[%swap3A_1045, %swap3A_1046, %swap3A_1047, %swap3A_1048], %swap3A_1051 {strides = array<i32>} : memref<8x6x128x128xf32, #tpu.memory_space<vmem>>, vector<1x1x128x128xf32>,
    %reduce_max3A_1052 = vector.shape_cast %mul3A_1044 : vector<128x128xf32> to vector<1x128x128xf32>
    %reduce_max3A_1053 = arith.constant dense<0xFF800000> : vector<1xf32>
    %reduce_max3A_1054 = vector.multi_reduction <maximumf>, %reduce_max3A_1052, %reduce_max3A_1053 [1, 2] : vector<1x128x128xf32> to vector<1xf32>
    %reduce_max3A_1055 = vector.shape_cast %reduce_max3A_1054 : vector<1xf32> to vector<1x1x1xf32>
    %reduce_max3A_1056 = vector.extract %reduce_max3A_1055[0, 0, 0] : f32 from vector<1x1x1xf32>
    %max3A_1057 = arith.maximumf %max3A_1037, %reduce_max3A_1056 : f32
    %slice3A_1058 = vector.extract_strided_slice %slice3A {offsets = [896, 384], sizes = [128, 128], strides = [1, 1]} : vector<1024x768xf32> to vector<128x128xf32>
    %slice3A_1059 = vector.extract_strided_slice %slice3A_156 {offsets = [896, 384], sizes = [128, 128], strides = [1, 1]} : vector<1024x768xf32> to vector<128x128xf32>
    %dot_general3A_1060 = arith.constant dense<0.000000e+00> : vector<128x128xf32>
    %dot_general3A_1061 = tpu.matmul %slice3A_1058, %slice3A_1059, %dot_general3A_1060 {dimension_numbers = #tpu.dot_dimension_numbers<[1], [1], [0], [0], [0, 0, 1, 0], [], []>, transpose_lhs_hint = false} : vector<128x128xf32>, vector<128x128xf32>, vector<128x128xf32> -> vector<128x128xf32>
    %mul3A_1062 = arith.constant 0.0883883461 : f32
    %mul3A_1063 = vector.broadcast %mul3A_1062 : f32 to vector<128x128xf32>
    %mul3A_1064 = arith.mulf %dot_general3A_1061, %mul3A_1063 : vector<128x128xf32>
    %swap3A_1065 = arith.constant 7 : index
    %swap3A_1066 = arith.constant 3 : index
    %swap3A_1067 = arith.constant 0 : index
    %swap3A_1068 = arith.constant 0 : index
    %swap3A_1069 = vector.load %arg14[%swap3A_1065, %swap3A_1066, %swap3A_1067, %swap3A_1068] : memref<8x6x128x128xf32, #tpu.memory_space<vmem>>, vector<1x1x128x128xf32>
    %swap3A_1070 = vector.shape_cast %swap3A_1069 : vector<1x1x128x128xf32> to vector<128x128xf32>
    %swap3A_1071 = vector.shape_cast %mul3A_1064 : vector<128x128xf32> to vector<1x1x128x128xf32>
    tpu.vector_store %arg14[%swap3A_1065, %swap3A_1066, %swap3A_1067, %swap3A_1068], %swap3A_1071 {strides = array<i32>} : memref<8x6x128x128xf32, #tpu.memory_space<vmem>>, vector<1x1x128x128xf32>,
    %reduce_max3A_1072 = vector.shape_cast %mul3A_1064 : vector<128x128xf32> to vector<1x128x128xf32>
    %reduce_max3A_1073 = arith.constant dense<0xFF800000> : vector<1xf32>
    %reduce_max3A_1074 = vector.multi_reduction <maximumf>, %reduce_max3A_1072, %reduce_max3A_1073 [1, 2] : vector<1x128x128xf32> to vector<1xf32>
    %reduce_max3A_1075 = vector.shape_cast %reduce_max3A_1074 : vector<1xf32> to vector<1x1x1xf32>
    %reduce_max3A_1076 = vector.extract %reduce_max3A_1075[0, 0, 0] : f32 from vector<1x1x1xf32>
    %max3A_1077 = arith.maximumf %max3A_1057, %reduce_max3A_1076 : f32
    %slice3A_1078 = vector.extract_strided_slice %slice3A {offsets = [896, 512], sizes = [128, 128], strides = [1, 1]} : vector<1024x768xf32> to vector<128x128xf32>
    %slice3A_1079 = vector.extract_strided_slice %slice3A_156 {offsets = [896, 512], sizes = [128, 128], strides = [1, 1]} : vector<1024x768xf32> to vector<128x128xf32>
    %dot_general3A_1080 = arith.constant dense<0.000000e+00> : vector<128x128xf32>
    %dot_general3A_1081 = tpu.matmul %slice3A_1078, %slice3A_1079, %dot_general3A_1080 {dimension_numbers = #tpu.dot_dimension_numbers<[1], [1], [0], [0], [0, 0, 1, 0], [], []>, transpose_lhs_hint = false} : vector<128x128xf32>, vector<128x128xf32>, vector<128x128xf32> -> vector<128x128xf32>
    %mul3A_1082 = arith.constant 0.0883883461 : f32
    %mul3A_1083 = vector.broadcast %mul3A_1082 : f32 to vector<128x128xf32>
    %mul3A_1084 = arith.mulf %dot_general3A_1081, %mul3A_1083 : vector<128x128xf32>
    %swap3A_1085 = arith.constant 7 : index
    %swap3A_1086 = arith.constant 4 : index
    %swap3A_1087 = arith.constant 0 : index
    %swap3A_1088 = arith.constant 0 : index
    %swap3A_1089 = vector.load %arg14[%swap3A_1085, %swap3A_1086, %swap3A_1087, %swap3A_1088] : memref<8x6x128x128xf32, #tpu.memory_space<vmem>>, vector<1x1x128x128xf32>
    %swap3A_1090 = vector.shape_cast %swap3A_1089 : vector<1x1x128x128xf32> to vector<128x128xf32>
    %swap3A_1091 = vector.shape_cast %mul3A_1084 : vector<128x128xf32> to vector<1x1x128x128xf32>
    tpu.vector_store %arg14[%swap3A_1085, %swap3A_1086, %swap3A_1087, %swap3A_1088], %swap3A_1091 {strides = array<i32>} : memref<8x6x128x128xf32, #tpu.memory_space<vmem>>, vector<1x1x128x128xf32>,
    %reduce_max3A_1092 = vector.shape_cast %mul3A_1084 : vector<128x128xf32> to vector<1x128x128xf32>
    %reduce_max3A_1093 = arith.constant dense<0xFF800000> : vector<1xf32>
    %reduce_max3A_1094 = vector.multi_reduction <maximumf>, %reduce_max3A_1092, %reduce_max3A_1093 [1, 2] : vector<1x128x128xf32> to vector<1xf32>
    %reduce_max3A_1095 = vector.shape_cast %reduce_max3A_1094 : vector<1xf32> to vector<1x1x1xf32>
    %reduce_max3A_1096 = vector.extract %reduce_max3A_1095[0, 0, 0] : f32 from vector<1x1x1xf32>
    %max3A_1097 = arith.maximumf %max3A_1077, %reduce_max3A_1096 : f32
    %slice3A_1098 = vector.extract_strided_slice %slice3A {offsets = [896, 640], sizes = [128, 128], strides = [1, 1]} : vector<1024x768xf32> to vector<128x128xf32>
    %slice3A_1099 = vector.extract_strided_slice %slice3A_156 {offsets = [896, 640], sizes = [128, 128], strides = [1, 1]} : vector<1024x768xf32> to vector<128x128xf32>
    %dot_general3A_1100 = arith.constant dense<0.000000e+00> : vector<128x128xf32>
    %dot_general3A_1101 = tpu.matmul %slice3A_1098, %slice3A_1099, %dot_general3A_1100 {dimension_numbers = #tpu.dot_dimension_numbers<[1], [1], [0], [0], [0, 0, 1, 0], [], []>, transpose_lhs_hint = false} : vector<128x128xf32>, vector<128x128xf32>, vector<128x128xf32> -> vector<128x128xf32>
    %mul3A_1102 = arith.constant 0.0883883461 : f32
    %mul3A_1103 = vector.broadcast %mul3A_1102 : f32 to vector<128x128xf32>
    %mul3A_1104 = arith.mulf %dot_general3A_1101, %mul3A_1103 : vector<128x128xf32>
    %swap3A_1105 = arith.constant 7 : index
    %swap3A_1106 = arith.constant 5 : index
    %swap3A_1107 = arith.constant 0 : index
    %swap3A_1108 = arith.constant 0 : index
    %swap3A_1109 = vector.load %arg14[%swap3A_1105, %swap3A_1106, %swap3A_1107, %swap3A_1108] : memref<8x6x128x128xf32, #tpu.memory_space<vmem>>, vector<1x1x128x128xf32>
    %swap3A_1110 = vector.shape_cast %swap3A_1109 : vector<1x1x128x128xf32> to vector<128x128xf32>
    %swap3A_1111 = vector.shape_cast %mul3A_1104 : vector<128x128xf32> to vector<1x1x128x128xf32>
    tpu.vector_store %arg14[%swap3A_1105, %swap3A_1106, %swap3A_1107, %swap3A_1108], %swap3A_1111 {strides = array<i32>} : memref<8x6x128x128xf32, #tpu.memory_space<vmem>>, vector<1x1x128x128xf32>,
    %reduce_max3A_1112 = vector.shape_cast %mul3A_1104 : vector<128x128xf32> to vector<1x128x128xf32>
    %reduce_max3A_1113 = arith.constant dense<0xFF800000> : vector<1xf32>
    %reduce_max3A_1114 = vector.multi_reduction <maximumf>, %reduce_max3A_1112, %reduce_max3A_1113 [1, 2] : vector<1x128x128xf32> to vector<1xf32>
    %reduce_max3A_1115 = vector.shape_cast %reduce_max3A_1114 : vector<1xf32> to vector<1x1x1xf32>
    %reduce_max3A_1116 = vector.extract %reduce_max3A_1115[0, 0, 0] : f32 from vector<1x1x1xf32>
    %max3A_1117 = arith.maximumf %max3A_1097, %reduce_max3A_1116 : f32
    %get3A_1118 = arith.constant 0 : index
    %get3A_1119 = arith.constant 0 : index
    %get3A_1120 = arith.constant 0 : index
    %get3A_1121 = arith.constant 0 : index
    %get3A_1122 = vector.load %arg14[%get3A_1118, %get3A_1119, %get3A_1120, %get3A_1121] : memref<8x6x128x128xf32, #tpu.memory_space<vmem>>, vector<1x1x128x128xf32>
    %get3A_1123 = vector.shape_cast %get3A_1122 : vector<1x1x128x128xf32> to vector<128x128xf32>
    %sub3A = vector.broadcast %max3A_1117 : f32 to vector<128x128xf32>
    %sub3A_1124 = arith.subf %get3A_1123, %sub3A : vector<128x128xf32>
    %exp3A = math.exp %sub3A_1124 : vector<128x128xf32>
    %reduce_sum3A = arith.constant dense<0.000000e+00> : vector<128xf32>
    %reduce_sum3A_1125 = vector.multi_reduction <add>, %exp3A, %reduce_sum3A [1] : vector<128x128xf32> to vector<128xf32>
    %broadcast_in_dim3A_1126 = vector.shape_cast %reduce_sum3A_1125 : vector<128xf32> to vector<128x1xf32>
    %slice3A_1127 = vector.extract_strided_slice %max3A_159 {offsets = [0, 0], sizes = [128, 128], strides = [1, 1]} : vector<1024x768xf32> to vector<128x128xf32>
    %dot_general3A_1128 = arith.constant dense<0.000000e+00> : vector<128x128xf32>
    %dot_general3A_1129 = tpu.matmul %exp3A, %slice3A_1127, %dot_general3A_1128 {dimension_numbers = #tpu.dot_dimension_numbers<[1], [0], [0], [1], [0, 0, 1, 1], [], []>, transpose_lhs_hint = false} : vector<128x128xf32>, vector<128x128xf32>, vector<128x128xf32> -> vector<128x128xf32>
    %get3A_1130 = arith.constant 0 : index
    %get3A_1131 = arith.constant 1 : index
    %get3A_1132 = arith.constant 0 : index
    %get3A_1133 = arith.constant 0 : index
    %get3A_1134 = vector.load %arg14[%get3A_1130, %get3A_1131, %get3A_1132, %get3A_1133] : memref<8x6x128x128xf32, #tpu.memory_space<vmem>>, vector<1x1x128x128xf32>
    %get3A_1135 = vector.shape_cast %get3A_1134 : vector<1x1x128x128xf32> to vector<128x128xf32>
    %sub3A_1136 = vector.broadcast %max3A_1117 : f32 to vector<128x128xf32>
    %sub3A_1137 = arith.subf %get3A_1135, %sub3A_1136 : vector<128x128xf32>
    %exp3A_1138 = math.exp %sub3A_1137 : vector<128x128xf32>
    %reduce_sum3A_1139 = arith.constant dense<0.000000e+00> : vector<128xf32>
    %reduce_sum3A_1140 = vector.multi_reduction <add>, %exp3A_1138, %reduce_sum3A_1139 [1] : vector<128x128xf32> to vector<128xf32>
    %broadcast_in_dim3A_1141 = vector.shape_cast %reduce_sum3A_1140 : vector<128xf32> to vector<128x1xf32>
    %slice3A_1142 = vector.extract_strided_slice %max3A_159 {offsets = [0, 128], sizes = [128, 128], strides = [1, 1]} : vector<1024x768xf32> to vector<128x128xf32>
    %dot_general3A_1143 = arith.constant dense<0.000000e+00> : vector<128x128xf32>
    %dot_general3A_1144 = tpu.matmul %exp3A_1138, %slice3A_1142, %dot_general3A_1143 {dimension_numbers = #tpu.dot_dimension_numbers<[1], [0], [0], [1], [0, 0, 1, 1], [], []>, transpose_lhs_hint = false} : vector<128x128xf32>, vector<128x128xf32>, vector<128x128xf32> -> vector<128x128xf32>
    %get3A_1145 = arith.constant 0 : index
    %get3A_1146 = arith.constant 2 : index
    %get3A_1147 = arith.constant 0 : index
    %get3A_1148 = arith.constant 0 : index
    %get3A_1149 = vector.load %arg14[%get3A_1145, %get3A_1146, %get3A_1147, %get3A_1148] : memref<8x6x128x128xf32, #tpu.memory_space<vmem>>, vector<1x1x128x128xf32>
    %get3A_1150 = vector.shape_cast %get3A_1149 : vector<1x1x128x128xf32> to vector<128x128xf32>
    %sub3A_1151 = vector.broadcast %max3A_1117 : f32 to vector<128x128xf32>
    %sub3A_1152 = arith.subf %get3A_1150, %sub3A_1151 : vector<128x128xf32>
    %exp3A_1153 = math.exp %sub3A_1152 : vector<128x128xf32>
    %reduce_sum3A_1154 = arith.constant dense<0.000000e+00> : vector<128xf32>
    %reduce_sum3A_1155 = vector.multi_reduction <add>, %exp3A_1153, %reduce_sum3A_1154 [1] : vector<128x128xf32> to vector<128xf32>
    %broadcast_in_dim3A_1156 = vector.shape_cast %reduce_sum3A_1155 : vector<128xf32> to vector<128x1xf32>
    %slice3A_1157 = vector.extract_strided_slice %max3A_159 {offsets = [0, 256], sizes = [128, 128], strides = [1, 1]} : vector<1024x768xf32> to vector<128x128xf32>
    %dot_general3A_1158 = arith.constant dense<0.000000e+00> : vector<128x128xf32>
    %dot_general3A_1159 = tpu.matmul %exp3A_1153, %slice3A_1157, %dot_general3A_1158 {dimension_numbers = #tpu.dot_dimension_numbers<[1], [0], [0], [1], [0, 0, 1, 1], [], []>, transpose_lhs_hint = false} : vector<128x128xf32>, vector<128x128xf32>, vector<128x128xf32> -> vector<128x128xf32>
    %get3A_1160 = arith.constant 0 : index
    %get3A_1161 = arith.constant 3 : index
    %get3A_1162 = arith.constant 0 : index
    %get3A_1163 = arith.constant 0 : index
    %get3A_1164 = vector.load %arg14[%get3A_1160, %get3A_1161, %get3A_1162, %get3A_1163] : memref<8x6x128x128xf32, #tpu.memory_space<vmem>>, vector<1x1x128x128xf32>
    %get3A_1165 = vector.shape_cast %get3A_1164 : vector<1x1x128x128xf32> to vector<128x128xf32>
    %sub3A_1166 = vector.broadcast %max3A_1117 : f32 to vector<128x128xf32>
    %sub3A_1167 = arith.subf %get3A_1165, %sub3A_1166 : vector<128x128xf32>
    %exp3A_1168 = math.exp %sub3A_1167 : vector<128x128xf32>
    %reduce_sum3A_1169 = arith.constant dense<0.000000e+00> : vector<128xf32>
    %reduce_sum3A_1170 = vector.multi_reduction <add>, %exp3A_1168, %reduce_sum3A_1169 [1] : vector<128x128xf32> to vector<128xf32>
    %broadcast_in_dim3A_1171 = vector.shape_cast %reduce_sum3A_1170 : vector<128xf32> to vector<128x1xf32>
    %slice3A_1172 = vector.extract_strided_slice %max3A_159 {offsets = [0, 384], sizes = [128, 128], strides = [1, 1]} : vector<1024x768xf32> to vector<128x128xf32>
    %dot_general3A_1173 = arith.constant dense<0.000000e+00> : vector<128x128xf32>
    %dot_general3A_1174 = tpu.matmul %exp3A_1168, %slice3A_1172, %dot_general3A_1173 {dimension_numbers = #tpu.dot_dimension_numbers<[1], [0], [0], [1], [0, 0, 1, 1], [], []>, transpose_lhs_hint = false} : vector<128x128xf32>, vector<128x128xf32>, vector<128x128xf32> -> vector<128x128xf32>
    %get3A_1175 = arith.constant 0 : index
    %get3A_1176 = arith.constant 4 : index
    %get3A_1177 = arith.constant 0 : index
    %get3A_1178 = arith.constant 0 : index
    %get3A_1179 = vector.load %arg14[%get3A_1175, %get3A_1176, %get3A_1177, %get3A_1178] : memref<8x6x128x128xf32, #tpu.memory_space<vmem>>, vector<1x1x128x128xf32>
    %get3A_1180 = vector.shape_cast %get3A_1179 : vector<1x1x128x128xf32> to vector<128x128xf32>
    %sub3A_1181 = vector.broadcast %max3A_1117 : f32 to vector<128x128xf32>
    %sub3A_1182 = arith.subf %get3A_1180, %sub3A_1181 : vector<128x128xf32>
    %exp3A_1183 = math.exp %sub3A_1182 : vector<128x128xf32>
    %reduce_sum3A_1184 = arith.constant dense<0.000000e+00> : vector<128xf32>
    %reduce_sum3A_1185 = vector.multi_reduction <add>, %exp3A_1183, %reduce_sum3A_1184 [1] : vector<128x128xf32> to vector<128xf32>
    %broadcast_in_dim3A_1186 = vector.shape_cast %reduce_sum3A_1185 : vector<128xf32> to vector<128x1xf32>
    %slice3A_1187 = vector.extract_strided_slice %max3A_159 {offsets = [0, 512], sizes = [128, 128], strides = [1, 1]} : vector<1024x768xf32> to vector<128x128xf32>
    %dot_general3A_1188 = arith.constant dense<0.000000e+00> : vector<128x128xf32>
    %dot_general3A_1189 = tpu.matmul %exp3A_1183, %slice3A_1187, %dot_general3A_1188 {dimension_numbers = #tpu.dot_dimension_numbers<[1], [0], [0], [1], [0, 0, 1, 1], [], []>, transpose_lhs_hint = false} : vector<128x128xf32>, vector<128x128xf32>, vector<128x128xf32> -> vector<128x128xf32>
    %get3A_1190 = arith.constant 0 : index
    %get3A_1191 = arith.constant 5 : index
    %get3A_1192 = arith.constant 0 : index
    %get3A_1193 = arith.constant 0 : index
    %get3A_1194 = vector.load %arg14[%get3A_1190, %get3A_1191, %get3A_1192, %get3A_1193] : memref<8x6x128x128xf32, #tpu.memory_space<vmem>>, vector<1x1x128x128xf32>
    %get3A_1195 = vector.shape_cast %get3A_1194 : vector<1x1x128x128xf32> to vector<128x128xf32>
    %sub3A_1196 = vector.broadcast %max3A_1117 : f32 to vector<128x128xf32>
    %sub3A_1197 = arith.subf %get3A_1195, %sub3A_1196 : vector<128x128xf32>
    %exp3A_1198 = math.exp %sub3A_1197 : vector<128x128xf32>
    %reduce_sum3A_1199 = arith.constant dense<0.000000e+00> : vector<128xf32>
    %reduce_sum3A_1200 = vector.multi_reduction <add>, %exp3A_1198, %reduce_sum3A_1199 [1] : vector<128x128xf32> to vector<128xf32>
    %broadcast_in_dim3A_1201 = vector.shape_cast %reduce_sum3A_1200 : vector<128xf32> to vector<128x1xf32>
    %slice3A_1202 = vector.extract_strided_slice %max3A_159 {offsets = [0, 640], sizes = [128, 128], strides = [1, 1]} : vector<1024x768xf32> to vector<128x128xf32>
    %dot_general3A_1203 = arith.constant dense<0.000000e+00> : vector<128x128xf32>
    %dot_general3A_1204 = tpu.matmul %exp3A_1198, %slice3A_1202, %dot_general3A_1203 {dimension_numbers = #tpu.dot_dimension_numbers<[1], [0], [0], [1], [0, 0, 1, 1], [], []>, transpose_lhs_hint = false} : vector<128x128xf32>, vector<128x128xf32>, vector<128x128xf32> -> vector<128x128xf32>
    %broadcast_in_dim3A_1205 = arith.constant 0.000000e+00 : f32
    %broadcast_in_dim3A_1206 = vector.broadcast %broadcast_in_dim3A_1205 : f32 to vector<128x122xf32>
    %concatenate3A_1207 = tpu.concatenate %broadcast_in_dim3A_1126, %broadcast_in_dim3A_1141, %broadcast_in_dim3A_1156, %broadcast_in_dim3A_1171, %broadcast_in_dim3A_1186, %broadcast_in_dim3A_1201, %broadcast_in_dim3A_1206, %dot_general3A_1129, %dot_general3A_1144, %dot_general3A_1159, %dot_general3A_1174, %dot_general3A_1189, %dot_general3A_1204 in 1 : vector<128x1xf32>, vector<128x1xf32>, vector<128x1xf32>, vector<128x1xf32>, vector<128x1xf32>, vector<128x1xf32>, vector<128x122xf32>, vector<128x128xf32>, vector<128x128xf32>, vector<128x128xf32>, vector<128x128xf32>, vector<128x128xf32>, vector<128x128xf32> -> vector<128x896xf32>
    %get3A_1208 = arith.constant 1 : index
    %get3A_1209 = arith.constant 0 : index
    %get3A_1210 = arith.constant 0 : index
    %get3A_1211 = arith.constant 0 : index
    %get3A_1212 = vector.load %arg14[%get3A_1208, %get3A_1209, %get3A_1210, %get3A_1211] : memref<8x6x128x128xf32, #tpu.memory_space<vmem>>, vector<1x1x128x128xf32>
    %get3A_1213 = vector.shape_cast %get3A_1212 : vector<1x1x128x128xf32> to vector<128x128xf32>
    %sub3A_1214 = vector.broadcast %max3A_1117 : f32 to vector<128x128xf32>
    %sub3A_1215 = arith.subf %get3A_1213, %sub3A_1214 : vector<128x128xf32>
    %exp3A_1216 = math.exp %sub3A_1215 : vector<128x128xf32>
    %reduce_sum3A_1217 = arith.constant dense<0.000000e+00> : vector<128xf32>
    %reduce_sum3A_1218 = vector.multi_reduction <add>, %exp3A_1216, %reduce_sum3A_1217 [1] : vector<128x128xf32> to vector<128xf32>
    %broadcast_in_dim3A_1219 = vector.shape_cast %reduce_sum3A_1218 : vector<128xf32> to vector<128x1xf32>
    %slice3A_1220 = vector.extract_strided_slice %max3A_159 {offsets = [128, 0], sizes = [128, 128], strides = [1, 1]} : vector<1024x768xf32> to vector<128x128xf32>
    %dot_general3A_1221 = arith.constant dense<0.000000e+00> : vector<128x128xf32>
    %dot_general3A_1222 = tpu.matmul %exp3A_1216, %slice3A_1220, %dot_general3A_1221 {dimension_numbers = #tpu.dot_dimension_numbers<[1], [0], [0], [1], [0, 0, 1, 1], [], []>, transpose_lhs_hint = false} : vector<128x128xf32>, vector<128x128xf32>, vector<128x128xf32> -> vector<128x128xf32>
    %get3A_1223 = arith.constant 1 : index
    %get3A_1224 = arith.constant 1 : index
    %get3A_1225 = arith.constant 0 : index
    %get3A_1226 = arith.constant 0 : index
    %get3A_1227 = vector.load %arg14[%get3A_1223, %get3A_1224, %get3A_1225, %get3A_1226] : memref<8x6x128x128xf32, #tpu.memory_space<vmem>>, vector<1x1x128x128xf32>
    %get3A_1228 = vector.shape_cast %get3A_1227 : vector<1x1x128x128xf32> to vector<128x128xf32>
    %sub3A_1229 = vector.broadcast %max3A_1117 : f32 to vector<128x128xf32>
    %sub3A_1230 = arith.subf %get3A_1228, %sub3A_1229 : vector<128x128xf32>
    %exp3A_1231 = math.exp %sub3A_1230 : vector<128x128xf32>
    %reduce_sum3A_1232 = arith.constant dense<0.000000e+00> : vector<128xf32>
    %reduce_sum3A_1233 = vector.multi_reduction <add>, %exp3A_1231, %reduce_sum3A_1232 [1] : vector<128x128xf32> to vector<128xf32>
    %broadcast_in_dim3A_1234 = vector.shape_cast %reduce_sum3A_1233 : vector<128xf32> to vector<128x1xf32>
    %slice3A_1235 = vector.extract_strided_slice %max3A_159 {offsets = [128, 128], sizes = [128, 128], strides = [1, 1]} : vector<1024x768xf32> to vector<128x128xf32>
    %dot_general3A_1236 = arith.constant dense<0.000000e+00> : vector<128x128xf32>
    %dot_general3A_1237 = tpu.matmul %exp3A_1231, %slice3A_1235, %dot_general3A_1236 {dimension_numbers = #tpu.dot_dimension_numbers<[1], [0], [0], [1], [0, 0, 1, 1], [], []>, transpose_lhs_hint = false} : vector<128x128xf32>, vector<128x128xf32>, vector<128x128xf32> -> vector<128x128xf32>
    %get3A_1238 = arith.constant 1 : index
    %get3A_1239 = arith.constant 2 : index
    %get3A_1240 = arith.constant 0 : index
    %get3A_1241 = arith.constant 0 : index
    %get3A_1242 = vector.load %arg14[%get3A_1238, %get3A_1239, %get3A_1240, %get3A_1241] : memref<8x6x128x128xf32, #tpu.memory_space<vmem>>, vector<1x1x128x128xf32>
    %get3A_1243 = vector.shape_cast %get3A_1242 : vector<1x1x128x128xf32> to vector<128x128xf32>
    %sub3A_1244 = vector.broadcast %max3A_1117 : f32 to vector<128x128xf32>
    %sub3A_1245 = arith.subf %get3A_1243, %sub3A_1244 : vector<128x128xf32>
    %exp3A_1246 = math.exp %sub3A_1245 : vector<128x128xf32>
    %reduce_sum3A_1247 = arith.constant dense<0.000000e+00> : vector<128xf32>
    %reduce_sum3A_1248 = vector.multi_reduction <add>, %exp3A_1246, %reduce_sum3A_1247 [1] : vector<128x128xf32> to vector<128xf32>
    %broadcast_in_dim3A_1249 = vector.shape_cast %reduce_sum3A_1248 : vector<128xf32> to vector<128x1xf32>
    %slice3A_1250 = vector.extract_strided_slice %max3A_159 {offsets = [128, 256], sizes = [128, 128], strides = [1, 1]} : vector<1024x768xf32> to vector<128x128xf32>
    %dot_general3A_1251 = arith.constant dense<0.000000e+00> : vector<128x128xf32>
    %dot_general3A_1252 = tpu.matmul %exp3A_1246, %slice3A_1250, %dot_general3A_1251 {dimension_numbers = #tpu.dot_dimension_numbers<[1], [0], [0], [1], [0, 0, 1, 1], [], []>, transpose_lhs_hint = false} : vector<128x128xf32>, vector<128x128xf32>, vector<128x128xf32> -> vector<128x128xf32>
    %get3A_1253 = arith.constant 1 : index
    %get3A_1254 = arith.constant 3 : index
    %get3A_1255 = arith.constant 0 : index
    %get3A_1256 = arith.constant 0 : index
    %get3A_1257 = vector.load %arg14[%get3A_1253, %get3A_1254, %get3A_1255, %get3A_1256] : memref<8x6x128x128xf32, #tpu.memory_space<vmem>>, vector<1x1x128x128xf32>
    %get3A_1258 = vector.shape_cast %get3A_1257 : vector<1x1x128x128xf32> to vector<128x128xf32>
    %sub3A_1259 = vector.broadcast %max3A_1117 : f32 to vector<128x128xf32>
    %sub3A_1260 = arith.subf %get3A_1258, %sub3A_1259 : vector<128x128xf32>
    %exp3A_1261 = math.exp %sub3A_1260 : vector<128x128xf32>
    %reduce_sum3A_1262 = arith.constant dense<0.000000e+00> : vector<128xf32>
    %reduce_sum3A_1263 = vector.multi_reduction <add>, %exp3A_1261, %reduce_sum3A_1262 [1] : vector<128x128xf32> to vector<128xf32>
    %broadcast_in_dim3A_1264 = vector.shape_cast %reduce_sum3A_1263 : vector<128xf32> to vector<128x1xf32>
    %slice3A_1265 = vector.extract_strided_slice %max3A_159 {offsets = [128, 384], sizes = [128, 128], strides = [1, 1]} : vector<1024x768xf32> to vector<128x128xf32>
    %dot_general3A_1266 = arith.constant dense<0.000000e+00> : vector<128x128xf32>
    %dot_general3A_1267 = tpu.matmul %exp3A_1261, %slice3A_1265, %dot_general3A_1266 {dimension_numbers = #tpu.dot_dimension_numbers<[1], [0], [0], [1], [0, 0, 1, 1], [], []>, transpose_lhs_hint = false} : vector<128x128xf32>, vector<128x128xf32>, vector<128x128xf32> -> vector<128x128xf32>
    %get3A_1268 = arith.constant 1 : index
    %get3A_1269 = arith.constant 4 : index
    %get3A_1270 = arith.constant 0 : index
    %get3A_1271 = arith.constant 0 : index
    %get3A_1272 = vector.load %arg14[%get3A_1268, %get3A_1269, %get3A_1270, %get3A_1271] : memref<8x6x128x128xf32, #tpu.memory_space<vmem>>, vector<1x1x128x128xf32>
    %get3A_1273 = vector.shape_cast %get3A_1272 : vector<1x1x128x128xf32> to vector<128x128xf32>
    %sub3A_1274 = vector.broadcast %max3A_1117 : f32 to vector<128x128xf32>
    %sub3A_1275 = arith.subf %get3A_1273, %sub3A_1274 : vector<128x128xf32>
    %exp3A_1276 = math.exp %sub3A_1275 : vector<128x128xf32>
    %reduce_sum3A_1277 = arith.constant dense<0.000000e+00> : vector<128xf32>
    %reduce_sum3A_1278 = vector.multi_reduction <add>, %exp3A_1276, %reduce_sum3A_1277 [1] : vector<128x128xf32> to vector<128xf32>
    %broadcast_in_dim3A_1279 = vector.shape_cast %reduce_sum3A_1278 : vector<128xf32> to vector<128x1xf32>
    %slice3A_1280 = vector.extract_strided_slice %max3A_159 {offsets = [128, 512], sizes = [128, 128], strides = [1, 1]} : vector<1024x768xf32> to vector<128x128xf32>
    %dot_general3A_1281 = arith.constant dense<0.000000e+00> : vector<128x128xf32>
    %dot_general3A_1282 = tpu.matmul %exp3A_1276, %slice3A_1280, %dot_general3A_1281 {dimension_numbers = #tpu.dot_dimension_numbers<[1], [0], [0], [1], [0, 0, 1, 1], [], []>, transpose_lhs_hint = false} : vector<128x128xf32>, vector<128x128xf32>, vector<128x128xf32> -> vector<128x128xf32>
    %get3A_1283 = arith.constant 1 : index
    %get3A_1284 = arith.constant 5 : index
    %get3A_1285 = arith.constant 0 : index
    %get3A_1286 = arith.constant 0 : index
    %get3A_1287 = vector.load %arg14[%get3A_1283, %get3A_1284, %get3A_1285, %get3A_1286] : memref<8x6x128x128xf32, #tpu.memory_space<vmem>>, vector<1x1x128x128xf32>
    %get3A_1288 = vector.shape_cast %get3A_1287 : vector<1x1x128x128xf32> to vector<128x128xf32>
    %sub3A_1289 = vector.broadcast %max3A_1117 : f32 to vector<128x128xf32>
    %sub3A_1290 = arith.subf %get3A_1288, %sub3A_1289 : vector<128x128xf32>
    %exp3A_1291 = math.exp %sub3A_1290 : vector<128x128xf32>
    %reduce_sum3A_1292 = arith.constant dense<0.000000e+00> : vector<128xf32>
    %reduce_sum3A_1293 = vector.multi_reduction <add>, %exp3A_1291, %reduce_sum3A_1292 [1] : vector<128x128xf32> to vector<128xf32>
    %broadcast_in_dim3A_1294 = vector.shape_cast %reduce_sum3A_1293 : vector<128xf32> to vector<128x1xf32>
    %slice3A_1295 = vector.extract_strided_slice %max3A_159 {offsets = [128, 640], sizes = [128, 128], strides = [1, 1]} : vector<1024x768xf32> to vector<128x128xf32>
    %dot_general3A_1296 = arith.constant dense<0.000000e+00> : vector<128x128xf32>
    %dot_general3A_1297 = tpu.matmul %exp3A_1291, %slice3A_1295, %dot_general3A_1296 {dimension_numbers = #tpu.dot_dimension_numbers<[1], [0], [0], [1], [0, 0, 1, 1], [], []>, transpose_lhs_hint = false} : vector<128x128xf32>, vector<128x128xf32>, vector<128x128xf32> -> vector<128x128xf32>
    %broadcast_in_dim3A_1298 = arith.constant 0.000000e+00 : f32
    %broadcast_in_dim3A_1299 = vector.broadcast %broadcast_in_dim3A_1298 : f32 to vector<128x122xf32>
    %concatenate3A_1300 = tpu.concatenate %broadcast_in_dim3A_1219, %broadcast_in_dim3A_1234, %broadcast_in_dim3A_1249, %broadcast_in_dim3A_1264, %broadcast_in_dim3A_1279, %broadcast_in_dim3A_1294, %broadcast_in_dim3A_1299, %dot_general3A_1222, %dot_general3A_1237, %dot_general3A_1252, %dot_general3A_1267, %dot_general3A_1282, %dot_general3A_1297 in 1 : vector<128x1xf32>, vector<128x1xf32>, vector<128x1xf32>, vector<128x1xf32>, vector<128x1xf32>, vector<128x1xf32>, vector<128x122xf32>, vector<128x128xf32>, vector<128x128xf32>, vector<128x128xf32>, vector<128x128xf32>, vector<128x128xf32>, vector<128x128xf32> -> vector<128x896xf32>
    %get3A_1301 = arith.constant 2 : index
    %get3A_1302 = arith.constant 0 : index
    %get3A_1303 = arith.constant 0 : index
    %get3A_1304 = arith.constant 0 : index
    %get3A_1305 = vector.load %arg14[%get3A_1301, %get3A_1302, %get3A_1303, %get3A_1304] : memref<8x6x128x128xf32, #tpu.memory_space<vmem>>, vector<1x1x128x128xf32>
    %get3A_1306 = vector.shape_cast %get3A_1305 : vector<1x1x128x128xf32> to vector<128x128xf32>
    %sub3A_1307 = vector.broadcast %max3A_1117 : f32 to vector<128x128xf32>
    %sub3A_1308 = arith.subf %get3A_1306, %sub3A_1307 : vector<128x128xf32>
    %exp3A_1309 = math.exp %sub3A_1308 : vector<128x128xf32>
    %reduce_sum3A_1310 = arith.constant dense<0.000000e+00> : vector<128xf32>
    %reduce_sum3A_1311 = vector.multi_reduction <add>, %exp3A_1309, %reduce_sum3A_1310 [1] : vector<128x128xf32> to vector<128xf32>
    %broadcast_in_dim3A_1312 = vector.shape_cast %reduce_sum3A_1311 : vector<128xf32> to vector<128x1xf32>
    %slice3A_1313 = vector.extract_strided_slice %max3A_159 {offsets = [256, 0], sizes = [128, 128], strides = [1, 1]} : vector<1024x768xf32> to vector<128x128xf32>
    %dot_general3A_1314 = arith.constant dense<0.000000e+00> : vector<128x128xf32>
    %dot_general3A_1315 = tpu.matmul %exp3A_1309, %slice3A_1313, %dot_general3A_1314 {dimension_numbers = #tpu.dot_dimension_numbers<[1], [0], [0], [1], [0, 0, 1, 1], [], []>, transpose_lhs_hint = false} : vector<128x128xf32>, vector<128x128xf32>, vector<128x128xf32> -> vector<128x128xf32>
    %get3A_1316 = arith.constant 2 : index
    %get3A_1317 = arith.constant 1 : index
    %get3A_1318 = arith.constant 0 : index
    %get3A_1319 = arith.constant 0 : index
    %get3A_1320 = vector.load %arg14[%get3A_1316, %get3A_1317, %get3A_1318, %get3A_1319] : memref<8x6x128x128xf32, #tpu.memory_space<vmem>>, vector<1x1x128x128xf32>
    %get3A_1321 = vector.shape_cast %get3A_1320 : vector<1x1x128x128xf32> to vector<128x128xf32>
    %sub3A_1322 = vector.broadcast %max3A_1117 : f32 to vector<128x128xf32>
    %sub3A_1323 = arith.subf %get3A_1321, %sub3A_1322 : vector<128x128xf32>
    %exp3A_1324 = math.exp %sub3A_1323 : vector<128x128xf32>
    %reduce_sum3A_1325 = arith.constant dense<0.000000e+00> : vector<128xf32>
    %reduce_sum3A_1326 = vector.multi_reduction <add>, %exp3A_1324, %reduce_sum3A_1325 [1] : vector<128x128xf32> to vector<128xf32>
    %broadcast_in_dim3A_1327 = vector.shape_cast %reduce_sum3A_1326 : vector<128xf32> to vector<128x1xf32>
    %slice3A_1328 = vector.extract_strided_slice %max3A_159 {offsets = [256, 128], sizes = [128, 128], strides = [1, 1]} : vector<1024x768xf32> to vector<128x128xf32>
    %dot_general3A_1329 = arith.constant dense<0.000000e+00> : vector<128x128xf32>
    %dot_general3A_1330 = tpu.matmul %exp3A_1324, %slice3A_1328, %dot_general3A_1329 {dimension_numbers = #tpu.dot_dimension_numbers<[1], [0], [0], [1], [0, 0, 1, 1], [], []>, transpose_lhs_hint = false} : vector<128x128xf32>, vector<128x128xf32>, vector<128x128xf32> -> vector<128x128xf32>
    %get3A_1331 = arith.constant 2 : index
    %get3A_1332 = arith.constant 2 : index
    %get3A_1333 = arith.constant 0 : index
    %get3A_1334 = arith.constant 0 : index
    %get3A_1335 = vector.load %arg14[%get3A_1331, %get3A_1332, %get3A_1333, %get3A_1334] : memref<8x6x128x128xf32, #tpu.memory_space<vmem>>, vector<1x1x128x128xf32>
    %get3A_1336 = vector.shape_cast %get3A_1335 : vector<1x1x128x128xf32> to vector<128x128xf32>
    %sub3A_1337 = vector.broadcast %max3A_1117 : f32 to vector<128x128xf32>
    %sub3A_1338 = arith.subf %get3A_1336, %sub3A_1337 : vector<128x128xf32>
    %exp3A_1339 = math.exp %sub3A_1338 : vector<128x128xf32>
    %reduce_sum3A_1340 = arith.constant dense<0.000000e+00> : vector<128xf32>
    %reduce_sum3A_1341 = vector.multi_reduction <add>, %exp3A_1339, %reduce_sum3A_1340 [1] : vector<128x128xf32> to vector<128xf32>
    %broadcast_in_dim3A_1342 = vector.shape_cast %reduce_sum3A_1341 : vector<128xf32> to vector<128x1xf32>
    %slice3A_1343 = vector.extract_strided_slice %max3A_159 {offsets = [256, 256], sizes = [128, 128], strides = [1, 1]} : vector<1024x768xf32> to vector<128x128xf32>
    %dot_general3A_1344 = arith.constant dense<0.000000e+00> : vector<128x128xf32>
    %dot_general3A_1345 = tpu.matmul %exp3A_1339, %slice3A_1343, %dot_general3A_1344 {dimension_numbers = #tpu.dot_dimension_numbers<[1], [0], [0], [1], [0, 0, 1, 1], [], []>, transpose_lhs_hint = false} : vector<128x128xf32>, vector<128x128xf32>, vector<128x128xf32> -> vector<128x128xf32>
    %get3A_1346 = arith.constant 2 : index
    %get3A_1347 = arith.constant 3 : index
    %get3A_1348 = arith.constant 0 : index
    %get3A_1349 = arith.constant 0 : index
    %get3A_1350 = vector.load %arg14[%get3A_1346, %get3A_1347, %get3A_1348, %get3A_1349] : memref<8x6x128x128xf32, #tpu.memory_space<vmem>>, vector<1x1x128x128xf32>
    %get3A_1351 = vector.shape_cast %get3A_1350 : vector<1x1x128x128xf32> to vector<128x128xf32>
    %sub3A_1352 = vector.broadcast %max3A_1117 : f32 to vector<128x128xf32>
    %sub3A_1353 = arith.subf %get3A_1351, %sub3A_1352 : vector<128x128xf32>
    %exp3A_1354 = math.exp %sub3A_1353 : vector<128x128xf32>
    %reduce_sum3A_1355 = arith.constant dense<0.000000e+00> : vector<128xf32>
    %reduce_sum3A_1356 = vector.multi_reduction <add>, %exp3A_1354, %reduce_sum3A_1355 [1] : vector<128x128xf32> to vector<128xf32>
    %broadcast_in_dim3A_1357 = vector.shape_cast %reduce_sum3A_1356 : vector<128xf32> to vector<128x1xf32>
    %slice3A_1358 = vector.extract_strided_slice %max3A_159 {offsets = [256, 384], sizes = [128, 128], strides = [1, 1]} : vector<1024x768xf32> to vector<128x128xf32>
    %dot_general3A_1359 = arith.constant dense<0.000000e+00> : vector<128x128xf32>
    %dot_general3A_1360 = tpu.matmul %exp3A_1354, %slice3A_1358, %dot_general3A_1359 {dimension_numbers = #tpu.dot_dimension_numbers<[1], [0], [0], [1], [0, 0, 1, 1], [], []>, transpose_lhs_hint = false} : vector<128x128xf32>, vector<128x128xf32>, vector<128x128xf32> -> vector<128x128xf32>
    %get3A_1361 = arith.constant 2 : index
    %get3A_1362 = arith.constant 4 : index
    %get3A_1363 = arith.constant 0 : index
    %get3A_1364 = arith.constant 0 : index
    %get3A_1365 = vector.load %arg14[%get3A_1361, %get3A_1362, %get3A_1363, %get3A_1364] : memref<8x6x128x128xf32, #tpu.memory_space<vmem>>, vector<1x1x128x128xf32>
    %get3A_1366 = vector.shape_cast %get3A_1365 : vector<1x1x128x128xf32> to vector<128x128xf32>
    %sub3A_1367 = vector.broadcast %max3A_1117 : f32 to vector<128x128xf32>
    %sub3A_1368 = arith.subf %get3A_1366, %sub3A_1367 : vector<128x128xf32>
    %exp3A_1369 = math.exp %sub3A_1368 : vector<128x128xf32>
    %reduce_sum3A_1370 = arith.constant dense<0.000000e+00> : vector<128xf32>
    %reduce_sum3A_1371 = vector.multi_reduction <add>, %exp3A_1369, %reduce_sum3A_1370 [1] : vector<128x128xf32> to vector<128xf32>
    %broadcast_in_dim3A_1372 = vector.shape_cast %reduce_sum3A_1371 : vector<128xf32> to vector<128x1xf32>
    %slice3A_1373 = vector.extract_strided_slice %max3A_159 {offsets = [256, 512], sizes = [128, 128], strides = [1, 1]} : vector<1024x768xf32> to vector<128x128xf32>
    %dot_general3A_1374 = arith.constant dense<0.000000e+00> : vector<128x128xf32>
    %dot_general3A_1375 = tpu.matmul %exp3A_1369, %slice3A_1373, %dot_general3A_1374 {dimension_numbers = #tpu.dot_dimension_numbers<[1], [0], [0], [1], [0, 0, 1, 1], [], []>, transpose_lhs_hint = false} : vector<128x128xf32>, vector<128x128xf32>, vector<128x128xf32> -> vector<128x128xf32>
    %get3A_1376 = arith.constant 2 : index
    %get3A_1377 = arith.constant 5 : index
    %get3A_1378 = arith.constant 0 : index
    %get3A_1379 = arith.constant 0 : index
    %get3A_1380 = vector.load %arg14[%get3A_1376, %get3A_1377, %get3A_1378, %get3A_1379] : memref<8x6x128x128xf32, #tpu.memory_space<vmem>>, vector<1x1x128x128xf32>
    %get3A_1381 = vector.shape_cast %get3A_1380 : vector<1x1x128x128xf32> to vector<128x128xf32>
    %sub3A_1382 = vector.broadcast %max3A_1117 : f32 to vector<128x128xf32>
    %sub3A_1383 = arith.subf %get3A_1381, %sub3A_1382 : vector<128x128xf32>
    %exp3A_1384 = math.exp %sub3A_1383 : vector<128x128xf32>
    %reduce_sum3A_1385 = arith.constant dense<0.000000e+00> : vector<128xf32>
    %reduce_sum3A_1386 = vector.multi_reduction <add>, %exp3A_1384, %reduce_sum3A_1385 [1] : vector<128x128xf32> to vector<128xf32>
    %broadcast_in_dim3A_1387 = vector.shape_cast %reduce_sum3A_1386 : vector<128xf32> to vector<128x1xf32>
    %slice3A_1388 = vector.extract_strided_slice %max3A_159 {offsets = [256, 640], sizes = [128, 128], strides = [1, 1]} : vector<1024x768xf32> to vector<128x128xf32>
    %dot_general3A_1389 = arith.constant dense<0.000000e+00> : vector<128x128xf32>
    %dot_general3A_1390 = tpu.matmul %exp3A_1384, %slice3A_1388, %dot_general3A_1389 {dimension_numbers = #tpu.dot_dimension_numbers<[1], [0], [0], [1], [0, 0, 1, 1], [], []>, transpose_lhs_hint = false} : vector<128x128xf32>, vector<128x128xf32>, vector<128x128xf32> -> vector<128x128xf32>
    %broadcast_in_dim3A_1391 = arith.constant 0.000000e+00 : f32
    %broadcast_in_dim3A_1392 = vector.broadcast %broadcast_in_dim3A_1391 : f32 to vector<128x122xf32>
    %concatenate3A_1393 = tpu.concatenate %broadcast_in_dim3A_1312, %broadcast_in_dim3A_1327, %broadcast_in_dim3A_1342, %broadcast_in_dim3A_1357, %broadcast_in_dim3A_1372, %broadcast_in_dim3A_1387, %broadcast_in_dim3A_1392, %dot_general3A_1315, %dot_general3A_1330, %dot_general3A_1345, %dot_general3A_1360, %dot_general3A_1375, %dot_general3A_1390 in 1 : vector<128x1xf32>, vector<128x1xf32>, vector<128x1xf32>, vector<128x1xf32>, vector<128x1xf32>, vector<128x1xf32>, vector<128x122xf32>, vector<128x128xf32>, vector<128x128xf32>, vector<128x128xf32>, vector<128x128xf32>, vector<128x128xf32>, vector<128x128xf32> -> vector<128x896xf32>
    %get3A_1394 = arith.constant 3 : index
    %get3A_1395 = arith.constant 0 : index
    %get3A_1396 = arith.constant 0 : index
    %get3A_1397 = arith.constant 0 : index
    %get3A_1398 = vector.load %arg14[%get3A_1394, %get3A_1395, %get3A_1396, %get3A_1397] : memref<8x6x128x128xf32, #tpu.memory_space<vmem>>, vector<1x1x128x128xf32>
    %get3A_1399 = vector.shape_cast %get3A_1398 : vector<1x1x128x128xf32> to vector<128x128xf32>
    %sub3A_1400 = vector.broadcast %max3A_1117 : f32 to vector<128x128xf32>
    %sub3A_1401 = arith.subf %get3A_1399, %sub3A_1400 : vector<128x128xf32>
    %exp3A_1402 = math.exp %sub3A_1401 : vector<128x128xf32>
    %reduce_sum3A_1403 = arith.constant dense<0.000000e+00> : vector<128xf32>
    %reduce_sum3A_1404 = vector.multi_reduction <add>, %exp3A_1402, %reduce_sum3A_1403 [1] : vector<128x128xf32> to vector<128xf32>
    %broadcast_in_dim3A_1405 = vector.shape_cast %reduce_sum3A_1404 : vector<128xf32> to vector<128x1xf32>
    %slice3A_1406 = vector.extract_strided_slice %max3A_159 {offsets = [384, 0], sizes = [128, 128], strides = [1, 1]} : vector<1024x768xf32> to vector<128x128xf32>
    %dot_general3A_1407 = arith.constant dense<0.000000e+00> : vector<128x128xf32>
    %dot_general3A_1408 = tpu.matmul %exp3A_1402, %slice3A_1406, %dot_general3A_1407 {dimension_numbers = #tpu.dot_dimension_numbers<[1], [0], [0], [1], [0, 0, 1, 1], [], []>, transpose_lhs_hint = false} : vector<128x128xf32>, vector<128x128xf32>, vector<128x128xf32> -> vector<128x128xf32>
    %get3A_1409 = arith.constant 3 : index
    %get3A_1410 = arith.constant 1 : index
    %get3A_1411 = arith.constant 0 : index
    %get3A_1412 = arith.constant 0 : index
    %get3A_1413 = vector.load %arg14[%get3A_1409, %get3A_1410, %get3A_1411, %get3A_1412] : memref<8x6x128x128xf32, #tpu.memory_space<vmem>>, vector<1x1x128x128xf32>
    %get3A_1414 = vector.shape_cast %get3A_1413 : vector<1x1x128x128xf32> to vector<128x128xf32>
    %sub3A_1415 = vector.broadcast %max3A_1117 : f32 to vector<128x128xf32>
    %sub3A_1416 = arith.subf %get3A_1414, %sub3A_1415 : vector<128x128xf32>
    %exp3A_1417 = math.exp %sub3A_1416 : vector<128x128xf32>
    %reduce_sum3A_1418 = arith.constant dense<0.000000e+00> : vector<128xf32>
    %reduce_sum3A_1419 = vector.multi_reduction <add>, %exp3A_1417, %reduce_sum3A_1418 [1] : vector<128x128xf32> to vector<128xf32>
    %broadcast_in_dim3A_1420 = vector.shape_cast %reduce_sum3A_1419 : vector<128xf32> to vector<128x1xf32>
    %slice3A_1421 = vector.extract_strided_slice %max3A_159 {offsets = [384, 128], sizes = [128, 128], strides = [1, 1]} : vector<1024x768xf32> to vector<128x128xf32>
    %dot_general3A_1422 = arith.constant dense<0.000000e+00> : vector<128x128xf32>
    %dot_general3A_1423 = tpu.matmul %exp3A_1417, %slice3A_1421, %dot_general3A_1422 {dimension_numbers = #tpu.dot_dimension_numbers<[1], [0], [0], [1], [0, 0, 1, 1], [], []>, transpose_lhs_hint = false} : vector<128x128xf32>, vector<128x128xf32>, vector<128x128xf32> -> vector<128x128xf32>
    %get3A_1424 = arith.constant 3 : index
    %get3A_1425 = arith.constant 2 : index
    %get3A_1426 = arith.constant 0 : index
    %get3A_1427 = arith.constant 0 : index
    %get3A_1428 = vector.load %arg14[%get3A_1424, %get3A_1425, %get3A_1426, %get3A_1427] : memref<8x6x128x128xf32, #tpu.memory_space<vmem>>, vector<1x1x128x128xf32>
    %get3A_1429 = vector.shape_cast %get3A_1428 : vector<1x1x128x128xf32> to vector<128x128xf32>
    %sub3A_1430 = vector.broadcast %max3A_1117 : f32 to vector<128x128xf32>
    %sub3A_1431 = arith.subf %get3A_1429, %sub3A_1430 : vector<128x128xf32>
    %exp3A_1432 = math.exp %sub3A_1431 : vector<128x128xf32>
    %reduce_sum3A_1433 = arith.constant dense<0.000000e+00> : vector<128xf32>
    %reduce_sum3A_1434 = vector.multi_reduction <add>, %exp3A_1432, %reduce_sum3A_1433 [1] : vector<128x128xf32> to vector<128xf32>
    %broadcast_in_dim3A_1435 = vector.shape_cast %reduce_sum3A_1434 : vector<128xf32> to vector<128x1xf32>
    %slice3A_1436 = vector.extract_strided_slice %max3A_159 {offsets = [384, 256], sizes = [128, 128], strides = [1, 1]} : vector<1024x768xf32> to vector<128x128xf32>
    %dot_general3A_1437 = arith.constant dense<0.000000e+00> : vector<128x128xf32>
    %dot_general3A_1438 = tpu.matmul %exp3A_1432, %slice3A_1436, %dot_general3A_1437 {dimension_numbers = #tpu.dot_dimension_numbers<[1], [0], [0], [1], [0, 0, 1, 1], [], []>, transpose_lhs_hint = false} : vector<128x128xf32>, vector<128x128xf32>, vector<128x128xf32> -> vector<128x128xf32>
    %get3A_1439 = arith.constant 3 : index
    %get3A_1440 = arith.constant 3 : index
    %get3A_1441 = arith.constant 0 : index
    %get3A_1442 = arith.constant 0 : index
    %get3A_1443 = vector.load %arg14[%get3A_1439, %get3A_1440, %get3A_1441, %get3A_1442] : memref<8x6x128x128xf32, #tpu.memory_space<vmem>>, vector<1x1x128x128xf32>
    %get3A_1444 = vector.shape_cast %get3A_1443 : vector<1x1x128x128xf32> to vector<128x128xf32>
    %sub3A_1445 = vector.broadcast %max3A_1117 : f32 to vector<128x128xf32>
    %sub3A_1446 = arith.subf %get3A_1444, %sub3A_1445 : vector<128x128xf32>
    %exp3A_1447 = math.exp %sub3A_1446 : vector<128x128xf32>
    %reduce_sum3A_1448 = arith.constant dense<0.000000e+00> : vector<128xf32>
    %reduce_sum3A_1449 = vector.multi_reduction <add>, %exp3A_1447, %reduce_sum3A_1448 [1] : vector<128x128xf32> to vector<128xf32>
    %broadcast_in_dim3A_1450 = vector.shape_cast %reduce_sum3A_1449 : vector<128xf32> to vector<128x1xf32>
    %slice3A_1451 = vector.extract_strided_slice %max3A_159 {offsets = [384, 384], sizes = [128, 128], strides = [1, 1]} : vector<1024x768xf32> to vector<128x128xf32>
    %dot_general3A_1452 = arith.constant dense<0.000000e+00> : vector<128x128xf32>
    %dot_general3A_1453 = tpu.matmul %exp3A_1447, %slice3A_1451, %dot_general3A_1452 {dimension_numbers = #tpu.dot_dimension_numbers<[1], [0], [0], [1], [0, 0, 1, 1], [], []>, transpose_lhs_hint = false} : vector<128x128xf32>, vector<128x128xf32>, vector<128x128xf32> -> vector<128x128xf32>
    %get3A_1454 = arith.constant 3 : index
    %get3A_1455 = arith.constant 4 : index
    %get3A_1456 = arith.constant 0 : index
    %get3A_1457 = arith.constant 0 : index
    %get3A_1458 = vector.load %arg14[%get3A_1454, %get3A_1455, %get3A_1456, %get3A_1457] : memref<8x6x128x128xf32, #tpu.memory_space<vmem>>, vector<1x1x128x128xf32>
    %get3A_1459 = vector.shape_cast %get3A_1458 : vector<1x1x128x128xf32> to vector<128x128xf32>
    %sub3A_1460 = vector.broadcast %max3A_1117 : f32 to vector<128x128xf32>
    %sub3A_1461 = arith.subf %get3A_1459, %sub3A_1460 : vector<128x128xf32>
    %exp3A_1462 = math.exp %sub3A_1461 : vector<128x128xf32>
    %reduce_sum3A_1463 = arith.constant dense<0.000000e+00> : vector<128xf32>
    %reduce_sum3A_1464 = vector.multi_reduction <add>, %exp3A_1462, %reduce_sum3A_1463 [1] : vector<128x128xf32> to vector<128xf32>
    %broadcast_in_dim3A_1465 = vector.shape_cast %reduce_sum3A_1464 : vector<128xf32> to vector<128x1xf32>
    %slice3A_1466 = vector.extract_strided_slice %max3A_159 {offsets = [384, 512], sizes = [128, 128], strides = [1, 1]} : vector<1024x768xf32> to vector<128x128xf32>
    %dot_general3A_1467 = arith.constant dense<0.000000e+00> : vector<128x128xf32>
    %dot_general3A_1468 = tpu.matmul %exp3A_1462, %slice3A_1466, %dot_general3A_1467 {dimension_numbers = #tpu.dot_dimension_numbers<[1], [0], [0], [1], [0, 0, 1, 1], [], []>, transpose_lhs_hint = false} : vector<128x128xf32>, vector<128x128xf32>, vector<128x128xf32> -> vector<128x128xf32>
    %get3A_1469 = arith.constant 3 : index
    %get3A_1470 = arith.constant 5 : index
    %get3A_1471 = arith.constant 0 : index
    %get3A_1472 = arith.constant 0 : index
    %get3A_1473 = vector.load %arg14[%get3A_1469, %get3A_1470, %get3A_1471, %get3A_1472] : memref<8x6x128x128xf32, #tpu.memory_space<vmem>>, vector<1x1x128x128xf32>
    %get3A_1474 = vector.shape_cast %get3A_1473 : vector<1x1x128x128xf32> to vector<128x128xf32>
    %sub3A_1475 = vector.broadcast %max3A_1117 : f32 to vector<128x128xf32>
    %sub3A_1476 = arith.subf %get3A_1474, %sub3A_1475 : vector<128x128xf32>
    %exp3A_1477 = math.exp %sub3A_1476 : vector<128x128xf32>
    %reduce_sum3A_1478 = arith.constant dense<0.000000e+00> : vector<128xf32>
    %reduce_sum3A_1479 = vector.multi_reduction <add>, %exp3A_1477, %reduce_sum3A_1478 [1] : vector<128x128xf32> to vector<128xf32>
    %broadcast_in_dim3A_1480 = vector.shape_cast %reduce_sum3A_1479 : vector<128xf32> to vector<128x1xf32>
    %slice3A_1481 = vector.extract_strided_slice %max3A_159 {offsets = [384, 640], sizes = [128, 128], strides = [1, 1]} : vector<1024x768xf32> to vector<128x128xf32>
    %dot_general3A_1482 = arith.constant dense<0.000000e+00> : vector<128x128xf32>
    %dot_general3A_1483 = tpu.matmul %exp3A_1477, %slice3A_1481, %dot_general3A_1482 {dimension_numbers = #tpu.dot_dimension_numbers<[1], [0], [0], [1], [0, 0, 1, 1], [], []>, transpose_lhs_hint = false} : vector<128x128xf32>, vector<128x128xf32>, vector<128x128xf32> -> vector<128x128xf32>
    %broadcast_in_dim3A_1484 = arith.constant 0.000000e+00 : f32
    %broadcast_in_dim3A_1485 = vector.broadcast %broadcast_in_dim3A_1484 : f32 to vector<128x122xf32>
    %concatenate3A_1486 = tpu.concatenate %broadcast_in_dim3A_1405, %broadcast_in_dim3A_1420, %broadcast_in_dim3A_1435, %broadcast_in_dim3A_1450, %broadcast_in_dim3A_1465, %broadcast_in_dim3A_1480, %broadcast_in_dim3A_1485, %dot_general3A_1408, %dot_general3A_1423, %dot_general3A_1438, %dot_general3A_1453, %dot_general3A_1468, %dot_general3A_1483 in 1 : vector<128x1xf32>, vector<128x1xf32>, vector<128x1xf32>, vector<128x1xf32>, vector<128x1xf32>, vector<128x1xf32>, vector<128x122xf32>, vector<128x128xf32>, vector<128x128xf32>, vector<128x128xf32>, vector<128x128xf32>, vector<128x128xf32>, vector<128x128xf32> -> vector<128x896xf32>
    %get3A_1487 = arith.constant 4 : index
    %get3A_1488 = arith.constant 0 : index
    %get3A_1489 = arith.constant 0 : index
    %get3A_1490 = arith.constant 0 : index
    %get3A_1491 = vector.load %arg14[%get3A_1487, %get3A_1488, %get3A_1489, %get3A_1490] : memref<8x6x128x128xf32, #tpu.memory_space<vmem>>, vector<1x1x128x128xf32>
    %get3A_1492 = vector.shape_cast %get3A_1491 : vector<1x1x128x128xf32> to vector<128x128xf32>
    %sub3A_1493 = vector.broadcast %max3A_1117 : f32 to vector<128x128xf32>
    %sub3A_1494 = arith.subf %get3A_1492, %sub3A_1493 : vector<128x128xf32>
    %exp3A_1495 = math.exp %sub3A_1494 : vector<128x128xf32>
    %reduce_sum3A_1496 = arith.constant dense<0.000000e+00> : vector<128xf32>
    %reduce_sum3A_1497 = vector.multi_reduction <add>, %exp3A_1495, %reduce_sum3A_1496 [1] : vector<128x128xf32> to vector<128xf32>
    %broadcast_in_dim3A_1498 = vector.shape_cast %reduce_sum3A_1497 : vector<128xf32> to vector<128x1xf32>
    %slice3A_1499 = vector.extract_strided_slice %max3A_159 {offsets = [512, 0], sizes = [128, 128], strides = [1, 1]} : vector<1024x768xf32> to vector<128x128xf32>
    %dot_general3A_1500 = arith.constant dense<0.000000e+00> : vector<128x128xf32>
    %dot_general3A_1501 = tpu.matmul %exp3A_1495, %slice3A_1499, %dot_general3A_1500 {dimension_numbers = #tpu.dot_dimension_numbers<[1], [0], [0], [1], [0, 0, 1, 1], [], []>, transpose_lhs_hint = false} : vector<128x128xf32>, vector<128x128xf32>, vector<128x128xf32> -> vector<128x128xf32>
    %get3A_1502 = arith.constant 4 : index
    %get3A_1503 = arith.constant 1 : index
    %get3A_1504 = arith.constant 0 : index
    %get3A_1505 = arith.constant 0 : index
    %get3A_1506 = vector.load %arg14[%get3A_1502, %get3A_1503, %get3A_1504, %get3A_1505] : memref<8x6x128x128xf32, #tpu.memory_space<vmem>>, vector<1x1x128x128xf32>
    %get3A_1507 = vector.shape_cast %get3A_1506 : vector<1x1x128x128xf32> to vector<128x128xf32>
    %sub3A_1508 = vector.broadcast %max3A_1117 : f32 to vector<128x128xf32>
    %sub3A_1509 = arith.subf %get3A_1507, %sub3A_1508 : vector<128x128xf32>
    %exp3A_1510 = math.exp %sub3A_1509 : vector<128x128xf32>
    %reduce_sum3A_1511 = arith.constant dense<0.000000e+00> : vector<128xf32>
    %reduce_sum3A_1512 = vector.multi_reduction <add>, %exp3A_1510, %reduce_sum3A_1511 [1] : vector<128x128xf32> to vector<128xf32>
    %broadcast_in_dim3A_1513 = vector.shape_cast %reduce_sum3A_1512 : vector<128xf32> to vector<128x1xf32>
    %slice3A_1514 = vector.extract_strided_slice %max3A_159 {offsets = [512, 128], sizes = [128, 128], strides = [1, 1]} : vector<1024x768xf32> to vector<128x128xf32>
    %dot_general3A_1515 = arith.constant dense<0.000000e+00> : vector<128x128xf32>
    %dot_general3A_1516 = tpu.matmul %exp3A_1510, %slice3A_1514, %dot_general3A_1515 {dimension_numbers = #tpu.dot_dimension_numbers<[1], [0], [0], [1], [0, 0, 1, 1], [], []>, transpose_lhs_hint = false} : vector<128x128xf32>, vector<128x128xf32>, vector<128x128xf32> -> vector<128x128xf32>
    %get3A_1517 = arith.constant 4 : index
    %get3A_1518 = arith.constant 2 : index
    %get3A_1519 = arith.constant 0 : index
    %get3A_1520 = arith.constant 0 : index
    %get3A_1521 = vector.load %arg14[%get3A_1517, %get3A_1518, %get3A_1519, %get3A_1520] : memref<8x6x128x128xf32, #tpu.memory_space<vmem>>, vector<1x1x128x128xf32>
    %get3A_1522 = vector.shape_cast %get3A_1521 : vector<1x1x128x128xf32> to vector<128x128xf32>
    %sub3A_1523 = vector.broadcast %max3A_1117 : f32 to vector<128x128xf32>
    %sub3A_1524 = arith.subf %get3A_1522, %sub3A_1523 : vector<128x128xf32>
    %exp3A_1525 = math.exp %sub3A_1524 : vector<128x128xf32>
    %reduce_sum3A_1526 = arith.constant dense<0.000000e+00> : vector<128xf32>
    %reduce_sum3A_1527 = vector.multi_reduction <add>, %exp3A_1525, %reduce_sum3A_1526 [1] : vector<128x128xf32> to vector<128xf32>
    %broadcast_in_dim3A_1528 = vector.shape_cast %reduce_sum3A_1527 : vector<128xf32> to vector<128x1xf32>
    %slice3A_1529 = vector.extract_strided_slice %max3A_159 {offsets = [512, 256], sizes = [128, 128], strides = [1, 1]} : vector<1024x768xf32> to vector<128x128xf32>
    %dot_general3A_1530 = arith.constant dense<0.000000e+00> : vector<128x128xf32>
    %dot_general3A_1531 = tpu.matmul %exp3A_1525, %slice3A_1529, %dot_general3A_1530 {dimension_numbers = #tpu.dot_dimension_numbers<[1], [0], [0], [1], [0, 0, 1, 1], [], []>, transpose_lhs_hint = false} : vector<128x128xf32>, vector<128x128xf32>, vector<128x128xf32> -> vector<128x128xf32>
    %get3A_1532 = arith.constant 4 : index
    %get3A_1533 = arith.constant 3 : index
    %get3A_1534 = arith.constant 0 : index
    %get3A_1535 = arith.constant 0 : index
    %get3A_1536 = vector.load %arg14[%get3A_1532, %get3A_1533, %get3A_1534, %get3A_1535] : memref<8x6x128x128xf32, #tpu.memory_space<vmem>>, vector<1x1x128x128xf32>
    %get3A_1537 = vector.shape_cast %get3A_1536 : vector<1x1x128x128xf32> to vector<128x128xf32>
    %sub3A_1538 = vector.broadcast %max3A_1117 : f32 to vector<128x128xf32>
    %sub3A_1539 = arith.subf %get3A_1537, %sub3A_1538 : vector<128x128xf32>
    %exp3A_1540 = math.exp %sub3A_1539 : vector<128x128xf32>
    %reduce_sum3A_1541 = arith.constant dense<0.000000e+00> : vector<128xf32>
    %reduce_sum3A_1542 = vector.multi_reduction <add>, %exp3A_1540, %reduce_sum3A_1541 [1] : vector<128x128xf32> to vector<128xf32>
    %broadcast_in_dim3A_1543 = vector.shape_cast %reduce_sum3A_1542 : vector<128xf32> to vector<128x1xf32>
    %slice3A_1544 = vector.extract_strided_slice %max3A_159 {offsets = [512, 384], sizes = [128, 128], strides = [1, 1]} : vector<1024x768xf32> to vector<128x128xf32>
    %dot_general3A_1545 = arith.constant dense<0.000000e+00> : vector<128x128xf32>
    %dot_general3A_1546 = tpu.matmul %exp3A_1540, %slice3A_1544, %dot_general3A_1545 {dimension_numbers = #tpu.dot_dimension_numbers<[1], [0], [0], [1], [0, 0, 1, 1], [], []>, transpose_lhs_hint = false} : vector<128x128xf32>, vector<128x128xf32>, vector<128x128xf32> -> vector<128x128xf32>
    %get3A_1547 = arith.constant 4 : index
    %get3A_1548 = arith.constant 4 : index
    %get3A_1549 = arith.constant 0 : index
    %get3A_1550 = arith.constant 0 : index
    %get3A_1551 = vector.load %arg14[%get3A_1547, %get3A_1548, %get3A_1549, %get3A_1550] : memref<8x6x128x128xf32, #tpu.memory_space<vmem>>, vector<1x1x128x128xf32>
    %get3A_1552 = vector.shape_cast %get3A_1551 : vector<1x1x128x128xf32> to vector<128x128xf32>
    %sub3A_1553 = vector.broadcast %max3A_1117 : f32 to vector<128x128xf32>
    %sub3A_1554 = arith.subf %get3A_1552, %sub3A_1553 : vector<128x128xf32>
    %exp3A_1555 = math.exp %sub3A_1554 : vector<128x128xf32>
    %reduce_sum3A_1556 = arith.constant dense<0.000000e+00> : vector<128xf32>
    %reduce_sum3A_1557 = vector.multi_reduction <add>, %exp3A_1555, %reduce_sum3A_1556 [1] : vector<128x128xf32> to vector<128xf32>
    %broadcast_in_dim3A_1558 = vector.shape_cast %reduce_sum3A_1557 : vector<128xf32> to vector<128x1xf32>
    %slice3A_1559 = vector.extract_strided_slice %max3A_159 {offsets = [512, 512], sizes = [128, 128], strides = [1, 1]} : vector<1024x768xf32> to vector<128x128xf32>
    %dot_general3A_1560 = arith.constant dense<0.000000e+00> : vector<128x128xf32>
    %dot_general3A_1561 = tpu.matmul %exp3A_1555, %slice3A_1559, %dot_general3A_1560 {dimension_numbers = #tpu.dot_dimension_numbers<[1], [0], [0], [1], [0, 0, 1, 1], [], []>, transpose_lhs_hint = false} : vector<128x128xf32>, vector<128x128xf32>, vector<128x128xf32> -> vector<128x128xf32>
    %get3A_1562 = arith.constant 4 : index
    %get3A_1563 = arith.constant 5 : index
    %get3A_1564 = arith.constant 0 : index
    %get3A_1565 = arith.constant 0 : index
    %get3A_1566 = vector.load %arg14[%get3A_1562, %get3A_1563, %get3A_1564, %get3A_1565] : memref<8x6x128x128xf32, #tpu.memory_space<vmem>>, vector<1x1x128x128xf32>
    %get3A_1567 = vector.shape_cast %get3A_1566 : vector<1x1x128x128xf32> to vector<128x128xf32>
    %sub3A_1568 = vector.broadcast %max3A_1117 : f32 to vector<128x128xf32>
    %sub3A_1569 = arith.subf %get3A_1567, %sub3A_1568 : vector<128x128xf32>
    %exp3A_1570 = math.exp %sub3A_1569 : vector<128x128xf32>
    %reduce_sum3A_1571 = arith.constant dense<0.000000e+00> : vector<128xf32>
    %reduce_sum3A_1572 = vector.multi_reduction <add>, %exp3A_1570, %reduce_sum3A_1571 [1] : vector<128x128xf32> to vector<128xf32>
    %broadcast_in_dim3A_1573 = vector.shape_cast %reduce_sum3A_1572 : vector<128xf32> to vector<128x1xf32>
    %slice3A_1574 = vector.extract_strided_slice %max3A_159 {offsets = [512, 640], sizes = [128, 128], strides = [1, 1]} : vector<1024x768xf32> to vector<128x128xf32>
    %dot_general3A_1575 = arith.constant dense<0.000000e+00> : vector<128x128xf32>
    %dot_general3A_1576 = tpu.matmul %exp3A_1570, %slice3A_1574, %dot_general3A_1575 {dimension_numbers = #tpu.dot_dimension_numbers<[1], [0], [0], [1], [0, 0, 1, 1], [], []>, transpose_lhs_hint = false} : vector<128x128xf32>, vector<128x128xf32>, vector<128x128xf32> -> vector<128x128xf32>
    %broadcast_in_dim3A_1577 = arith.constant 0.000000e+00 : f32
    %broadcast_in_dim3A_1578 = vector.broadcast %broadcast_in_dim3A_1577 : f32 to vector<128x122xf32>
    %concatenate3A_1579 = tpu.concatenate %broadcast_in_dim3A_1498, %broadcast_in_dim3A_1513, %broadcast_in_dim3A_1528, %broadcast_in_dim3A_1543, %broadcast_in_dim3A_1558, %broadcast_in_dim3A_1573, %broadcast_in_dim3A_1578, %dot_general3A_1501, %dot_general3A_1516, %dot_general3A_1531, %dot_general3A_1546, %dot_general3A_1561, %dot_general3A_1576 in 1 : vector<128x1xf32>, vector<128x1xf32>, vector<128x1xf32>, vector<128x1xf32>, vector<128x1xf32>, vector<128x1xf32>, vector<128x122xf32>, vector<128x128xf32>, vector<128x128xf32>, vector<128x128xf32>, vector<128x128xf32>, vector<128x128xf32>, vector<128x128xf32> -> vector<128x896xf32>
    %get3A_1580 = arith.constant 5 : index
    %get3A_1581 = arith.constant 0 : index
    %get3A_1582 = arith.constant 0 : index
    %get3A_1583 = arith.constant 0 : index
    %get3A_1584 = vector.load %arg14[%get3A_1580, %get3A_1581, %get3A_1582, %get3A_1583] : memref<8x6x128x128xf32, #tpu.memory_space<vmem>>, vector<1x1x128x128xf32>
    %get3A_1585 = vector.shape_cast %get3A_1584 : vector<1x1x128x128xf32> to vector<128x128xf32>
    %sub3A_1586 = vector.broadcast %max3A_1117 : f32 to vector<128x128xf32>
    %sub3A_1587 = arith.subf %get3A_1585, %sub3A_1586 : vector<128x128xf32>
    %exp3A_1588 = math.exp %sub3A_1587 : vector<128x128xf32>
    %reduce_sum3A_1589 = arith.constant dense<0.000000e+00> : vector<128xf32>
    %reduce_sum3A_1590 = vector.multi_reduction <add>, %exp3A_1588, %reduce_sum3A_1589 [1] : vector<128x128xf32> to vector<128xf32>
    %broadcast_in_dim3A_1591 = vector.shape_cast %reduce_sum3A_1590 : vector<128xf32> to vector<128x1xf32>
    %slice3A_1592 = vector.extract_strided_slice %max3A_159 {offsets = [640, 0], sizes = [128, 128], strides = [1, 1]} : vector<1024x768xf32> to vector<128x128xf32>
    %dot_general3A_1593 = arith.constant dense<0.000000e+00> : vector<128x128xf32>
    %dot_general3A_1594 = tpu.matmul %exp3A_1588, %slice3A_1592, %dot_general3A_1593 {dimension_numbers = #tpu.dot_dimension_numbers<[1], [0], [0], [1], [0, 0, 1, 1], [], []>, transpose_lhs_hint = false} : vector<128x128xf32>, vector<128x128xf32>, vector<128x128xf32> -> vector<128x128xf32>
    %get3A_1595 = arith.constant 5 : index
    %get3A_1596 = arith.constant 1 : index
    %get3A_1597 = arith.constant 0 : index
    %get3A_1598 = arith.constant 0 : index
    %get3A_1599 = vector.load %arg14[%get3A_1595, %get3A_1596, %get3A_1597, %get3A_1598] : memref<8x6x128x128xf32, #tpu.memory_space<vmem>>, vector<1x1x128x128xf32>
    %get3A_1600 = vector.shape_cast %get3A_1599 : vector<1x1x128x128xf32> to vector<128x128xf32>
    %sub3A_1601 = vector.broadcast %max3A_1117 : f32 to vector<128x128xf32>
    %sub3A_1602 = arith.subf %get3A_1600, %sub3A_1601 : vector<128x128xf32>
    %exp3A_1603 = math.exp %sub3A_1602 : vector<128x128xf32>
    %reduce_sum3A_1604 = arith.constant dense<0.000000e+00> : vector<128xf32>
    %reduce_sum3A_1605 = vector.multi_reduction <add>, %exp3A_1603, %reduce_sum3A_1604 [1] : vector<128x128xf32> to vector<128xf32>
    %broadcast_in_dim3A_1606 = vector.shape_cast %reduce_sum3A_1605 : vector<128xf32> to vector<128x1xf32>
    %slice3A_1607 = vector.extract_strided_slice %max3A_159 {offsets = [640, 128], sizes = [128, 128], strides = [1, 1]} : vector<1024x768xf32> to vector<128x128xf32>
    %dot_general3A_1608 = arith.constant dense<0.000000e+00> : vector<128x128xf32>
    %dot_general3A_1609 = tpu.matmul %exp3A_1603, %slice3A_1607, %dot_general3A_1608 {dimension_numbers = #tpu.dot_dimension_numbers<[1], [0], [0], [1], [0, 0, 1, 1], [], []>, transpose_lhs_hint = false} : vector<128x128xf32>, vector<128x128xf32>, vector<128x128xf32> -> vector<128x128xf32>
    %get3A_1610 = arith.constant 5 : index
    %get3A_1611 = arith.constant 2 : index
    %get3A_1612 = arith.constant 0 : index
    %get3A_1613 = arith.constant 0 : index
    %get3A_1614 = vector.load %arg14[%get3A_1610, %get3A_1611, %get3A_1612, %get3A_1613] : memref<8x6x128x128xf32, #tpu.memory_space<vmem>>, vector<1x1x128x128xf32>
    %get3A_1615 = vector.shape_cast %get3A_1614 : vector<1x1x128x128xf32> to vector<128x128xf32>
    %sub3A_1616 = vector.broadcast %max3A_1117 : f32 to vector<128x128xf32>
    %sub3A_1617 = arith.subf %get3A_1615, %sub3A_1616 : vector<128x128xf32>
    %exp3A_1618 = math.exp %sub3A_1617 : vector<128x128xf32>
    %reduce_sum3A_1619 = arith.constant dense<0.000000e+00> : vector<128xf32>
    %reduce_sum3A_1620 = vector.multi_reduction <add>, %exp3A_1618, %reduce_sum3A_1619 [1] : vector<128x128xf32> to vector<128xf32>
    %broadcast_in_dim3A_1621 = vector.shape_cast %reduce_sum3A_1620 : vector<128xf32> to vector<128x1xf32>
    %slice3A_1622 = vector.extract_strided_slice %max3A_159 {offsets = [640, 256], sizes = [128, 128], strides = [1, 1]} : vector<1024x768xf32> to vector<128x128xf32>
    %dot_general3A_1623 = arith.constant dense<0.000000e+00> : vector<128x128xf32>
    %dot_general3A_1624 = tpu.matmul %exp3A_1618, %slice3A_1622, %dot_general3A_1623 {dimension_numbers = #tpu.dot_dimension_numbers<[1], [0], [0], [1], [0, 0, 1, 1], [], []>, transpose_lhs_hint = false} : vector<128x128xf32>, vector<128x128xf32>, vector<128x128xf32> -> vector<128x128xf32>
    %get3A_1625 = arith.constant 5 : index
    %get3A_1626 = arith.constant 3 : index
    %get3A_1627 = arith.constant 0 : index
    %get3A_1628 = arith.constant 0 : index
    %get3A_1629 = vector.load %arg14[%get3A_1625, %get3A_1626, %get3A_1627, %get3A_1628] : memref<8x6x128x128xf32, #tpu.memory_space<vmem>>, vector<1x1x128x128xf32>
    %get3A_1630 = vector.shape_cast %get3A_1629 : vector<1x1x128x128xf32> to vector<128x128xf32>
    %sub3A_1631 = vector.broadcast %max3A_1117 : f32 to vector<128x128xf32>
    %sub3A_1632 = arith.subf %get3A_1630, %sub3A_1631 : vector<128x128xf32>
    %exp3A_1633 = math.exp %sub3A_1632 : vector<128x128xf32>
    %reduce_sum3A_1634 = arith.constant dense<0.000000e+00> : vector<128xf32>
    %reduce_sum3A_1635 = vector.multi_reduction <add>, %exp3A_1633, %reduce_sum3A_1634 [1] : vector<128x128xf32> to vector<128xf32>
    %broadcast_in_dim3A_1636 = vector.shape_cast %reduce_sum3A_1635 : vector<128xf32> to vector<128x1xf32>
    %slice3A_1637 = vector.extract_strided_slice %max3A_159 {offsets = [640, 384], sizes = [128, 128], strides = [1, 1]} : vector<1024x768xf32> to vector<128x128xf32>
    %dot_general3A_1638 = arith.constant dense<0.000000e+00> : vector<128x128xf32>
    %dot_general3A_1639 = tpu.matmul %exp3A_1633, %slice3A_1637, %dot_general3A_1638 {dimension_numbers = #tpu.dot_dimension_numbers<[1], [0], [0], [1], [0, 0, 1, 1], [], []>, transpose_lhs_hint = false} : vector<128x128xf32>, vector<128x128xf32>, vector<128x128xf32> -> vector<128x128xf32>
    %get3A_1640 = arith.constant 5 : index
    %get3A_1641 = arith.constant 4 : index
    %get3A_1642 = arith.constant 0 : index
    %get3A_1643 = arith.constant 0 : index
    %get3A_1644 = vector.load %arg14[%get3A_1640, %get3A_1641, %get3A_1642, %get3A_1643] : memref<8x6x128x128xf32, #tpu.memory_space<vmem>>, vector<1x1x128x128xf32>
    %get3A_1645 = vector.shape_cast %get3A_1644 : vector<1x1x128x128xf32> to vector<128x128xf32>
    %sub3A_1646 = vector.broadcast %max3A_1117 : f32 to vector<128x128xf32>
    %sub3A_1647 = arith.subf %get3A_1645, %sub3A_1646 : vector<128x128xf32>
    %exp3A_1648 = math.exp %sub3A_1647 : vector<128x128xf32>
    %reduce_sum3A_1649 = arith.constant dense<0.000000e+00> : vector<128xf32>
    %reduce_sum3A_1650 = vector.multi_reduction <add>, %exp3A_1648, %reduce_sum3A_1649 [1] : vector<128x128xf32> to vector<128xf32>
    %broadcast_in_dim3A_1651 = vector.shape_cast %reduce_sum3A_1650 : vector<128xf32> to vector<128x1xf32>
    %slice3A_1652 = vector.extract_strided_slice %max3A_159 {offsets = [640, 512], sizes = [128, 128], strides = [1, 1]} : vector<1024x768xf32> to vector<128x128xf32>
    %dot_general3A_1653 = arith.constant dense<0.000000e+00> : vector<128x128xf32>
    %dot_general3A_1654 = tpu.matmul %exp3A_1648, %slice3A_1652, %dot_general3A_1653 {dimension_numbers = #tpu.dot_dimension_numbers<[1], [0], [0], [1], [0, 0, 1, 1], [], []>, transpose_lhs_hint = false} : vector<128x128xf32>, vector<128x128xf32>, vector<128x128xf32> -> vector<128x128xf32>
    %get3A_1655 = arith.constant 5 : index
    %get3A_1656 = arith.constant 5 : index
    %get3A_1657 = arith.constant 0 : index
    %get3A_1658 = arith.constant 0 : index
    %get3A_1659 = vector.load %arg14[%get3A_1655, %get3A_1656, %get3A_1657, %get3A_1658] : memref<8x6x128x128xf32, #tpu.memory_space<vmem>>, vector<1x1x128x128xf32>
    %get3A_1660 = vector.shape_cast %get3A_1659 : vector<1x1x128x128xf32> to vector<128x128xf32>
    %sub3A_1661 = vector.broadcast %max3A_1117 : f32 to vector<128x128xf32>
    %sub3A_1662 = arith.subf %get3A_1660, %sub3A_1661 : vector<128x128xf32>
    %exp3A_1663 = math.exp %sub3A_1662 : vector<128x128xf32>
    %reduce_sum3A_1664 = arith.constant dense<0.000000e+00> : vector<128xf32>
    %reduce_sum3A_1665 = vector.multi_reduction <add>, %exp3A_1663, %reduce_sum3A_1664 [1] : vector<128x128xf32> to vector<128xf32>
    %broadcast_in_dim3A_1666 = vector.shape_cast %reduce_sum3A_1665 : vector<128xf32> to vector<128x1xf32>
    %slice3A_1667 = vector.extract_strided_slice %max3A_159 {offsets = [640, 640], sizes = [128, 128], strides = [1, 1]} : vector<1024x768xf32> to vector<128x128xf32>
    %dot_general3A_1668 = arith.constant dense<0.000000e+00> : vector<128x128xf32>
    %dot_general3A_1669 = tpu.matmul %exp3A_1663, %slice3A_1667, %dot_general3A_1668 {dimension_numbers = #tpu.dot_dimension_numbers<[1], [0], [0], [1], [0, 0, 1, 1], [], []>, transpose_lhs_hint = false} : vector<128x128xf32>, vector<128x128xf32>, vector<128x128xf32> -> vector<128x128xf32>
    %broadcast_in_dim3A_1670 = arith.constant 0.000000e+00 : f32
    %broadcast_in_dim3A_1671 = vector.broadcast %broadcast_in_dim3A_1670 : f32 to vector<128x122xf32>
    %concatenate3A_1672 = tpu.concatenate %broadcast_in_dim3A_1591, %broadcast_in_dim3A_1606, %broadcast_in_dim3A_1621, %broadcast_in_dim3A_1636, %broadcast_in_dim3A_1651, %broadcast_in_dim3A_1666, %broadcast_in_dim3A_1671, %dot_general3A_1594, %dot_general3A_1609, %dot_general3A_1624, %dot_general3A_1639, %dot_general3A_1654, %dot_general3A_1669 in 1 : vector<128x1xf32>, vector<128x1xf32>, vector<128x1xf32>, vector<128x1xf32>, vector<128x1xf32>, vector<128x1xf32>, vector<128x122xf32>, vector<128x128xf32>, vector<128x128xf32>, vector<128x128xf32>, vector<128x128xf32>, vector<128x128xf32>, vector<128x128xf32> -> vector<128x896xf32>
    %get3A_1673 = arith.constant 6 : index
    %get3A_1674 = arith.constant 0 : index
    %get3A_1675 = arith.constant 0 : index
    %get3A_1676 = arith.constant 0 : index
    %get3A_1677 = vector.load %arg14[%get3A_1673, %get3A_1674, %get3A_1675, %get3A_1676] : memref<8x6x128x128xf32, #tpu.memory_space<vmem>>, vector<1x1x128x128xf32>
    %get3A_1678 = vector.shape_cast %get3A_1677 : vector<1x1x128x128xf32> to vector<128x128xf32>
    %sub3A_1679 = vector.broadcast %max3A_1117 : f32 to vector<128x128xf32>
    %sub3A_1680 = arith.subf %get3A_1678, %sub3A_1679 : vector<128x128xf32>
    %exp3A_1681 = math.exp %sub3A_1680 : vector<128x128xf32>
    %reduce_sum3A_1682 = arith.constant dense<0.000000e+00> : vector<128xf32>
    %reduce_sum3A_1683 = vector.multi_reduction <add>, %exp3A_1681, %reduce_sum3A_1682 [1] : vector<128x128xf32> to vector<128xf32>
    %broadcast_in_dim3A_1684 = vector.shape_cast %reduce_sum3A_1683 : vector<128xf32> to vector<128x1xf32>
    %slice3A_1685 = vector.extract_strided_slice %max3A_159 {offsets = [768, 0], sizes = [128, 128], strides = [1, 1]} : vector<1024x768xf32> to vector<128x128xf32>
    %dot_general3A_1686 = arith.constant dense<0.000000e+00> : vector<128x128xf32>
    %dot_general3A_1687 = tpu.matmul %exp3A_1681, %slice3A_1685, %dot_general3A_1686 {dimension_numbers = #tpu.dot_dimension_numbers<[1], [0], [0], [1], [0, 0, 1, 1], [], []>, transpose_lhs_hint = false} : vector<128x128xf32>, vector<128x128xf32>, vector<128x128xf32> -> vector<128x128xf32>
    %get3A_1688 = arith.constant 6 : index
    %get3A_1689 = arith.constant 1 : index
    %get3A_1690 = arith.constant 0 : index
    %get3A_1691 = arith.constant 0 : index
    %get3A_1692 = vector.load %arg14[%get3A_1688, %get3A_1689, %get3A_1690, %get3A_1691] : memref<8x6x128x128xf32, #tpu.memory_space<vmem>>, vector<1x1x128x128xf32>
    %get3A_1693 = vector.shape_cast %get3A_1692 : vector<1x1x128x128xf32> to vector<128x128xf32>
    %sub3A_1694 = vector.broadcast %max3A_1117 : f32 to vector<128x128xf32>
    %sub3A_1695 = arith.subf %get3A_1693, %sub3A_1694 : vector<128x128xf32>
    %exp3A_1696 = math.exp %sub3A_1695 : vector<128x128xf32>
    %reduce_sum3A_1697 = arith.constant dense<0.000000e+00> : vector<128xf32>
    %reduce_sum3A_1698 = vector.multi_reduction <add>, %exp3A_1696, %reduce_sum3A_1697 [1] : vector<128x128xf32> to vector<128xf32>
    %broadcast_in_dim3A_1699 = vector.shape_cast %reduce_sum3A_1698 : vector<128xf32> to vector<128x1xf32>
    %slice3A_1700 = vector.extract_strided_slice %max3A_159 {offsets = [768, 128], sizes = [128, 128], strides = [1, 1]} : vector<1024x768xf32> to vector<128x128xf32>
    %dot_general3A_1701 = arith.constant dense<0.000000e+00> : vector<128x128xf32>
    %dot_general3A_1702 = tpu.matmul %exp3A_1696, %slice3A_1700, %dot_general3A_1701 {dimension_numbers = #tpu.dot_dimension_numbers<[1], [0], [0], [1], [0, 0, 1, 1], [], []>, transpose_lhs_hint = false} : vector<128x128xf32>, vector<128x128xf32>, vector<128x128xf32> -> vector<128x128xf32>
    %get3A_1703 = arith.constant 6 : index
    %get3A_1704 = arith.constant 2 : index
    %get3A_1705 = arith.constant 0 : index
    %get3A_1706 = arith.constant 0 : index
    %get3A_1707 = vector.load %arg14[%get3A_1703, %get3A_1704, %get3A_1705, %get3A_1706] : memref<8x6x128x128xf32, #tpu.memory_space<vmem>>, vector<1x1x128x128xf32>
    %get3A_1708 = vector.shape_cast %get3A_1707 : vector<1x1x128x128xf32> to vector<128x128xf32>
    %sub3A_1709 = vector.broadcast %max3A_1117 : f32 to vector<128x128xf32>
    %sub3A_1710 = arith.subf %get3A_1708, %sub3A_1709 : vector<128x128xf32>
    %exp3A_1711 = math.exp %sub3A_1710 : vector<128x128xf32>
    %reduce_sum3A_1712 = arith.constant dense<0.000000e+00> : vector<128xf32>
    %reduce_sum3A_1713 = vector.multi_reduction <add>, %exp3A_1711, %reduce_sum3A_1712 [1] : vector<128x128xf32> to vector<128xf32>
    %broadcast_in_dim3A_1714 = vector.shape_cast %reduce_sum3A_1713 : vector<128xf32> to vector<128x1xf32>
    %slice3A_1715 = vector.extract_strided_slice %max3A_159 {offsets = [768, 256], sizes = [128, 128], strides = [1, 1]} : vector<1024x768xf32> to vector<128x128xf32>
    %dot_general3A_1716 = arith.constant dense<0.000000e+00> : vector<128x128xf32>
    %dot_general3A_1717 = tpu.matmul %exp3A_1711, %slice3A_1715, %dot_general3A_1716 {dimension_numbers = #tpu.dot_dimension_numbers<[1], [0], [0], [1], [0, 0, 1, 1], [], []>, transpose_lhs_hint = false} : vector<128x128xf32>, vector<128x128xf32>, vector<128x128xf32> -> vector<128x128xf32>
    %get3A_1718 = arith.constant 6 : index
    %get3A_1719 = arith.constant 3 : index
    %get3A_1720 = arith.constant 0 : index
    %get3A_1721 = arith.constant 0 : index
    %get3A_1722 = vector.load %arg14[%get3A_1718, %get3A_1719, %get3A_1720, %get3A_1721] : memref<8x6x128x128xf32, #tpu.memory_space<vmem>>, vector<1x1x128x128xf32>
    %get3A_1723 = vector.shape_cast %get3A_1722 : vector<1x1x128x128xf32> to vector<128x128xf32>
    %sub3A_1724 = vector.broadcast %max3A_1117 : f32 to vector<128x128xf32>
    %sub3A_1725 = arith.subf %get3A_1723, %sub3A_1724 : vector<128x128xf32>
    %exp3A_1726 = math.exp %sub3A_1725 : vector<128x128xf32>
    %reduce_sum3A_1727 = arith.constant dense<0.000000e+00> : vector<128xf32>
    %reduce_sum3A_1728 = vector.multi_reduction <add>, %exp3A_1726, %reduce_sum3A_1727 [1] : vector<128x128xf32> to vector<128xf32>
    %broadcast_in_dim3A_1729 = vector.shape_cast %reduce_sum3A_1728 : vector<128xf32> to vector<128x1xf32>
    %slice3A_1730 = vector.extract_strided_slice %max3A_159 {offsets = [768, 384], sizes = [128, 128], strides = [1, 1]} : vector<1024x768xf32> to vector<128x128xf32>
    %dot_general3A_1731 = arith.constant dense<0.000000e+00> : vector<128x128xf32>
    %dot_general3A_1732 = tpu.matmul %exp3A_1726, %slice3A_1730, %dot_general3A_1731 {dimension_numbers = #tpu.dot_dimension_numbers<[1], [0], [0], [1], [0, 0, 1, 1], [], []>, transpose_lhs_hint = false} : vector<128x128xf32>, vector<128x128xf32>, vector<128x128xf32> -> vector<128x128xf32>
    %get3A_1733 = arith.constant 6 : index
    %get3A_1734 = arith.constant 4 : index
    %get3A_1735 = arith.constant 0 : index
    %get3A_1736 = arith.constant 0 : index
    %get3A_1737 = vector.load %arg14[%get3A_1733, %get3A_1734, %get3A_1735, %get3A_1736] : memref<8x6x128x128xf32, #tpu.memory_space<vmem>>, vector<1x1x128x128xf32>
    %get3A_1738 = vector.shape_cast %get3A_1737 : vector<1x1x128x128xf32> to vector<128x128xf32>
    %sub3A_1739 = vector.broadcast %max3A_1117 : f32 to vector<128x128xf32>
    %sub3A_1740 = arith.subf %get3A_1738, %sub3A_1739 : vector<128x128xf32>
    %exp3A_1741 = math.exp %sub3A_1740 : vector<128x128xf32>
    %reduce_sum3A_1742 = arith.constant dense<0.000000e+00> : vector<128xf32>
    %reduce_sum3A_1743 = vector.multi_reduction <add>, %exp3A_1741, %reduce_sum3A_1742 [1] : vector<128x128xf32> to vector<128xf32>
    %broadcast_in_dim3A_1744 = vector.shape_cast %reduce_sum3A_1743 : vector<128xf32> to vector<128x1xf32>
    %slice3A_1745 = vector.extract_strided_slice %max3A_159 {offsets = [768, 512], sizes = [128, 128], strides = [1, 1]} : vector<1024x768xf32> to vector<128x128xf32>
    %dot_general3A_1746 = arith.constant dense<0.000000e+00> : vector<128x128xf32>
    %dot_general3A_1747 = tpu.matmul %exp3A_1741, %slice3A_1745, %dot_general3A_1746 {dimension_numbers = #tpu.dot_dimension_numbers<[1], [0], [0], [1], [0, 0, 1, 1], [], []>, transpose_lhs_hint = false} : vector<128x128xf32>, vector<128x128xf32>, vector<128x128xf32> -> vector<128x128xf32>
    %get3A_1748 = arith.constant 6 : index
    %get3A_1749 = arith.constant 5 : index
    %get3A_1750 = arith.constant 0 : index
    %get3A_1751 = arith.constant 0 : index
    %get3A_1752 = vector.load %arg14[%get3A_1748, %get3A_1749, %get3A_1750, %get3A_1751] : memref<8x6x128x128xf32, #tpu.memory_space<vmem>>, vector<1x1x128x128xf32>
    %get3A_1753 = vector.shape_cast %get3A_1752 : vector<1x1x128x128xf32> to vector<128x128xf32>
    %sub3A_1754 = vector.broadcast %max3A_1117 : f32 to vector<128x128xf32>
    %sub3A_1755 = arith.subf %get3A_1753, %sub3A_1754 : vector<128x128xf32>
    %exp3A_1756 = math.exp %sub3A_1755 : vector<128x128xf32>
    %reduce_sum3A_1757 = arith.constant dense<0.000000e+00> : vector<128xf32>
    %reduce_sum3A_1758 = vector.multi_reduction <add>, %exp3A_1756, %reduce_sum3A_1757 [1] : vector<128x128xf32> to vector<128xf32>
    %broadcast_in_dim3A_1759 = vector.shape_cast %reduce_sum3A_1758 : vector<128xf32> to vector<128x1xf32>
    %slice3A_1760 = vector.extract_strided_slice %max3A_159 {offsets = [768, 640], sizes = [128, 128], strides = [1, 1]} : vector<1024x768xf32> to vector<128x128xf32>
    %dot_general3A_1761 = arith.constant dense<0.000000e+00> : vector<128x128xf32>
    %dot_general3A_1762 = tpu.matmul %exp3A_1756, %slice3A_1760, %dot_general3A_1761 {dimension_numbers = #tpu.dot_dimension_numbers<[1], [0], [0], [1], [0, 0, 1, 1], [], []>, transpose_lhs_hint = false} : vector<128x128xf32>, vector<128x128xf32>, vector<128x128xf32> -> vector<128x128xf32>
    %broadcast_in_dim3A_1763 = arith.constant 0.000000e+00 : f32
    %broadcast_in_dim3A_1764 = vector.broadcast %broadcast_in_dim3A_1763 : f32 to vector<128x122xf32>
    %concatenate3A_1765 = tpu.concatenate %broadcast_in_dim3A_1684, %broadcast_in_dim3A_1699, %broadcast_in_dim3A_1714, %broadcast_in_dim3A_1729, %broadcast_in_dim3A_1744, %broadcast_in_dim3A_1759, %broadcast_in_dim3A_1764, %dot_general3A_1687, %dot_general3A_1702, %dot_general3A_1717, %dot_general3A_1732, %dot_general3A_1747, %dot_general3A_1762 in 1 : vector<128x1xf32>, vector<128x1xf32>, vector<128x1xf32>, vector<128x1xf32>, vector<128x1xf32>, vector<128x1xf32>, vector<128x122xf32>, vector<128x128xf32>, vector<128x128xf32>, vector<128x128xf32>, vector<128x128xf32>, vector<128x128xf32>, vector<128x128xf32> -> vector<128x896xf32>
    %get3A_1766 = arith.constant 7 : index
    %get3A_1767 = arith.constant 0 : index
    %get3A_1768 = arith.constant 0 : index
    %get3A_1769 = arith.constant 0 : index
    %get3A_1770 = vector.load %arg14[%get3A_1766, %get3A_1767, %get3A_1768, %get3A_1769] : memref<8x6x128x128xf32, #tpu.memory_space<vmem>>, vector<1x1x128x128xf32>
    %get3A_1771 = vector.shape_cast %get3A_1770 : vector<1x1x128x128xf32> to vector<128x128xf32>
    %sub3A_1772 = vector.broadcast %max3A_1117 : f32 to vector<128x128xf32>
    %sub3A_1773 = arith.subf %get3A_1771, %sub3A_1772 : vector<128x128xf32>
    %exp3A_1774 = math.exp %sub3A_1773 : vector<128x128xf32>
    %reduce_sum3A_1775 = arith.constant dense<0.000000e+00> : vector<128xf32>
    %reduce_sum3A_1776 = vector.multi_reduction <add>, %exp3A_1774, %reduce_sum3A_1775 [1] : vector<128x128xf32> to vector<128xf32>
    %broadcast_in_dim3A_1777 = vector.shape_cast %reduce_sum3A_1776 : vector<128xf32> to vector<128x1xf32>
    %slice3A_1778 = vector.extract_strided_slice %max3A_159 {offsets = [896, 0], sizes = [128, 128], strides = [1, 1]} : vector<1024x768xf32> to vector<128x128xf32>
    %dot_general3A_1779 = arith.constant dense<0.000000e+00> : vector<128x128xf32>
    %dot_general3A_1780 = tpu.matmul %exp3A_1774, %slice3A_1778, %dot_general3A_1779 {dimension_numbers = #tpu.dot_dimension_numbers<[1], [0], [0], [1], [0, 0, 1, 1], [], []>, transpose_lhs_hint = false} : vector<128x128xf32>, vector<128x128xf32>, vector<128x128xf32> -> vector<128x128xf32>
    %get3A_1781 = arith.constant 7 : index
    %get3A_1782 = arith.constant 1 : index
    %get3A_1783 = arith.constant 0 : index
    %get3A_1784 = arith.constant 0 : index
    %get3A_1785 = vector.load %arg14[%get3A_1781, %get3A_1782, %get3A_1783, %get3A_1784] : memref<8x6x128x128xf32, #tpu.memory_space<vmem>>, vector<1x1x128x128xf32>
    %get3A_1786 = vector.shape_cast %get3A_1785 : vector<1x1x128x128xf32> to vector<128x128xf32>
    %sub3A_1787 = vector.broadcast %max3A_1117 : f32 to vector<128x128xf32>
    %sub3A_1788 = arith.subf %get3A_1786, %sub3A_1787 : vector<128x128xf32>
    %exp3A_1789 = math.exp %sub3A_1788 : vector<128x128xf32>
    %reduce_sum3A_1790 = arith.constant dense<0.000000e+00> : vector<128xf32>
    %reduce_sum3A_1791 = vector.multi_reduction <add>, %exp3A_1789, %reduce_sum3A_1790 [1] : vector<128x128xf32> to vector<128xf32>
    %broadcast_in_dim3A_1792 = vector.shape_cast %reduce_sum3A_1791 : vector<128xf32> to vector<128x1xf32>
    %slice3A_1793 = vector.extract_strided_slice %max3A_159 {offsets = [896, 128], sizes = [128, 128], strides = [1, 1]} : vector<1024x768xf32> to vector<128x128xf32>
    %dot_general3A_1794 = arith.constant dense<0.000000e+00> : vector<128x128xf32>
    %dot_general3A_1795 = tpu.matmul %exp3A_1789, %slice3A_1793, %dot_general3A_1794 {dimension_numbers = #tpu.dot_dimension_numbers<[1], [0], [0], [1], [0, 0, 1, 1], [], []>, transpose_lhs_hint = false} : vector<128x128xf32>, vector<128x128xf32>, vector<128x128xf32> -> vector<128x128xf32>
    %get3A_1796 = arith.constant 7 : index
    %get3A_1797 = arith.constant 2 : index
    %get3A_1798 = arith.constant 0 : index
    %get3A_1799 = arith.constant 0 : index
    %get3A_1800 = vector.load %arg14[%get3A_1796, %get3A_1797, %get3A_1798, %get3A_1799] : memref<8x6x128x128xf32, #tpu.memory_space<vmem>>, vector<1x1x128x128xf32>
    %get3A_1801 = vector.shape_cast %get3A_1800 : vector<1x1x128x128xf32> to vector<128x128xf32>
    %sub3A_1802 = vector.broadcast %max3A_1117 : f32 to vector<128x128xf32>
    %sub3A_1803 = arith.subf %get3A_1801, %sub3A_1802 : vector<128x128xf32>
    %exp3A_1804 = math.exp %sub3A_1803 : vector<128x128xf32>
    %reduce_sum3A_1805 = arith.constant dense<0.000000e+00> : vector<128xf32>
    %reduce_sum3A_1806 = vector.multi_reduction <add>, %exp3A_1804, %reduce_sum3A_1805 [1] : vector<128x128xf32> to vector<128xf32>
    %broadcast_in_dim3A_1807 = vector.shape_cast %reduce_sum3A_1806 : vector<128xf32> to vector<128x1xf32>
    %slice3A_1808 = vector.extract_strided_slice %max3A_159 {offsets = [896, 256], sizes = [128, 128], strides = [1, 1]} : vector<1024x768xf32> to vector<128x128xf32>
    %dot_general3A_1809 = arith.constant dense<0.000000e+00> : vector<128x128xf32>
    %dot_general3A_1810 = tpu.matmul %exp3A_1804, %slice3A_1808, %dot_general3A_1809 {dimension_numbers = #tpu.dot_dimension_numbers<[1], [0], [0], [1], [0, 0, 1, 1], [], []>, transpose_lhs_hint = false} : vector<128x128xf32>, vector<128x128xf32>, vector<128x128xf32> -> vector<128x128xf32>
    %get3A_1811 = arith.constant 7 : index
    %get3A_1812 = arith.constant 3 : index
    %get3A_1813 = arith.constant 0 : index
    %get3A_1814 = arith.constant 0 : index
    %get3A_1815 = vector.load %arg14[%get3A_1811, %get3A_1812, %get3A_1813, %get3A_1814] : memref<8x6x128x128xf32, #tpu.memory_space<vmem>>, vector<1x1x128x128xf32>
    %get3A_1816 = vector.shape_cast %get3A_1815 : vector<1x1x128x128xf32> to vector<128x128xf32>
    %sub3A_1817 = vector.broadcast %max3A_1117 : f32 to vector<128x128xf32>
    %sub3A_1818 = arith.subf %get3A_1816, %sub3A_1817 : vector<128x128xf32>
    %exp3A_1819 = math.exp %sub3A_1818 : vector<128x128xf32>
    %reduce_sum3A_1820 = arith.constant dense<0.000000e+00> : vector<128xf32>
    %reduce_sum3A_1821 = vector.multi_reduction <add>, %exp3A_1819, %reduce_sum3A_1820 [1] : vector<128x128xf32> to vector<128xf32>
    %broadcast_in_dim3A_1822 = vector.shape_cast %reduce_sum3A_1821 : vector<128xf32> to vector<128x1xf32>
    %slice3A_1823 = vector.extract_strided_slice %max3A_159 {offsets = [896, 384], sizes = [128, 128], strides = [1, 1]} : vector<1024x768xf32> to vector<128x128xf32>
    %dot_general3A_1824 = arith.constant dense<0.000000e+00> : vector<128x128xf32>
    %dot_general3A_1825 = tpu.matmul %exp3A_1819, %slice3A_1823, %dot_general3A_1824 {dimension_numbers = #tpu.dot_dimension_numbers<[1], [0], [0], [1], [0, 0, 1, 1], [], []>, transpose_lhs_hint = false} : vector<128x128xf32>, vector<128x128xf32>, vector<128x128xf32> -> vector<128x128xf32>
    %get3A_1826 = arith.constant 7 : index
    %get3A_1827 = arith.constant 4 : index
    %get3A_1828 = arith.constant 0 : index
    %get3A_1829 = arith.constant 0 : index
    %get3A_1830 = vector.load %arg14[%get3A_1826, %get3A_1827, %get3A_1828, %get3A_1829] : memref<8x6x128x128xf32, #tpu.memory_space<vmem>>, vector<1x1x128x128xf32>
    %get3A_1831 = vector.shape_cast %get3A_1830 : vector<1x1x128x128xf32> to vector<128x128xf32>
    %sub3A_1832 = vector.broadcast %max3A_1117 : f32 to vector<128x128xf32>
    %sub3A_1833 = arith.subf %get3A_1831, %sub3A_1832 : vector<128x128xf32>
    %exp3A_1834 = math.exp %sub3A_1833 : vector<128x128xf32>
    %reduce_sum3A_1835 = arith.constant dense<0.000000e+00> : vector<128xf32>
    %reduce_sum3A_1836 = vector.multi_reduction <add>, %exp3A_1834, %reduce_sum3A_1835 [1] : vector<128x128xf32> to vector<128xf32>
    %broadcast_in_dim3A_1837 = vector.shape_cast %reduce_sum3A_1836 : vector<128xf32> to vector<128x1xf32>
    %slice3A_1838 = vector.extract_strided_slice %max3A_159 {offsets = [896, 512], sizes = [128, 128], strides = [1, 1]} : vector<1024x768xf32> to vector<128x128xf32>
    %dot_general3A_1839 = arith.constant dense<0.000000e+00> : vector<128x128xf32>
    %dot_general3A_1840 = tpu.matmul %exp3A_1834, %slice3A_1838, %dot_general3A_1839 {dimension_numbers = #tpu.dot_dimension_numbers<[1], [0], [0], [1], [0, 0, 1, 1], [], []>, transpose_lhs_hint = false} : vector<128x128xf32>, vector<128x128xf32>, vector<128x128xf32> -> vector<128x128xf32>
    %get3A_1841 = arith.constant 7 : index
    %get3A_1842 = arith.constant 5 : index
    %get3A_1843 = arith.constant 0 : index
    %get3A_1844 = arith.constant 0 : index
    %get3A_1845 = vector.load %arg14[%get3A_1841, %get3A_1842, %get3A_1843, %get3A_1844] : memref<8x6x128x128xf32, #tpu.memory_space<vmem>>, vector<1x1x128x128xf32>
    %get3A_1846 = vector.shape_cast %get3A_1845 : vector<1x1x128x128xf32> to vector<128x128xf32>
    %sub3A_1847 = vector.broadcast %max3A_1117 : f32 to vector<128x128xf32>
    %sub3A_1848 = arith.subf %get3A_1846, %sub3A_1847 : vector<128x128xf32>
    %exp3A_1849 = math.exp %sub3A_1848 : vector<128x128xf32>
    %reduce_sum3A_1850 = arith.constant dense<0.000000e+00> : vector<128xf32>
    %reduce_sum3A_1851 = vector.multi_reduction <add>, %exp3A_1849, %reduce_sum3A_1850 [1] : vector<128x128xf32> to vector<128xf32>
    %broadcast_in_dim3A_1852 = vector.shape_cast %reduce_sum3A_1851 : vector<128xf32> to vector<128x1xf32>
    %slice3A_1853 = vector.extract_strided_slice %max3A_159 {offsets = [896, 640], sizes = [128, 128], strides = [1, 1]} : vector<1024x768xf32> to vector<128x128xf32>
    %dot_general3A_1854 = arith.constant dense<0.000000e+00> : vector<128x128xf32>
    %dot_general3A_1855 = tpu.matmul %exp3A_1849, %slice3A_1853, %dot_general3A_1854 {dimension_numbers = #tpu.dot_dimension_numbers<[1], [0], [0], [1], [0, 0, 1, 1], [], []>, transpose_lhs_hint = false} : vector<128x128xf32>, vector<128x128xf32>, vector<128x128xf32> -> vector<128x128xf32>
    %broadcast_in_dim3A_1856 = arith.constant 0.000000e+00 : f32
    %broadcast_in_dim3A_1857 = vector.broadcast %broadcast_in_dim3A_1856 : f32 to vector<128x122xf32>
    %concatenate3A_1858 = tpu.concatenate %broadcast_in_dim3A_1777, %broadcast_in_dim3A_1792, %broadcast_in_dim3A_1807, %broadcast_in_dim3A_1822, %broadcast_in_dim3A_1837, %broadcast_in_dim3A_1852, %broadcast_in_dim3A_1857, %dot_general3A_1780, %dot_general3A_1795, %dot_general3A_1810, %dot_general3A_1825, %dot_general3A_1840, %dot_general3A_1855 in 1 : vector<128x1xf32>, vector<128x1xf32>, vector<128x1xf32>, vector<128x1xf32>, vector<128x1xf32>, vector<128x1xf32>, vector<128x122xf32>, vector<128x128xf32>, vector<128x128xf32>, vector<128x128xf32>, vector<128x128xf32>, vector<128x128xf32>, vector<128x128xf32> -> vector<128x896xf32>
    %concatenate3A_1859 = tpu.concatenate %concatenate3A_1207, %concatenate3A_1300, %concatenate3A_1393, %concatenate3A_1486, %concatenate3A_1579, %concatenate3A_1672, %concatenate3A_1765, %concatenate3A_1858 in 0 : vector<128x896xf32>, vector<128x896xf32>, vector<128x896xf32>, vector<128x896xf32>, vector<128x896xf32>, vector<128x896xf32>, vector<128x896xf32>, vector<128x896xf32> -> vector<1024x896xf32>
    %dot_general3A_1860 = arith.constant dense<0.000000e+00> : vector<1024x896xf32>
    %dot_general3A_1861 = tpu.matmul %concatenate3A_144, %concatenate3A_1859, %dot_general3A_1860 {dimension_numbers = #tpu.dot_dimension_numbers<[1], [0], [0], [1], [0, 0, 1, 1], [], []>, transpose_lhs_hint = false} : vector<1024x1024xf32>, vector<1024x896xf32>, vector<1024x896xf32> -> vector<1024x896xf32>
    %slice3A_1862 = vector.extract_strided_slice %dot_general3A_1861 {offsets = [0, 0], sizes = [1024, 128], strides = [1, 1]} : vector<1024x896xf32> to vector<1024x128xf32>
    %max3A_1863 = arith.constant 1.000000e-30 : f32
    %max3A_1864 = vector.broadcast %max3A_1863 : f32 to vector<1024x128xf32>
    %max3A_1865 = arith.maximumf %slice3A_1862, %max3A_1864 : vector<1024x128xf32>
    %slice3A_1866 = vector.extract_strided_slice %dot_general3A_1861 {offsets = [0, 128], sizes = [1024, 128], strides = [1, 1]} : vector<1024x896xf32> to vector<1024x128xf32>
    %slice3A_1867 = vector.extract_strided_slice %max3A_1865 {offsets = [0, 0], sizes = [1024, 1], strides = [1, 1]} : vector<1024x128xf32> to vector<1024x1xf32>
    %div3A = vector.broadcast %slice3A_1867 : vector<1024x1xf32> to vector<1024x128xf32>
    %div3A_1868 = arith.divf %slice3A_1866, %div3A : vector<1024x128xf32>
    %slice3A_1869 = vector.extract_strided_slice %dot_general3A_1861 {offsets = [0, 256], sizes = [1024, 128], strides = [1, 1]} : vector<1024x896xf32> to vector<1024x128xf32>
    %slice3A_1870 = vector.extract_strided_slice %max3A_1865 {offsets = [0, 1], sizes = [1024, 1], strides = [1, 1]} : vector<1024x128xf32> to vector<1024x1xf32>
    %div3A_1871 = vector.broadcast %slice3A_1870 : vector<1024x1xf32> to vector<1024x128xf32>
    %div3A_1872 = arith.divf %slice3A_1869, %div3A_1871 : vector<1024x128xf32>
    %slice3A_1873 = vector.extract_strided_slice %dot_general3A_1861 {offsets = [0, 384], sizes = [1024, 128], strides = [1, 1]} : vector<1024x896xf32> to vector<1024x128xf32>
    %slice3A_1874 = vector.extract_strided_slice %max3A_1865 {offsets = [0, 2], sizes = [1024, 1], strides = [1, 1]} : vector<1024x128xf32> to vector<1024x1xf32>
    %div3A_1875 = vector.broadcast %slice3A_1874 : vector<1024x1xf32> to vector<1024x128xf32>
    %div3A_1876 = arith.divf %slice3A_1873, %div3A_1875 : vector<1024x128xf32>
    %slice3A_1877 = vector.extract_strided_slice %dot_general3A_1861 {offsets = [0, 512], sizes = [1024, 128], strides = [1, 1]} : vector<1024x896xf32> to vector<1024x128xf32>
    %slice3A_1878 = vector.extract_strided_slice %max3A_1865 {offsets = [0, 3], sizes = [1024, 1], strides = [1, 1]} : vector<1024x128xf32> to vector<1024x1xf32>
    %div3A_1879 = vector.broadcast %slice3A_1878 : vector<1024x1xf32> to vector<1024x128xf32>
    %div3A_1880 = arith.divf %slice3A_1877, %div3A_1879 : vector<1024x128xf32>
    %slice3A_1881 = vector.extract_strided_slice %dot_general3A_1861 {offsets = [0, 640], sizes = [1024, 128], strides = [1, 1]} : vector<1024x896xf32> to vector<1024x128xf32>
    %slice3A_1882 = vector.extract_strided_slice %max3A_1865 {offsets = [0, 4], sizes = [1024, 1], strides = [1, 1]} : vector<1024x128xf32> to vector<1024x1xf32>
    %div3A_1883 = vector.broadcast %slice3A_1882 : vector<1024x1xf32> to vector<1024x128xf32>
    %div3A_1884 = arith.divf %slice3A_1881, %div3A_1883 : vector<1024x128xf32>
    %slice3A_1885 = vector.extract_strided_slice %dot_general3A_1861 {offsets = [0, 768], sizes = [1024, 128], strides = [1, 1]} : vector<1024x896xf32> to vector<1024x128xf32>
    %slice3A_1886 = vector.extract_strided_slice %max3A_1865 {offsets = [0, 5], sizes = [1024, 1], strides = [1, 1]} : vector<1024x128xf32> to vector<1024x1xf32>
    %div3A_1887 = vector.broadcast %slice3A_1886 : vector<1024x1xf32> to vector<1024x128xf32>
    %div3A_1888 = arith.divf %slice3A_1885, %div3A_1887 : vector<1024x128xf32>
    %concatenate3A_1889 = tpu.concatenate %div3A_1868, %div3A_1872, %div3A_1876, %div3A_1880, %div3A_1884, %div3A_1888 in 1 : vector<1024x128xf32>, vector<1024x128xf32>, vector<1024x128xf32>, vector<1024x128xf32>, vector<1024x128xf32>, vector<1024x128xf32> -> vector<1024x768xf32>
    %get3A_1890 = arith.constant 0 : index
    %get3A_1891 = arith.constant 0 : index
    %get3A_1892 = vector.load %arg5[%get3A_1890, %get3A_1891] : memref<768x128xf32, #tpu.memory_space<vmem>>, vector<768x128xf32>
    %dot_general3A_1893 = arith.constant dense<0.000000e+00> : vector<1024x128xf32>
    %dot_general3A_1894 = tpu.matmul %concatenate3A_1889, %get3A_1892, %dot_general3A_1893 {dimension_numbers = #tpu.dot_dimension_numbers<[1], [0], [0], [1], [0, 0, 1, 1], [], []>, transpose_lhs_hint = false} : vector<1024x768xf32>, vector<768x128xf32>, vector<1024x128xf32> -> vector<1024x128xf32>
    %get3A_1895 = arith.constant 0 : index
    %get3A_1896 = arith.constant 0 : index
    %get3A_1897 = vector.load %arg6[%get3A_1895, %get3A_1896] : memref<1x128xf32, #tpu.memory_space<vmem>>, vector<1x128xf32>
    %add3A_1898 = vector.broadcast %get3A_1897 : vector<1x128xf32> to vector<1024x128xf32>
    %add3A_1899 = arith.addf %dot_general3A_1894, %add3A_1898 : vector<1024x128xf32>
    %max3A_1900 = arith.constant 0.000000e+00 : f32
    %max3A_1901 = vector.broadcast %max3A_1900 : f32 to vector<1024x128xf32>
    %max3A_1902 = arith.maximumf %add3A_1899, %max3A_1901 : vector<1024x128xf32>
    %get3A_1903 = arith.constant 0 : index
    %get3A_1904 = arith.constant 0 : index
    %get3A_1905 = vector.load %arg7[%get3A_1903, %get3A_1904] : memref<128x128xf32, #tpu.memory_space<vmem>>, vector<128x128xf32>
    %dot_general3A_1906 = arith.constant dense<0.000000e+00> : vector<1024x128xf32>
    %dot_general3A_1907 = tpu.matmul %max3A_1902, %get3A_1905, %dot_general3A_1906 {dimension_numbers = #tpu.dot_dimension_numbers<[1], [0], [0], [1], [0, 0, 1, 1], [], []>, transpose_lhs_hint = false} : vector<1024x128xf32>, vector<128x128xf32>, vector<1024x128xf32> -> vector<1024x128xf32>
    %get3A_1908 = arith.constant 0 : index
    %get3A_1909 = arith.constant 0 : index
    %get3A_1910 = vector.load %arg8[%get3A_1908, %get3A_1909] : memref<128x128xf32, #tpu.memory_space<vmem>>, vector<128x128xf32>
    %dot_general3A_1911 = arith.constant dense<0.000000e+00> : vector<1024x128xf32>
    %dot_general3A_1912 = tpu.matmul %get3A_1, %get3A_1910, %dot_general3A_1911 {dimension_numbers = #tpu.dot_dimension_numbers<[1], [0], [0], [1], [0, 0, 1, 1], [], []>, transpose_lhs_hint = false} : vector<1024x128xf32>, vector<128x128xf32>, vector<1024x128xf32> -> vector<1024x128xf32>
    %add3A_1913 = arith.addf %dot_general3A_1912, %dot_general3A_1907 : vector<1024x128xf32>
    %reduce_sum3A_1914 = arith.constant dense<0.000000e+00> : vector<1024xf32>
    %reduce_sum3A_1915 = vector.multi_reduction <add>, %add3A_1913, %reduce_sum3A_1914 [1] : vector<1024x128xf32> to vector<1024xf32>
    %broadcast_in_dim3A_1916 = vector.shape_cast %reduce_sum3A_1915 : vector<1024xf32> to vector<1024x1xf32>
    %div3A_1917 = arith.constant 1.280000e+02 : f32
    %div3A_1918 = vector.broadcast %div3A_1917 : f32 to vector<1024x1xf32>
    %div3A_1919 = arith.divf %broadcast_in_dim3A_1916, %div3A_1918 : vector<1024x1xf32>
    %sub3A_1920 = vector.broadcast %div3A_1919 : vector<1024x1xf32> to vector<1024x128xf32>
    %sub3A_1921 = arith.subf %add3A_1913, %sub3A_1920 : vector<1024x128xf32>
    %sub3A_1922 = vector.broadcast %div3A_1919 : vector<1024x1xf32> to vector<1024x128xf32>
    %sub3A_1923 = arith.subf %add3A_1913, %sub3A_1922 : vector<1024x128xf32>
    %mul3A_1924 = arith.mulf %sub3A_1921, %sub3A_1923 : vector<1024x128xf32>
    %reduce_sum3A_1925 = arith.constant dense<0.000000e+00> : vector<1024xf32>
    %reduce_sum3A_1926 = vector.multi_reduction <add>, %mul3A_1924, %reduce_sum3A_1925 [1] : vector<1024x128xf32> to vector<1024xf32>
    %broadcast_in_dim3A_1927 = vector.shape_cast %reduce_sum3A_1926 : vector<1024xf32> to vector<1024x1xf32>
    %div3A_1928 = arith.constant 1.280000e+02 : f32
    %div3A_1929 = vector.broadcast %div3A_1928 : f32 to vector<1024x1xf32>
    %div3A_1930 = arith.divf %broadcast_in_dim3A_1927, %div3A_1929 : vector<1024x1xf32>
    %sub3A_1931 = vector.broadcast %div3A_1919 : vector<1024x1xf32> to vector<1024x128xf32>
    %sub3A_1932 = arith.subf %add3A_1913, %sub3A_1931 : vector<1024x128xf32>
    %add3A_1933 = arith.constant 9.99999974E-6 : f32
    %add3A_1934 = vector.broadcast %add3A_1933 : f32 to vector<1024x1xf32>
    %add3A_1935 = arith.addf %div3A_1930, %add3A_1934 : vector<1024x1xf32>
    %rsqrt3A = math.rsqrt %add3A_1935 : vector<1024x1xf32>
    %mul3A_1936 = vector.broadcast %rsqrt3A : vector<1024x1xf32> to vector<1024x128xf32>
    %mul3A_1937 = arith.mulf %sub3A_1932, %mul3A_1936 : vector<1024x128xf32>
    %get3A_1938 = arith.constant 0 : index
    %get3A_1939 = arith.constant 0 : index
    %get3A_1940 = vector.load %arg9[%get3A_1938, %get3A_1939] : memref<1x128xf32, #tpu.memory_space<vmem>>, vector<1x128xf32>
    %mul3A_1941 = vector.broadcast %get3A_1940 : vector<1x128xf32> to vector<1024x128xf32>
    %mul3A_1942 = arith.mulf %mul3A_1937, %mul3A_1941 : vector<1024x128xf32>
    %get3A_1943 = arith.constant 0 : index
    %get3A_1944 = arith.constant 0 : index
    %get3A_1945 = vector.load %arg10[%get3A_1943, %get3A_1944] : memref<1x128xf32, #tpu.memory_space<vmem>>, vector<1x128xf32>
    %add3A_1946 = vector.broadcast %get3A_1945 : vector<1x128xf32> to vector<1024x128xf32>
    %add3A_1947 = arith.addf %mul3A_1942, %add3A_1946 : vector<1024x128xf32>
    %max3A_1948 = arith.constant 0.000000e+00 : f32
    %max3A_1949 = vector.broadcast %max3A_1948 : f32 to vector<1024x128xf32>
    %max3A_1950 = arith.maximumf %add3A_1947, %max3A_1949 : vector<1024x128xf32>
    %get3A_1951 = arith.constant 0 : index
    %get3A_1952 = arith.constant 0 : index
    %get3A_1953 = vector.load %arg11[%get3A_1951, %get3A_1952] : memref<128x128xf32, #tpu.memory_space<vmem>>, vector<128x128xf32>
    %dot_general3A_1954 = arith.constant dense<0.000000e+00> : vector<1024x128xf32>
    %dot_general3A_1955 = tpu.matmul %max3A_1950, %get3A_1953, %dot_general3A_1954 {dimension_numbers = #tpu.dot_dimension_numbers<[1], [0], [0], [1], [0, 0, 1, 1], [], []>, transpose_lhs_hint = false} : vector<1024x128xf32>, vector<128x128xf32>, vector<1024x128xf32> -> vector<1024x128xf32>
    %iota3A_1956 = tpu.iota {dimensions = array<i32: 0>} : vector<128x128xi32>
    %iota3A_1957 = tpu.iota {dimensions = array<i32: 1>} : vector<128x128xi32>
    %eq3A_1958 = arith.cmpi eq, %iota3A_1956, %iota3A_1957 : vector<128x128xi32>
    %convert_element_type3A_1959 = arith.extui %eq3A_1958 : vector<128x128xi1> to vector<128x128xi32>
    %convert_element_type3A_1960 = arith.sitofp %convert_element_type3A_1959 : vector<128x128xi32> to vector<128x128xf32>
    %concatenate3A_1961 = tpu.concatenate %dot_general3A_1955, %get3A_1 in 1 : vector<1024x128xf32>, vector<1024x128xf32> -> vector<1024x256xf32>
    %concatenate3A_1962 = tpu.concatenate %convert_element_type3A_1960, %convert_element_type3A_1960 in 0 : vector<128x128xf32>, vector<128x128xf32> -> vector<256x128xf32>
    %dot_general3A_1963 = arith.constant dense<0.000000e+00> : vector<1024x128xf32>
    %dot_general3A_1964 = tpu.matmul %concatenate3A_1961, %concatenate3A_1962, %dot_general3A_1963 {dimension_numbers = #tpu.dot_dimension_numbers<[1], [0], [0], [1], [0, 0, 1, 1], [], []>, transpose_lhs_hint = false} : vector<1024x256xf32>, vector<256x128xf32>, vector<1024x128xf32> -> vector<1024x128xf32>
    %dot_general3A_1965 = arith.constant dense<0.000000e+00> : vector<1024x128xf32>
    %dot_general3A_1966 = tpu.matmul %concatenate3A, %dot_general3A_1964, %dot_general3A_1965 {dimension_numbers = #tpu.dot_dimension_numbers<[1], [0], [0], [1], [0, 0, 1, 1], [], []>, transpose_lhs_hint = false} : vector<1024x1024xf32>, vector<1024x128xf32>, vector<1024x128xf32> -> vector<1024x128xf32>
    %max3A_1967 = arith.constant 0.000000e+00 : f32
    %max3A_1968 = vector.broadcast %max3A_1967 : f32 to vector<1024x128xf32>
    %max3A_1969 = arith.maximumf %dot_general3A_1966, %max3A_1968 : vector<1024x128xf32>
    %slice3A_1970 = vector.extract_strided_slice %max3A_1969 {offsets = [0, 0], sizes = [48, 128], strides = [1, 1]} : vector<1024x128xf32> to vector<48x128xf32>
    %swap3A_1971 = arith.constant 0 : index
    %swap3A_1972 = arith.constant 0 : index
    %swap3A_1973 = vector.load %arg12[%swap3A_1971, %swap3A_1972] : memref<384x128xf32, #tpu.memory_space<vmem>>, vector<48x128xf32>
    tpu.vector_store %arg12[%swap3A_1971, %swap3A_1972], %slice3A_1970 {strides = array<i32>} : memref<384x128xf32, #tpu.memory_space<vmem>>, vector<48x128xf32>,
    %slice3A_1974 = vector.extract_strided_slice %max3A_1969 {offsets = [48, 0], sizes = [80, 128], strides = [1, 1]} : vector<1024x128xf32> to vector<80x128xf32>
    %swap3A_1975 = arith.constant 0 : index
    %swap3A_1976 = arith.constant 0 : index
    %swap3A_1977 = vector.load %arg13[%swap3A_1975, %swap3A_1976] : memref<640x128xf32, #tpu.memory_space<vmem>>, vector<80x128xf32>
    tpu.vector_store %arg13[%swap3A_1975, %swap3A_1976], %slice3A_1974 {strides = array<i32>} : memref<640x128xf32, #tpu.memory_space<vmem>>, vector<80x128xf32>,
    %slice3A_1978 = vector.extract_strided_slice %max3A_1969 {offsets = [128, 0], sizes = [48, 128], strides = [1, 1]} : vector<1024x128xf32> to vector<48x128xf32>
    %swap3A_1979 = arith.constant 48 : index
    %swap3A_1980 = arith.constant 0 : index
    %swap3A_1981 = vector.load %arg12[%swap3A_1979, %swap3A_1980] : memref<384x128xf32, #tpu.memory_space<vmem>>, vector<48x128xf32>
    tpu.vector_store %arg12[%swap3A_1979, %swap3A_1980], %slice3A_1978 {strides = array<i32>} : memref<384x128xf32, #tpu.memory_space<vmem>>, vector<48x128xf32>,
    %slice3A_1982 = vector.extract_strided_slice %max3A_1969 {offsets = [176, 0], sizes = [80, 128], strides = [1, 1]} : vector<1024x128xf32> to vector<80x128xf32>
    %swap3A_1983 = arith.constant 80 : index
    %swap3A_1984 = arith.constant 0 : index
    %swap3A_1985 = vector.load %arg13[%swap3A_1983, %swap3A_1984] : memref<640x128xf32, #tpu.memory_space<vmem>>, vector<80x128xf32>
    tpu.vector_store %arg13[%swap3A_1983, %swap3A_1984], %slice3A_1982 {strides = array<i32>} : memref<640x128xf32, #tpu.memory_space<vmem>>, vector<80x128xf32>,
    %slice3A_1986 = vector.extract_strided_slice %max3A_1969 {offsets = [256, 0], sizes = [48, 128], strides = [1, 1]} : vector<1024x128xf32> to vector<48x128xf32>
    %swap3A_1987 = arith.constant 96 : index
    %swap3A_1988 = arith.constant 0 : index
    %swap3A_1989 = vector.load %arg12[%swap3A_1987, %swap3A_1988] : memref<384x128xf32, #tpu.memory_space<vmem>>, vector<48x128xf32>
    tpu.vector_store %arg12[%swap3A_1987, %swap3A_1988], %slice3A_1986 {strides = array<i32>} : memref<384x128xf32, #tpu.memory_space<vmem>>, vector<48x128xf32>,
    %slice3A_1990 = vector.extract_strided_slice %max3A_1969 {offsets = [304, 0], sizes = [80, 128], strides = [1, 1]} : vector<1024x128xf32> to vector<80x128xf32>
    %swap3A_1991 = arith.constant 160 : index
    %swap3A_1992 = arith.constant 0 : index
    %swap3A_1993 = vector.load %arg13[%swap3A_1991, %swap3A_1992] : memref<640x128xf32, #tpu.memory_space<vmem>>, vector<80x128xf32>
    tpu.vector_store %arg13[%swap3A_1991, %swap3A_1992], %slice3A_1990 {strides = array<i32>} : memref<640x128xf32, #tpu.memory_space<vmem>>, vector<80x128xf32>,
    %slice3A_1994 = vector.extract_strided_slice %max3A_1969 {offsets = [384, 0], sizes = [48, 128], strides = [1, 1]} : vector<1024x128xf32> to vector<48x128xf32>
    %swap3A_1995 = arith.constant 144 : index
    %swap3A_1996 = arith.constant 0 : index
    %swap3A_1997 = vector.load %arg12[%swap3A_1995, %swap3A_1996] : memref<384x128xf32, #tpu.memory_space<vmem>>, vector<48x128xf32>
    tpu.vector_store %arg12[%swap3A_1995, %swap3A_1996], %slice3A_1994 {strides = array<i32>} : memref<384x128xf32, #tpu.memory_space<vmem>>, vector<48x128xf32>,
    %slice3A_1998 = vector.extract_strided_slice %max3A_1969 {offsets = [432, 0], sizes = [80, 128], strides = [1, 1]} : vector<1024x128xf32> to vector<80x128xf32>
    %swap3A_1999 = arith.constant 240 : index
    %swap3A_2000 = arith.constant 0 : index
    %swap3A_2001 = vector.load %arg13[%swap3A_1999, %swap3A_2000] : memref<640x128xf32, #tpu.memory_space<vmem>>, vector<80x128xf32>
    tpu.vector_store %arg13[%swap3A_1999, %swap3A_2000], %slice3A_1998 {strides = array<i32>} : memref<640x128xf32, #tpu.memory_space<vmem>>, vector<80x128xf32>,
    %slice3A_2002 = vector.extract_strided_slice %max3A_1969 {offsets = [512, 0], sizes = [48, 128], strides = [1, 1]} : vector<1024x128xf32> to vector<48x128xf32>
    %swap3A_2003 = arith.constant 192 : index
    %swap3A_2004 = arith.constant 0 : index
    %swap3A_2005 = vector.load %arg12[%swap3A_2003, %swap3A_2004] : memref<384x128xf32, #tpu.memory_space<vmem>>, vector<48x128xf32>
    tpu.vector_store %arg12[%swap3A_2003, %swap3A_2004], %slice3A_2002 {strides = array<i32>} : memref<384x128xf32, #tpu.memory_space<vmem>>, vector<48x128xf32>,
    %slice3A_2006 = vector.extract_strided_slice %max3A_1969 {offsets = [560, 0], sizes = [80, 128], strides = [1, 1]} : vector<1024x128xf32> to vector<80x128xf32>
    %swap3A_2007 = arith.constant 320 : index
    %swap3A_2008 = arith.constant 0 : index
    %swap3A_2009 = vector.load %arg13[%swap3A_2007, %swap3A_2008] : memref<640x128xf32, #tpu.memory_space<vmem>>, vector<80x128xf32>
    tpu.vector_store %arg13[%swap3A_2007, %swap3A_2008], %slice3A_2006 {strides = array<i32>} : memref<640x128xf32, #tpu.memory_space<vmem>>, vector<80x128xf32>,
    %slice3A_2010 = vector.extract_strided_slice %max3A_1969 {offsets = [640, 0], sizes = [48, 128], strides = [1, 1]} : vector<1024x128xf32> to vector<48x128xf32>
    %swap3A_2011 = arith.constant 240 : index
    %swap3A_2012 = arith.constant 0 : index
    %swap3A_2013 = vector.load %arg12[%swap3A_2011, %swap3A_2012] : memref<384x128xf32, #tpu.memory_space<vmem>>, vector<48x128xf32>
    tpu.vector_store %arg12[%swap3A_2011, %swap3A_2012], %slice3A_2010 {strides = array<i32>} : memref<384x128xf32, #tpu.memory_space<vmem>>, vector<48x128xf32>,
    %slice3A_2014 = vector.extract_strided_slice %max3A_1969 {offsets = [688, 0], sizes = [80, 128], strides = [1, 1]} : vector<1024x128xf32> to vector<80x128xf32>
    %swap3A_2015 = arith.constant 400 : index
    %swap3A_2016 = arith.constant 0 : index
    %swap3A_2017 = vector.load %arg13[%swap3A_2015, %swap3A_2016] : memref<640x128xf32, #tpu.memory_space<vmem>>, vector<80x128xf32>
    tpu.vector_store %arg13[%swap3A_2015, %swap3A_2016], %slice3A_2014 {strides = array<i32>} : memref<640x128xf32, #tpu.memory_space<vmem>>, vector<80x128xf32>,
    %slice3A_2018 = vector.extract_strided_slice %max3A_1969 {offsets = [768, 0], sizes = [48, 128], strides = [1, 1]} : vector<1024x128xf32> to vector<48x128xf32>
    %swap3A_2019 = arith.constant 288 : index
    %swap3A_2020 = arith.constant 0 : index
    %swap3A_2021 = vector.load %arg12[%swap3A_2019, %swap3A_2020] : memref<384x128xf32, #tpu.memory_space<vmem>>, vector<48x128xf32>
    tpu.vector_store %arg12[%swap3A_2019, %swap3A_2020], %slice3A_2018 {strides = array<i32>} : memref<384x128xf32, #tpu.memory_space<vmem>>, vector<48x128xf32>,
    %slice3A_2022 = vector.extract_strided_slice %max3A_1969 {offsets = [816, 0], sizes = [80, 128], strides = [1, 1]} : vector<1024x128xf32> to vector<80x128xf32>
    %swap3A_2023 = arith.constant 480 : index
    %swap3A_2024 = arith.constant 0 : index
    %swap3A_2025 = vector.load %arg13[%swap3A_2023, %swap3A_2024] : memref<640x128xf32, #tpu.memory_space<vmem>>, vector<80x128xf32>
    tpu.vector_store %arg13[%swap3A_2023, %swap3A_2024], %slice3A_2022 {strides = array<i32>} : memref<640x128xf32, #tpu.memory_space<vmem>>, vector<80x128xf32>,
    %slice3A_2026 = vector.extract_strided_slice %max3A_1969 {offsets = [896, 0], sizes = [48, 128], strides = [1, 1]} : vector<1024x128xf32> to vector<48x128xf32>
    %swap3A_2027 = arith.constant 336 : index
    %swap3A_2028 = arith.constant 0 : index
    %swap3A_2029 = vector.load %arg12[%swap3A_2027, %swap3A_2028] : memref<384x128xf32, #tpu.memory_space<vmem>>, vector<48x128xf32>
    tpu.vector_store %arg12[%swap3A_2027, %swap3A_2028], %slice3A_2026 {strides = array<i32>} : memref<384x128xf32, #tpu.memory_space<vmem>>, vector<48x128xf32>,
    %slice3A_2030 = vector.extract_strided_slice %max3A_1969 {offsets = [944, 0], sizes = [80, 128], strides = [1, 1]} : vector<1024x128xf32> to vector<80x128xf32>
    %swap3A_2031 = arith.constant 560 : index
    %swap3A_2032 = arith.constant 0 : index
    %swap3A_2033 = vector.load %arg13[%swap3A_2031, %swap3A_2032] : memref<640x128xf32, #tpu.memory_space<vmem>>, vector<80x128xf32>
    tpu.vector_store %arg13[%swap3A_2031, %swap3A_2032], %slice3A_2030 {strides = array<i32>} : memref<640x128xf32, #tpu.memory_space<vmem>>, vector<80x128xf32>,
    return
  }
}

</mosaic_0001>

<sc_bundles>
// kernel: kernel.4.cloned.1.call-start
scs
__scs_entry_jumppad:
0x0: {  	(pc) =	sbr.rel $0x88, $3  }
0x1: {  	(tag) =	ssettag $0x0;
	lr =	simm.s32 $0x1  }
0x2: {  	[smem:$0x3F90] =	sst lr;
	_ =	strace $0xD0000000  }
0x3: {  	_ = 	snop  }
0x4: {  	_ = 	snop  }
0x5: {  	_ = 	snop  }
0x6: {  	_ = 	snop  }
0x7: {  	_ = 	snop  }
__scs_overlays_trampoline_lowered:
0x8: {  	[smem:$0x3F9F] =	sst s0  }
0x9: {  	[smem:$0x3FA0] =	sst s1  }
0xa: {  	[smem:$0x3FA1] =	sst s2  }
0xb: {  	[smem:$0x3FA2] =	sst s3  }
0xc: {  	[smem:$0x3FA3] =	sst s4  }
0xd: {  	[smem:$0x3FA4] =	sst s5  }
0xe: {  	[smem:$0x3FA5] =	sst s6  }
0xf: {  	[smem:$0x3FA6] =	sst s7  }
0x10: {  	[smem:$0x3FA7] =	sst s8  }
0x11: {  	[smem:$0x3FA8] =	sst s9;
	s0 =	simm.s32 @!p0 $0x0  }
0x12: {  	s1 =	sld [smem:$0x3F8E];
	s0 =	simm.s32 @p0 $0x1  }
0x13: {  	[smem:$0x3FA9] =	sst s0;
	s0 =	simm.s32 @!p1 $0x0  }
0x14: {  	s2 =	sld [smem:$0x3F8D];
	s0 =	simm.s32 @p1 $0x1  }
0x15: {  	[smem:$0x3FAA] =	sst s0;
	s0 =	simm.s32 @!p2 $0x0  }
0x16: {  	s3 =	sld [smem:$0x3FDB];
	s0 =	simm.s32 @p2 $0x1  }
0x17: {  	s4 =	simm.s32 $0x1BF5;
	[smem:$0x3FAC] =	sst s0  }
0x18: {  	s0 =	sld [smem:$0x3F8F];
	_ =	swait.ge [sflag:s4], $0x0  }
0x19: {  	s7 =	sld [smem:$0x3F90]  }
0x1a: {  	s8 =	sadd.s32 $0xFFFFE003, lr  }
0x1b: {  	s9 =	sadd.s32 $0xFFFFFEF7, lr;
	s5 =	simm.s32 $0xFFFFFFFF;
	p2 =	slt.u32 s8, $0xFFFFF086  }
0x1c: {  	p1 =	slt.u32 s9, $0xF7A;
	s5 =	simm.s32 @!p2 $0x0  }
0x1d: {  	s5 =	simm.s32 @p1 $0x1;
	p0 =	seq.s32 s7, s2  }
0x1e: {  	s7 =	smul.u32 @!p0 $0xF7A, s2;
	p2 =	seq.s32 @!p0 s5, $0x0  }
0x1f: {  	s9 =	smul.u32 $0xF7A, s1;
	s8 =	simm.s32 @!p0 $0x1BF5;
	p2 =	por !p2, p0  }
0x20: {  	[sflag:s8] =	ssyncset.s32 @!p0 $0xFFFFF086;
	s6 =	sadd.s32 @!p0 s3, s7;
	s7 =	simm.s32 @!p0 $0x108  }
0x21: {  	s3 =	sadd.s32 s3, s9;
	s6 =	sadd.s32 @!p0 $0x88, s6;
	s7 =	simm.s32 @p2 $0x1082  }
0x22: {  	[simem:s7], [sflag:s8] =	dma.local @!p0 [hbm:s6], $0xF7A  }
0x23: {  	s9 =	sor.u32 $0xD0000000, s2;
	s6 =	simm.s32 $0x108;
	_ =	swait.ge @!p0 [sflag:s8], $0x0  }
0x24: {  	s3 =	sadd.s32 $0x88, s3;
	s6 =	simm.s32 @!p1 $0x1082;
	[sflag:s4] =	ssyncset.s32 $0xFFFFF086  }
0x25: {  	[simem:s6], [sflag:s4] =	dma.local [hbm:s3], $0xF7A  }
0x26: {  	[smem:$0x3F90] =	sst s1;
	(tag) =	ssettag s2;
	_ =	strace s9  }
0x27: {  	s1 =	sld [smem:$0x3FA0]  }
0x28: {  	s2 =	sld [smem:$0x3FA1]  }
0x29: {  	s4 =	sld [smem:$0x3FA3]  }
0x2a: {  	p0 =	seq.s32 s5, $0x0;
	s5 =	sld [smem:$0x3FA4]  }
0x2b: {  	s6 =	sld [smem:$0x3FA5]  }
0x2c: {  	s7 =	sld [smem:$0x3FA6]  }
0x2d: {  	s3 =	simm.s32 $0x108;
	s8 =	sld [smem:$0x3FA7]  }
0x2e: {  	s3 =	simm.s32 @!p0 $0x1082;
	s9 =	sld [smem:$0x3FA8]  }
0x2f: {  	lr =	sadd.s32 s0, s3;
	s0 =	sld [smem:$0x3F9F]  }
0x30: {  	s3 =	sld [smem:$0x3FA2]  }
0x31: {  	[smem:$0x3FAB] =	sst s10  }
0x32: {  	s10 =	sld [smem:$0x3FA9];
	_ =	sdelay $0x3  }
0x33: {  	p0 =	seq.s32 s10, $0x1;
	s10 =	sld [smem:$0x3FAB];
	_ =	sdelay $0x3  }
0x34: {  	[smem:$0x3FAB] =	sst s10  }
0x35: {  	s10 =	sld [smem:$0x3FAA];
	_ =	sdelay $0x3  }
0x36: {  	p1 =	seq.s32 s10, $0x1;
	s10 =	sld [smem:$0x3FAB];
	_ =	sdelay $0x3  }
0x37: {  	[smem:$0x3FAB] =	sst s10  }
0x38: {  	s10 =	sld [smem:$0x3FAC]  }
0x39: {  	_ = 	snop;
	(pc) =	sbr.ind lr, $3  }
0x3a: {  	_ = 	snop  }
0x3b: {  	_ = 	snop  }
0x3c: {  	p2 =	seq.s32 s10, $0x1;
	s10 =	sld [smem:$0x3FAB]  }
0x3d: {  	_ =	shalt  }
0x3e: {  	_ =	shalt  }
0x3f: {  	_ =	shalt  }
0x40: {  	_ =	shalt  }
0x41: {  	_ =	shalt  }
0x42: {  	_ =	shalt  }
0x43: {  	_ =	shalt  }
0x44: {  	_ =	shalt  }
0x45: {  	_ =	shalt  }
0x46: {  	_ =	shalt  }
0x47: {  	_ =	shalt  }
0x48: {  	_ =	shalt  }
0x49: {  	_ =	shalt  }
0x4a: {  	_ =	shalt  }
0x4b: {  	_ =	shalt  }
0x4c: {  	_ =	shalt  }
0x4d: {  	_ =	shalt  }
0x4e: {  	_ =	shalt  }
0x4f: {  	_ =	shalt  }
0x50: {  	_ =	shalt  }
0x51: {  	_ =	shalt  }
0x52: {  	_ =	shalt  }
0x53: {  	_ =	shalt  }
0x54: {  	_ =	shalt  }
0x55: {  	_ =	shalt  }
0x56: {  	_ =	shalt  }
0x57: {  	_ =	shalt  }
0x58: {  	_ =	shalt  }
0x59: {  	_ =	shalt  }
0x5a: {  	_ =	shalt  }
0x5b: {  	_ =	shalt  }
0x5c: {  	_ =	shalt  }
0x5d: {  	_ =	shalt  }
0x5e: {  	_ =	shalt  }
0x5f: {  	_ =	shalt  }
0x60: {  	_ =	shalt  }
0x61: {  	_ =	shalt  }
0x62: {  	_ =	shalt  }
0x63: {  	_ =	shalt  }
0x64: {  	_ =	shalt  }
0x65: {  	_ =	shalt  }
0x66: {  	_ =	shalt  }
0x67: {  	_ =	shalt  }
0x68: {  	_ =	shalt  }
0x69: {  	_ =	shalt  }
0x6a: {  	_ =	shalt  }
0x6b: {  	_ =	shalt  }
0x6c: {  	_ =	shalt  }
0x6d: {  	_ =	shalt  }
0x6e: {  	_ =	shalt  }
0x6f: {  	_ =	shalt  }
0x70: {  	_ =	shalt  }
0x71: {  	_ =	shalt  }
0x72: {  	_ =	shalt  }
0x73: {  	_ =	shalt  }
0x74: {  	_ =	shalt  }
0x75: {  	_ =	shalt  }
0x76: {  	_ =	shalt  }
0x77: {  	_ =	shalt  }
0x78: {  	_ =	shalt  }
0x79: {  	_ =	shalt  }
0x7a: {  	_ =	shalt  }
0x7b: {  	_ =	shalt  }
0x7c: {  	_ =	shalt  }
0x7d: {  	_ =	shalt  }
0x7e: {  	_ =	shalt  }
0x7f: {  	_ =	shalt  }
0x80: {  	_ =	shalt  }
0x81: {  	_ =	shalt  }
0x82: {  	_ =	shalt  }
0x83: {  	_ =	shalt  }
0x84: {  	_ =	shalt  }
0x85: {  	_ =	shalt  }
0x86: {  	_ =	shalt  }
0x87: {  	_ =	shalt  }
.Lfunc_end0:
.L_simem_size_0:
called_computation_lowered:
.L_overlay_start_0:
0x88: {  	s0 =	sld [smem:$0x3FD9]  }
0x89: {  	s1 =	sld [smem:$0x3FFE];
	_ =	sdelay $0x3  }
0x8a: {  	s0 =	sadd.s32 s1, s0  }
0x8b: {  	[smem:$0x3FB7] =	sst s0  }
0x8c: {  	_ = 	snop  }
0x8d: {  	s0 =	sld [smem:$0x3FD0];
	_ =	sdelay $0x2  }
0x8e: {  	s13 =	simm.s32 $0xA;
	s2 =	simm.s32 $0x10  }
0x8f: {  	[smem:s2], [sflag:s13] =	dma.local [hbm:s0], $0x1  }
0x90: {  	_ =	swait.eq [sflag:s13], $0x1  }
0x91: {  	[sflag:s13] =	ssyncset.done $0x0  }
0x92: {  	[sflag:s13] =	ssyncadd.s32 $0xFFFFFFFF  }
0x93: {  	s14 =	sld [smem:$0x10];
	(tm) =	ssettm $0x1  }
0x94: {  	s15 =	sld [smem:$0x3FFB];
	_ =	sdelay $0x3  }
0x95: {  	_ =	strace s15  }
0x96: {  	s1 =	sld [smem:$0x3FFC];
	_ =	sdelay $0x3  }
0x97: {  	_ =	strace s1  }
0x98: {  	s1 =	sld [smem:$0x3FFD];
	_ =	sdelay $0x3  }
0x99: {  	_ =	strace s1  }
0x9a: {  	_ =	strace $0x8FFFFFFF  }
0x9b: {  	s16 =	sld [smem:$0x3FDB];
	_ =	sdelay $0x1  }
0x9c: {  	s17 =	simm.s32 $_scs_section_size  }
0x9d: {  	s3 =	simm.s32 $_size__tile_overlayer_lowered;
	s4 =	simm.s32 $_tile_overlayer_lowered  }
0x9e: {  	s20 =	simm.s32 $0x1BFF;
	s19 =	sshll.u32 s4, $0x1;
	s1 =	sadd.s32 s17, s16  }
0x9f: {  	s5 =	simm.s32 $0x0;
	s18 =	sshll.u32 s3, $0x1;
	s3 =	sadd.s32 s19, s1  }
0xa0: {  	[timem:s5], [sflag:s20] =	dma.local [hbm:s3], s18  }
0xa1: {  	_ =	swait.ge [sflag:s20], s18  }
0xa2: {  	s2 =	ssub.s32 $0x0, s18;
	[sflag:s20] =	ssyncset.done $0x0  }
0xa3: {  	[sflag:s20] =	ssyncadd.s32 s2;
	_ =	sdelay $0x1  }
0xa4: {  	s21 =	simm.s32 $0x1B8B  }
0xa5: {  	_ =	swait.ge [sflag:s21], $0x1  }
0xa6: {  	[sflag:s21] =	ssyncset.done $0x0  }
0xa7: {  	s23 =	simm.s32 $0x1B8E;
	s22 =	sld [smem:$0x3FFE];
	[sflag:s21] =	ssyncadd.s32 $0xFFFFFFFF  }
0xa8: {  	s24 =	simm.s32 $execute0_lowered;
	[smem:$0x3FD2] =	sst s23  }
0xa9: {  	s3 =	sshll.u32 s24, $0x1;
	_ =	strace $0x80000046;
	[dreg:$0x1] =	wrdreg $0xFFFFFFFF  }
0xaa: {  	s25 =	simm.s32 $_size_execute0_lowered;
	s1 =	sadd.s32 s1, s3;
	[dreg:$0x0] =	wrdreg $0x0  }
0xab: {  	s3 =	sshll.u32 s25, $0x1;
	[dreg:$0x2] =	wrdreg s1  }
0xac: {  	[dreg:$0x3] =	wrdreg s3  }
0xad: {  	[dreg:$0x4] =	wrdreg $0xC0  }
0xae: {  	_ =	task [dreg:s5], $0x5FFFF  }
0xaf: {  	[dreg:$0x1] =	wrdreg $0xFFFFFFFF  }
0xb0: {  	[dreg:$0x0] =	wrdreg $0x60  }
0xb1: {  	[dreg:$0x2] =	wrdreg s22  }
0xb2: {  	[dreg:$0x3] =	wrdreg s14  }
0xb3: {  	[dreg:$0x4] =	wrdreg $0x9  }
0xb4: {  	_ =	task.clear_ibuf [dreg:s5], $0x5FFFF;
	_ =	strace $0x90000046  }
0xb5: {  	s26 =	simm.s32 $0x9;
	_ =	strace $0x80000048  }
0xb6: {  	_ =	swait.ge [sflag:s26], $0x1  }
0xb7: {  	[sflag:s26] =	ssyncadd.s32 $0xFFFFFFFF  }
0xb8: {  	_ =	strace $0x90000048  }
0xb9: {  	_ =	sfence  }
0xba: {  	s28 =	sld [smem:$0x0];
	_ =	sdelay $0x1  }
0xbb: {  	s29 =	srdreg.scid  }
0xbc: {  	s30 =	sshll.u32 s29, $0xD;
	s31 =	sshrl.u32 s29, $0x2  }
0xbd: {  	s2 =	sand.u32 $0x4000, s30;
	s1 =	sand.u32 $0x1, s29;
	s0 =	sadd.s32 s31, s28  }
0xbe: {  	s1 =	sor.u32 s2, s1;
	s0 =	sshll.u32 s0, $0x11  }
0xbf: {  	s0 =	sor.u32 s0, s1  }
0xc0: {  	s0 =	sadd.s32 $0x8F2B, s0  }
0xc1: {  	[sflag:s0] =	ssyncadd.remote.s32 $0x1  }
0xc2: {  	_ =	sfence.sel $0xFFFF  }
0xc3: {  	[dreg:$0x0] =	wrdreg $0xFFFFFFFF;
	(pc) =	sbr.abs _section_cstart, $3  }
0xc4: {  	[dreg:$0x1] =	wrdreg $0xFFFFFFFF  }
0xc5: {  	_ =	task.clear_ibuf [dreg:s5], $0x2FFFF;
	_ =	strace $0x9FFFFFFF  }
0xc6: {  	(tm) =	ssettm $0x7FFFFFFF  }
0xc7: {  	_ =	shalt  }
tec
execute0_lowered:
.L_overlay_start_1:
0x0: {  	(tag) =	ssettag $0x1  }
0x1: {  	s0 =	rddreg [dreg:$0x0]  }
0x2: {  	s1 =	rddreg [dreg:$0x1]  }
0x3: {  	s2 =	rddreg [dreg:$0x2];
	s3 =	simm.s32 $0x0;
	s4 =	stileid.u32  }
0x4: {  	[smem:$0x7FF] =	sst s3;
	s5 =	sshll.u32 s4, $0x3  }
0x5: {  	s28 =	simm.s32 $0x2;
	_ =	strace $0x80000047;
	s1 =	sadd.s32 s1, s5  }
0x6: {  	[tilespmem:s3], [sflag:$0x2] =	stream.linear.gather [hbm4b:s1+s3], $0x40, $0x38;
	[tilespmem:$0x2080] =	vst v63  }
0x7: {  	_ =	swait.ge [sflag:s28], $0x40  }
0x8: {  	s6 =	simm.s32 $0x40;
	s7 =	simm.s32 $0x80;
	[sflag:s28] =	ssyncset.done $0x0  }
0x9: {  	s30 =	simm.s32 $0x1;
	s29 =	sadd.s32 $0x2600, s0;
	[sflag:s28] =	ssyncadd.s32 $0xFFFFFFC0  }
0xa: {  	[tilespmem:s7], [sflag:$0x1] =	stream.indirect.gather [hbm4b:s29+s6], $0x80, s3, s6, $0xb8;
	[tilespmem:$0x2080] =	vst v63  }
0xb: {  	s31 =	sshll.u32 s4, $0xA;
	_ =	swait.ge [sflag:s30], $0x2000  }
0xc: {  	s0 =	sadd.s32 s31, s0;
	[sflag:s30] =	ssyncset.done $0x0  }
0xd: {  	s0 =	sadd.s32 $0x6600, s0;
	[sflag:s30] =	ssyncadd.s32 $0xFFFFE000  }
0xe: {  	[hbm4b:s0+s3] =	stream.linear.scatter [tilespmem:s7], [sflag:$0x2], $0x2000, $0x38;
	[tilespmem:$0x2080] =	vst v63  }
0xf: {  	_ =	swait.ge [sflag:s28], $0x2000  }
0x10: {  	[sflag:s28] =	ssyncset.done $0x0  }
0x11: {  	[sflag:s28] =	ssyncadd.s32 $0xFFFFE000  }
0x12: {  	_ =	sfence.sel $0x180000  }
0x13: {  	[bflag:$0x0] =	sbarrier.arrive $0xFFFF  }
0x14: {  	p0 =	sne.s32 s4, $0x0;
	_ =	strace $0x90000047  }
0x15: {  	s0 =	sadd.s32 @!p0 $0x100000, s2;
	[bflag:$0x2] =	sbarrier.arrive $0xFFFF  }
0x16: {  	[sflag:s0] =	ssyncadd.tile.s32 @!p0 $0x1;
	_ =	shalt  }
.Lfunc_end2:
_tile_overlayer_lowered:
.L_overlay_start_2:
0x17: {  	(tag) =	ssettag $0x2  }
0x18: {  	s0 =	rddreg [dreg:$0x0];
	s2 =	stileid.u32  }
0x19: {  	s1 =	rddreg [dreg:$0x1];
	p0 =	sne.s32 s2, $0x0  }
0x1a: {  	s3 =	rddreg [dreg:$0x2];
	[bflag:$0x3] =	sbarrier.arrive $0xFFFF;
	s2 =	simm.s32 @!p0 $0x1C02  }
0x1b: {  	[timem:s3], [sflag:s2] =	dma.local @!p0 [hbm:s0], s1  }
0x1c: {  	s0 =	simm.s32 @!p0 $0x2  }
0x1d: {  	_ =	swait.ge @!p0 [sflag:s0], s1  }
0x1e: {  	s1 =	ssub.s32 @!p0 $0x0, s1;
	[sflag:s0] =	ssyncset.done @!p0 $0x0  }
0x1f: {  	[sflag:s0] =	ssyncadd.s32 @!p0 s1  }
0x20: {  	[bflag:$0x3] =	sbarrier.arrive $0xFFFF  }
0x21: {  	_ =	shalt  }

</sc_bundles>
